<compile_context>
chip_gen: v7x
topology: tpu7x:2x2x1
jax: 0.10.2.dev20260603
libtpu: 0.0.44.dev20260713+nightly
codegen_flags: <defaults>
</compile_context>

<pallas_src>
import dataclasses

import jax
import jax.numpy as jnp
from jax import lax
from jax.experimental import pallas as pl
from jax.experimental.pallas import tpu as pltpu
from jax.experimental.pallas import tpu_sc as plsc

N_NODES = 10000
N_EDGES = 160000
EMBED = 256
H = 8
DK = 64
DV = 64

CHUNK = 64
N_CHUNKS = N_EDGES // CHUNK
NW = 32
CPW = (N_CHUNKS + NW - 1) // NW
NPASS = 4
PCOLS = 2 * DK
UROW = PCOLS + 16
NPAD = 10240
RSUB = NPAD // 16
ZROWS = 128

_ROW_BLK = 1000


def _qkv_kernel(h_ref, wq_ref, wk_ref, wv_ref, oq_ref, ok_ref, ov_ref):
    hb = h_ref[...]
    dn = (((1,), (0,)), ((), ()))
    oq_ref[...] = lax.dot_general(hb, wq_ref[...], dn,
                                  preferred_element_type=jnp.float32,
                                  precision=lax.Precision.HIGHEST)
    ok_ref[...] = lax.dot_general(hb, wk_ref[...], dn,
                                  preferred_element_type=jnp.float32,
                                  precision=lax.Precision.HIGHEST)
    ov_ref[...] = lax.dot_general(hb, wv_ref[...], dn,
                                  preferred_element_type=jnp.float32,
                                  precision=lax.Precision.HIGHEST)


def _edge_kernel(q4, k4, v4, src_hbm, dst_hbm, zeros_hbm, u_hbm,
                 sidx, didx, qgidx, sgidx, qrows, krows, vrows, msg,
                 ushared, sem_q, sem_k, sem_v):
    core = lax.axis_index("c")
    sid = lax.axis_index("s")
    wid = sid * 2 + core
    lanes = lax.iota(jnp.int32, 16)

    for p in range(NPASS):
        for b in range(RSUB // ZROWS):
            pltpu.sync_copy(zeros_hbm,
                            ushared.at[pl.ds(sid * RSUB + b * ZROWS, ZROWS)])
        plsc.subcore_barrier()

        @pl.loop(0, CPW)
        def _chunks(r):
            c = wid + r * NW

            @pl.when(c < N_CHUNKS)
            def _():
                pltpu.sync_copy(src_hbm.at[pl.ds(c * CHUNK, CHUNK)], sidx)
                pltpu.sync_copy(dst_hbm.at[pl.ds(c * CHUNK, CHUNK)], didx)
                for b in range(CHUNK // 16):
                    sl = pl.ds(b * 16, 16)
                    qgidx[sl] = didx[sl] * NPASS + p
                    sgidx[sl] = sidx[sl] * NPASS + p
                cq = pltpu.async_copy(q4.at[qgidx], qrows, sem_q)
                ck = pltpu.async_copy(k4.at[sgidx], krows, sem_k)
                cv = pltpu.async_copy(v4.at[sgidx], vrows, sem_v)
                cq.wait()
                ck.wait()
                cv.wait()

                @pl.loop(0, 1)
                def _edges(e):
                    pr = [qrows[e, pl.ds(t * 16, 16)] * krows[e, pl.ds(t * 16, 16)]
                          for t in range(8)]
                    s_a = jnp.sum((pr[0] + pr[1]) + (pr[2] + pr[3])) * 0.125
                    s_b = jnp.sum((pr[4] + pr[5]) + (pr[6] + pr[7])) * 0.125
                    exa = jnp.exp(jnp.full((16,), s_a, jnp.float32))
                    exb = jnp.exp(jnp.full((16,), s_b, jnp.float32))
                    for t in range(8):
                        sl = pl.ds(t * 16, 16)
                        msg[e, sl] = vrows[e, sl] * (exa if t < 4 else exb)
                    msg[e, pl.ds(PCOLS, 16)] = jnp.where(lanes < 8, exa, exb)


        plsc.subcore_barrier()

        @pl.when(sid < 15)
        def _wb_full():
            pltpu.sync_copy(ushared.at[pl.ds(sid * RSUB, RSUB)],
                            u_hbm.at[core, p, pl.ds(sid * RSUB, RSUB)])

        @pl.when(sid == 15)
        def _wb_tail():
            pltpu.sync_copy(ushared.at[pl.ds(15 * RSUB, N_NODES - 15 * RSUB)],
                            u_hbm.at[core, p, pl.ds(15 * RSUB, N_NODES - 15 * RSUB)])

        plsc.subcore_barrier()


def _out_ln_kernel(u_ref, h_ref, wo_ref, g_ref, b_ref, o_ref):
    u = u_ref[...]
    us = u[0] + u[1]
    parts = []
    for p in range(NPASS):
        for hh in range(2):
            num = us[p, :, hh * DK:(hh + 1) * DK]
            den = us[p, :, PCOLS + hh * 8:PCOLS + hh * 8 + 1]
            parts.append(jnp.where(den > 0, num / den, 0.0))
    agg = jnp.concatenate(parts, axis=1)
    out = lax.dot_general(agg, wo_ref[...], (((1,), (0,)), ((), ())),
                          preferred_element_type=jnp.float32,
                          precision=lax.Precision.HIGHEST)
    y = out + h_ref[...]
    mu = jnp.mean(y, axis=-1, keepdims=True)
    var = jnp.mean((y - mu) ** 2, axis=-1, keepdims=True)
    ynorm = (y - mu) * lax.rsqrt(var + 1e-5)
    o_ref[...] = ynorm * g_ref[...] + b_ref[...]


def kernel(h, edge_index, Wq, Wk, Wv, Wo, gamma, beta):
    N = h.shape[0]
    src = edge_index[0].astype(jnp.int32)
    dst = edge_index[1].astype(jnp.int32)

    nblk = N // _ROW_BLK
    q, k, v = pl.pallas_call(
        _qkv_kernel,
        grid=(nblk,),
        in_specs=[
            pl.BlockSpec((_ROW_BLK, EMBED), lambda i: (i, 0)),
            pl.BlockSpec((EMBED, H * DK), lambda i: (0, 0)),
            pl.BlockSpec((EMBED, H * DK), lambda i: (0, 0)),
            pl.BlockSpec((EMBED, H * DV), lambda i: (0, 0)),
        ],
        out_specs=[
            pl.BlockSpec((_ROW_BLK, H * DK), lambda i: (i, 0)),
            pl.BlockSpec((_ROW_BLK, H * DK), lambda i: (i, 0)),
            pl.BlockSpec((_ROW_BLK, H * DV), lambda i: (i, 0)),
        ],
        out_shape=[
            jax.ShapeDtypeStruct((N, H * DK), jnp.float32),
            jax.ShapeDtypeStruct((N, H * DK), jnp.float32),
            jax.ShapeDtypeStruct((N, H * DV), jnp.float32),
        ],
    )(h, Wq, Wk, Wv)

    q4 = q.reshape(N * NPASS, PCOLS)
    k4 = k.reshape(N * NPASS, PCOLS)
    v4 = v.reshape(N * NPASS, PCOLS)

    mesh = plsc.VectorSubcoreMesh(core_axis_name="c", subcore_axis_name="s")
    cp = pltpu.CompilerParams()
    fields = pltpu.CompilerParams.__dataclass_fields__
    if "needs_layout_passes" in fields:
        cp = dataclasses.replace(cp, needs_layout_passes=False)
    if "use_tc_tiling_on_sc" in fields:
        cp = dataclasses.replace(cp, use_tc_tiling_on_sc=False)
    edge_k = pl.kernel(
        _edge_kernel,
        out_type=jax.ShapeDtypeStruct((2, NPASS, N_NODES, UROW), jnp.float32),
        mesh=mesh,
        compiler_params=cp,
        scratch_types=[
            pltpu.VMEM((CHUNK,), jnp.int32),
            pltpu.VMEM((CHUNK,), jnp.int32),
            pltpu.VMEM((CHUNK,), jnp.int32),
            pltpu.VMEM((CHUNK,), jnp.int32),
            pltpu.VMEM((CHUNK, PCOLS), jnp.float32),
            pltpu.VMEM((CHUNK, PCOLS), jnp.float32),
            pltpu.VMEM((CHUNK, PCOLS), jnp.float32),
            pltpu.VMEM((CHUNK, UROW), jnp.float32),
            pltpu.VMEM_SHARED((NPAD, UROW), jnp.float32),
            pltpu.SemaphoreType.DMA,
            pltpu.SemaphoreType.DMA,
            pltpu.SemaphoreType.DMA,
        ],
    )
    zeros = jnp.zeros((ZROWS, UROW), jnp.float32)
    u = edge_k(q4, k4, v4, src, dst, zeros)

    out = pl.pallas_call(
        _out_ln_kernel,
        grid=(nblk,),
        in_specs=[
            pl.BlockSpec((2, NPASS, _ROW_BLK, UROW), lambda i: (0, 0, i, 0)),
            pl.BlockSpec((_ROW_BLK, EMBED), lambda i: (i, 0)),
            pl.BlockSpec((H * DV, EMBED), lambda i: (0, 0)),
            pl.BlockSpec((1, EMBED), lambda i: (0, 0)),
            pl.BlockSpec((1, EMBED), lambda i: (0, 0)),
        ],
        out_specs=pl.BlockSpec((_ROW_BLK, EMBED), lambda i: (i, 0)),
        out_shape=jax.ShapeDtypeStruct((N, EMBED), jnp.float32),
    )(u, h, Wo, gamma.reshape(1, EMBED), beta.reshape(1, EMBED))
    return out

# --- scband reference (transcript-rebuilt; emitter-appended) ---
"""Pipeline reference for scband-galayer-37452114821310 (READ-ONLY COPY).

The authoritative reference and input builder live on the scoring server;
editing this copy changes nothing except your own understanding.
"""

import jax, jax.numpy as jnp
import numpy as np

N_NODES = 10000
N_EDGES = 160000
EMBED = 256
H = 8
DK = 64
DV = 64


def setup_inputs(seed: int = 0) -> dict:
    key = jax.random.key(seed)
    ks = jax.random.split(key, 8)
    h = jax.random.normal(ks[0], (N_NODES, EMBED), dtype=jnp.float32)
    edge_index = jax.random.randint(ks[1], (2, N_EDGES), 0, N_NODES, dtype=jnp.int64)
    # weight scale ~ 1/sqrt(fan_in) to keep attention logits numerically sane
    s = 1.0 / np.sqrt(EMBED)
    Wq = jax.random.normal(ks[2], (EMBED, H * DK), dtype=jnp.float32) * s
    Wk = jax.random.normal(ks[3], (EMBED, H * DK), dtype=jnp.float32) * s
    Wv = jax.random.normal(ks[4], (EMBED, H * DV), dtype=jnp.float32) * s
    Wo = jax.random.normal(ks[5], (H * DV, EMBED), dtype=jnp.float32) * (1.0 / np.sqrt(H * DV))
    gamma = jnp.ones((EMBED,), dtype=jnp.float32)
    beta = jnp.zeros((EMBED,), dtype=jnp.float32)
    return {"h": h, "edge_index": edge_index, "Wq": Wq, "Wk": Wk, "Wv": Wv, "Wo": Wo, "gamma": gamma, "beta": beta}


def reference(h, edge_index, Wq, Wk, Wv, Wo, gamma, beta):
    # GALayer: norm(dropout(GATConv(bg, h, h, h)) + h); dropout is identity in eval.
    # GATConv = transformer-style multi-head graph attention (q,k,v projections,
    # per-edge dot-product scores, segment softmax over incoming edges, value agg,
    # output projection back to embed_size = num_heads * F_).
    src = edge_index[0]
    dst = edge_index[1]
    N = h.shape[0]
    q = (h @ Wq).reshape(N, H, DK)
    k = (h @ Wk).reshape(N, H, DK)
    v = (h @ Wv).reshape(N, H, DV)
    qd = q[dst]                      # gather: [E, H, DK]
    ks_ = k[src]                     # gather: [E, H, DK]
    scores = jnp.sum(qd * ks_, axis=-1) / jnp.sqrt(jnp.float32(DK))  # [E, H]
    # segment softmax over incoming edges per destination node
    m = jax.ops.segment_max(scores, dst, num_segments=N)             # [N, H]
    m = jnp.where(jnp.isfinite(m), m, 0.0)
    ex = jnp.exp(scores - m[dst])                                    # [E, H]
    denom = jax.ops.segment_sum(ex, dst, num_segments=N)             # [N, H]
    alpha = ex / (denom[dst] + 1e-9)                                 # [E, H]
    msg = v[src] * alpha[..., None]                                  # [E, H, DV]
    agg = jax.ops.segment_sum(msg, dst, num_segments=N)              # [N, H, DV]
    out = agg.reshape(N, H * DV) @ Wo                                # [N, EMBED]
    y = out + h                                                      # dropout(eval)=identity; residual
    mu = jnp.mean(y, axis=-1, keepdims=True)
    var = jnp.var(y, axis=-1, keepdims=True)
    ynorm = (y - mu) / jnp.sqrt(var + 1e-5)
    return ynorm * gamma + beta

if __name__ == "__main__":
    import jax
    _d = setup_inputs()
    print(jax.jit(kernel)(*tuple(_d.values())))

</pallas_src>

<mosaic_0001>
#map = affine_map<(d0, d1) -> (0, 0)>
#map1 = affine_map<(d0, d1) -> (0)>
#map2 = affine_map<(d0, d1) -> (0, 0, 0, 0)>
module attributes {stable_mosaic.version = 14 : i64} {
  func.func @_edge_kernel(%arg0: i32, %arg1: i32, %arg2: memref<40000x128xf32, #tpu.memory_space<hbm>>, %arg3: memref<40000x128xf32, #tpu.memory_space<hbm>>, %arg4: memref<40000x128xf32, #tpu.memory_space<hbm>>, %arg5: memref<160000xi32, #tpu.memory_space<hbm>>, %arg6: memref<160000xi32, #tpu.memory_space<hbm>>, %arg7: memref<128x144xf32, #tpu.memory_space<hbm>>, %arg8: memref<2x4x10000x144xf32, #tpu.memory_space<hbm>>, %arg9: memref<64xi32, #tpu.memory_space<vmem>>, %arg10: memref<64xi32, #tpu.memory_space<vmem>>, %arg11: memref<64xi32, #tpu.memory_space<vmem>>, %arg12: memref<64xi32, #tpu.memory_space<vmem>>, %arg13: memref<64x128xf32, #tpu.memory_space<vmem>>, %arg14: memref<64x128xf32, #tpu.memory_space<vmem>>, %arg15: memref<64x128xf32, #tpu.memory_space<vmem>>, %arg16: memref<64x144xf32, #tpu.memory_space<vmem>>, %arg17: memref<10240x144xf32, #tpu.memory_space<vmem_shared>>, %arg18: memref<!tpu.dma_semaphore, #tpu.memory_space<semaphore_mem>>, %arg19: memref<!tpu.dma_semaphore, #tpu.memory_space<semaphore_mem>>, %arg20: memref<!tpu.dma_semaphore, #tpu.memory_space<semaphore_mem>>) attributes {dimension_semantics = [#tpu.dimension_semantics<core_parallel>, #tpu.dimension_semantics<subcore_parallel>], iteration_bounds = array<i64: 2, 16>, scalar_prefetch = 0 : i64, scratch_operands = 12 : i64, tpu.core_type = #tpu.core_type<sc_vector_subcore>, window_params = [{transform_indices = #map}, {transform_indices = #map}, {transform_indices = #map}, {transform_indices = #map1}, {transform_indices = #map1}, {transform_indices = #map}, {transform_indices = #map2}]} {
    %mul3A = arith.constant 2 : i32
    %mul3A_0 = arith.muli %arg1, %mul3A : i32
    %add3A = arith.addi %mul3A_0, %arg0 : i32
    %iota3A = tpu.iota {dimensions = array<i32: 0>} : vector<16xi32>
    %mul3A_1 = arith.constant 640 : i32
    %mul3A_2 = arith.muli %arg1, %mul3A_1 : i32
    %add3A_3 = arith.constant 0 : i32
    %add3A_4 = arith.addi %mul3A_2, %add3A_3 : i32
    "tpu.region"() ({
      %run_scoped3A = tpu.sem_alloc : memref<!tpu.dma_semaphore, #tpu.memory_space<semaphore_mem>>
      %dma_start3A = arith.constant 0 : i32
      %dma_start3A_147 = tpu.memref_slice %arg17[%add3A_4, %dma_start3A] : memref<10240x144xf32, #tpu.memory_space<vmem_shared>> -> memref<128x144xf32, #tpu.memory_space<vmem_shared>>
      tpu.enqueue_dma source(%arg7 : memref<128x144xf32, #tpu.memory_space<hbm>>) target(%dma_start3A_147 : memref<128x144xf32, #tpu.memory_space<vmem_shared>>) target_semaphore(%run_scoped3A : memref<!tpu.dma_semaphore, #tpu.memory_space<semaphore_mem>>)
      %dma_wait3A = arith.constant 0 : i32
      %dma_wait3A_148 = tpu.memref_slice %arg17[%add3A_4, %dma_wait3A] : memref<10240x144xf32, #tpu.memory_space<vmem_shared>> -> memref<128x144xf32, #tpu.memory_space<vmem_shared>>
      tpu.wait_dma2 semaphore(%run_scoped3A : memref<!tpu.dma_semaphore, #tpu.memory_space<semaphore_mem>>) src(%arg7 : memref<128x144xf32, #tpu.memory_space<hbm>>) dst(%dma_wait3A_148 : memref<128x144xf32, #tpu.memory_space<vmem_shared>>)
      tpu.yield
    }) : () -> ()
    %mul3A_5 = arith.constant 640 : i32
    %mul3A_6 = arith.muli %arg1, %mul3A_5 : i32
    %add3A_7 = arith.constant 128 : i32
    %add3A_8 = arith.addi %mul3A_6, %add3A_7 : i32
    "tpu.region"() ({
      %run_scoped3A = tpu.sem_alloc : memref<!tpu.dma_semaphore, #tpu.memory_space<semaphore_mem>>
      %dma_start3A = arith.constant 0 : i32
      %dma_start3A_147 = tpu.memref_slice %arg17[%add3A_8, %dma_start3A] : memref<10240x144xf32, #tpu.memory_space<vmem_shared>> -> memref<128x144xf32, #tpu.memory_space<vmem_shared>>
      tpu.enqueue_dma source(%arg7 : memref<128x144xf32, #tpu.memory_space<hbm>>) target(%dma_start3A_147 : memref<128x144xf32, #tpu.memory_space<vmem_shared>>) target_semaphore(%run_scoped3A : memref<!tpu.dma_semaphore, #tpu.memory_space<semaphore_mem>>)
      %dma_wait3A = arith.constant 0 : i32
      %dma_wait3A_148 = tpu.memref_slice %arg17[%add3A_8, %dma_wait3A] : memref<10240x144xf32, #tpu.memory_space<vmem_shared>> -> memref<128x144xf32, #tpu.memory_space<vmem_shared>>
      tpu.wait_dma2 semaphore(%run_scoped3A : memref<!tpu.dma_semaphore, #tpu.memory_space<semaphore_mem>>) src(%arg7 : memref<128x144xf32, #tpu.memory_space<hbm>>) dst(%dma_wait3A_148 : memref<128x144xf32, #tpu.memory_space<vmem_shared>>)
      tpu.yield
    }) : () -> ()
    %mul3A_9 = arith.constant 640 : i32
    %mul3A_10 = arith.muli %arg1, %mul3A_9 : i32
    %add3A_11 = arith.constant 256 : i32
    %add3A_12 = arith.addi %mul3A_10, %add3A_11 : i32
    "tpu.region"() ({
      %run_scoped3A = tpu.sem_alloc : memref<!tpu.dma_semaphore, #tpu.memory_space<semaphore_mem>>
      %dma_start3A = arith.constant 0 : i32
      %dma_start3A_147 = tpu.memref_slice %arg17[%add3A_12, %dma_start3A] : memref<10240x144xf32, #tpu.memory_space<vmem_shared>> -> memref<128x144xf32, #tpu.memory_space<vmem_shared>>
      tpu.enqueue_dma source(%arg7 : memref<128x144xf32, #tpu.memory_space<hbm>>) target(%dma_start3A_147 : memref<128x144xf32, #tpu.memory_space<vmem_shared>>) target_semaphore(%run_scoped3A : memref<!tpu.dma_semaphore, #tpu.memory_space<semaphore_mem>>)
      %dma_wait3A = arith.constant 0 : i32
      %dma_wait3A_148 = tpu.memref_slice %arg17[%add3A_12, %dma_wait3A] : memref<10240x144xf32, #tpu.memory_space<vmem_shared>> -> memref<128x144xf32, #tpu.memory_space<vmem_shared>>
      tpu.wait_dma2 semaphore(%run_scoped3A : memref<!tpu.dma_semaphore, #tpu.memory_space<semaphore_mem>>) src(%arg7 : memref<128x144xf32, #tpu.memory_space<hbm>>) dst(%dma_wait3A_148 : memref<128x144xf32, #tpu.memory_space<vmem_shared>>)
      tpu.yield
    }) : () -> ()
    %mul3A_13 = arith.constant 640 : i32
    %mul3A_14 = arith.muli %arg1, %mul3A_13 : i32
    %add3A_15 = arith.constant 384 : i32
    %add3A_16 = arith.addi %mul3A_14, %add3A_15 : i32
    "tpu.region"() ({
      %run_scoped3A = tpu.sem_alloc : memref<!tpu.dma_semaphore, #tpu.memory_space<semaphore_mem>>
      %dma_start3A = arith.constant 0 : i32
      %dma_start3A_147 = tpu.memref_slice %arg17[%add3A_16, %dma_start3A] : memref<10240x144xf32, #tpu.memory_space<vmem_shared>> -> memref<128x144xf32, #tpu.memory_space<vmem_shared>>
      tpu.enqueue_dma source(%arg7 : memref<128x144xf32, #tpu.memory_space<hbm>>) target(%dma_start3A_147 : memref<128x144xf32, #tpu.memory_space<vmem_shared>>) target_semaphore(%run_scoped3A : memref<!tpu.dma_semaphore, #tpu.memory_space<semaphore_mem>>)
      %dma_wait3A = arith.constant 0 : i32
      %dma_wait3A_148 = tpu.memref_slice %arg17[%add3A_16, %dma_wait3A] : memref<10240x144xf32, #tpu.memory_space<vmem_shared>> -> memref<128x144xf32, #tpu.memory_space<vmem_shared>>
      tpu.wait_dma2 semaphore(%run_scoped3A : memref<!tpu.dma_semaphore, #tpu.memory_space<semaphore_mem>>) src(%arg7 : memref<128x144xf32, #tpu.memory_space<hbm>>) dst(%dma_wait3A_148 : memref<128x144xf32, #tpu.memory_space<vmem_shared>>)
      tpu.yield
    }) : () -> ()
    %mul3A_17 = arith.constant 640 : i32
    %mul3A_18 = arith.muli %arg1, %mul3A_17 : i32
    %add3A_19 = arith.constant 512 : i32
    %add3A_20 = arith.addi %mul3A_18, %add3A_19 : i32
    "tpu.region"() ({
      %run_scoped3A = tpu.sem_alloc : memref<!tpu.dma_semaphore, #tpu.memory_space<semaphore_mem>>
      %dma_start3A = arith.constant 0 : i32
      %dma_start3A_147 = tpu.memref_slice %arg17[%add3A_20, %dma_start3A] : memref<10240x144xf32, #tpu.memory_space<vmem_shared>> -> memref<128x144xf32, #tpu.memory_space<vmem_shared>>
      tpu.enqueue_dma source(%arg7 : memref<128x144xf32, #tpu.memory_space<hbm>>) target(%dma_start3A_147 : memref<128x144xf32, #tpu.memory_space<vmem_shared>>) target_semaphore(%run_scoped3A : memref<!tpu.dma_semaphore, #tpu.memory_space<semaphore_mem>>)
      %dma_wait3A = arith.constant 0 : i32
      %dma_wait3A_148 = tpu.memref_slice %arg17[%add3A_20, %dma_wait3A] : memref<10240x144xf32, #tpu.memory_space<vmem_shared>> -> memref<128x144xf32, #tpu.memory_space<vmem_shared>>
      tpu.wait_dma2 semaphore(%run_scoped3A : memref<!tpu.dma_semaphore, #tpu.memory_space<semaphore_mem>>) src(%arg7 : memref<128x144xf32, #tpu.memory_space<hbm>>) dst(%dma_wait3A_148 : memref<128x144xf32, #tpu.memory_space<vmem_shared>>)
      tpu.yield
    }) : () -> ()
    %barrier3A = arith.constant 0 : index
    tpu.barrier barrier_id(%barrier3A)
    %scan3A = arith.constant 0 : i32
    %scan3A_21 = arith.constant 79 : i32
    %scan3A_22 = arith.addi %scan3A, %scan3A_21 : i32
    %scan3A_23 = arith.constant 1 : i32
    scf.for %scan3A_147 = %scan3A to %scan3A_22 step %scan3A_23  : i32 {
      %mul3A_148 = arith.constant 1 : i32
      %mul3A_149 = arith.muli %scan3A_147, %mul3A_148 : i32
      %add3A_150 = arith.constant 0 : i32
      %add3A_151 = arith.addi %add3A_150, %mul3A_149 : i32
      %mul3A_152 = arith.constant 32 : i32
      %mul3A_153 = arith.muli %add3A_151, %mul3A_152 : i32
      %add3A_154 = arith.addi %add3A, %mul3A_153 : i32
      %lt3A_155 = arith.constant 2500 : i32
      %lt3A_156 = arith.cmpi slt, %add3A_154, %lt3A_155 : i32
      %convert_element_type3A_157 = arith.extui %lt3A_156 : i1 to i32
      %cond3A_158 = arith.constant 0 : i32
      %cond3A_159 = arith.cmpi ne, %convert_element_type3A_157, %cond3A_158 : i32
      scf.if %cond3A_159 {
        %mul3A_160 = arith.constant 64 : i32
        %mul3A_161 = arith.muli %add3A_154, %mul3A_160 : i32
        "tpu.region"() ({
          %run_scoped3A = tpu.sem_alloc : memref<!tpu.dma_semaphore, #tpu.memory_space<semaphore_mem>>
          %dma_start3A_401 = tpu.memref_slice %arg5[%mul3A_161] : memref<160000xi32, #tpu.memory_space<hbm>> -> memref<64xi32, #tpu.memory_space<hbm>>
          %dma_start3A_402 = tpu.memref_slice %arg5[%mul3A_161] : memref<160000xi32, #tpu.memory_space<hbm>> -> memref<64xi32, #tpu.memory_space<hbm>>
          tpu.enqueue_dma source(%dma_start3A_402 : memref<64xi32, #tpu.memory_space<hbm>>) target(%arg9 : memref<64xi32, #tpu.memory_space<vmem>>) target_semaphore(%run_scoped3A : memref<!tpu.dma_semaphore, #tpu.memory_space<semaphore_mem>>)
          %dma_wait3A_403 = tpu.memref_slice %arg5[%mul3A_161] : memref<160000xi32, #tpu.memory_space<hbm>> -> memref<64xi32, #tpu.memory_space<hbm>>
          %dma_wait3A_404 = tpu.memref_slice %arg5[%mul3A_161] : memref<160000xi32, #tpu.memory_space<hbm>> -> memref<64xi32, #tpu.memory_space<hbm>>
          tpu.wait_dma2 semaphore(%run_scoped3A : memref<!tpu.dma_semaphore, #tpu.memory_space<semaphore_mem>>) src(%dma_wait3A_404 : memref<64xi32, #tpu.memory_space<hbm>>) dst(%arg9 : memref<64xi32, #tpu.memory_space<vmem>>)
          tpu.yield
        }) : () -> ()
        %mul3A_162 = arith.constant 64 : i32
        %mul3A_163 = arith.muli %add3A_154, %mul3A_162 : i32
        "tpu.region"() ({
          %run_scoped3A = tpu.sem_alloc : memref<!tpu.dma_semaphore, #tpu.memory_space<semaphore_mem>>
          %dma_start3A_401 = tpu.memref_slice %arg6[%mul3A_163] : memref<160000xi32, #tpu.memory_space<hbm>> -> memref<64xi32, #tpu.memory_space<hbm>>
          %dma_start3A_402 = tpu.memref_slice %arg6[%mul3A_163] : memref<160000xi32, #tpu.memory_space<hbm>> -> memref<64xi32, #tpu.memory_space<hbm>>
          tpu.enqueue_dma source(%dma_start3A_402 : memref<64xi32, #tpu.memory_space<hbm>>) target(%arg10 : memref<64xi32, #tpu.memory_space<vmem>>) target_semaphore(%run_scoped3A : memref<!tpu.dma_semaphore, #tpu.memory_space<semaphore_mem>>)
          %dma_wait3A_403 = tpu.memref_slice %arg6[%mul3A_163] : memref<160000xi32, #tpu.memory_space<hbm>> -> memref<64xi32, #tpu.memory_space<hbm>>
          %dma_wait3A_404 = tpu.memref_slice %arg6[%mul3A_163] : memref<160000xi32, #tpu.memory_space<hbm>> -> memref<64xi32, #tpu.memory_space<hbm>>
          tpu.wait_dma2 semaphore(%run_scoped3A : memref<!tpu.dma_semaphore, #tpu.memory_space<semaphore_mem>>) src(%dma_wait3A_404 : memref<64xi32, #tpu.memory_space<hbm>>) dst(%arg10 : memref<64xi32, #tpu.memory_space<vmem>>)
          tpu.yield
        }) : () -> ()
        %get3A = arith.constant 0 : index
        %get3A_164 = tpu.vector_load %arg10[%get3A] {strides = array<i32>} : memref<64xi32, #tpu.memory_space<vmem>>, vector<16xi32>,
        %mul3A_165 = arith.constant 4 : i32
        %mul3A_166 = vector.broadcast %mul3A_165 : i32 to vector<16xi32>
        %mul3A_167 = arith.muli %get3A_164, %mul3A_166 : vector<16xi32>
        %add3A_168 = arith.constant 0 : i32
        %add3A_169 = vector.broadcast %add3A_168 : i32 to vector<16xi32>
        %add3A_170 = arith.addi %mul3A_167, %add3A_169 : vector<16xi32>
        %swap3A = arith.constant 0 : index
        %swap3A_171 = tpu.vector_load %arg11[%swap3A] {strides = array<i32>} : memref<64xi32, #tpu.memory_space<vmem>>, vector<16xi32>,
        tpu.vector_store %arg11[%swap3A], %add3A_170 {strides = array<i32>} : memref<64xi32, #tpu.memory_space<vmem>>, vector<16xi32>,
        %get3A_172 = arith.constant 0 : index
        %get3A_173 = tpu.vector_load %arg9[%get3A_172] {strides = array<i32>} : memref<64xi32, #tpu.memory_space<vmem>>, vector<16xi32>,
        %mul3A_174 = arith.constant 4 : i32
        %mul3A_175 = vector.broadcast %mul3A_174 : i32 to vector<16xi32>
        %mul3A_176 = arith.muli %get3A_173, %mul3A_175 : vector<16xi32>
        %add3A_177 = arith.constant 0 : i32
        %add3A_178 = vector.broadcast %add3A_177 : i32 to vector<16xi32>
        %add3A_179 = arith.addi %mul3A_176, %add3A_178 : vector<16xi32>
        %swap3A_180 = arith.constant 0 : index
        %swap3A_181 = tpu.vector_load %arg12[%swap3A_180] {strides = array<i32>} : memref<64xi32, #tpu.memory_space<vmem>>, vector<16xi32>,
        tpu.vector_store %arg12[%swap3A_180], %add3A_179 {strides = array<i32>} : memref<64xi32, #tpu.memory_space<vmem>>, vector<16xi32>,
        %get3A_182 = arith.constant 16 : index
        %get3A_183 = tpu.vector_load %arg10[%get3A_182] {strides = array<i32>} : memref<64xi32, #tpu.memory_space<vmem>>, vector<16xi32>,
        %mul3A_184 = arith.constant 4 : i32
        %mul3A_185 = vector.broadcast %mul3A_184 : i32 to vector<16xi32>
        %mul3A_186 = arith.muli %get3A_183, %mul3A_185 : vector<16xi32>
        %add3A_187 = arith.constant 0 : i32
        %add3A_188 = vector.broadcast %add3A_187 : i32 to vector<16xi32>
        %add3A_189 = arith.addi %mul3A_186, %add3A_188 : vector<16xi32>
        %swap3A_190 = arith.constant 16 : index
        %swap3A_191 = tpu.vector_load %arg11[%swap3A_190] {strides = array<i32>} : memref<64xi32, #tpu.memory_space<vmem>>, vector<16xi32>,
        tpu.vector_store %arg11[%swap3A_190], %add3A_189 {strides = array<i32>} : memref<64xi32, #tpu.memory_space<vmem>>, vector<16xi32>,
        %get3A_192 = arith.constant 16 : index
        %get3A_193 = tpu.vector_load %arg9[%get3A_192] {strides = array<i32>} : memref<64xi32, #tpu.memory_space<vmem>>, vector<16xi32>,
        %mul3A_194 = arith.constant 4 : i32
        %mul3A_195 = vector.broadcast %mul3A_194 : i32 to vector<16xi32>
        %mul3A_196 = arith.muli %get3A_193, %mul3A_195 : vector<16xi32>
        %add3A_197 = arith.constant 0 : i32
        %add3A_198 = vector.broadcast %add3A_197 : i32 to vector<16xi32>
        %add3A_199 = arith.addi %mul3A_196, %add3A_198 : vector<16xi32>
        %swap3A_200 = arith.constant 16 : index
        %swap3A_201 = tpu.vector_load %arg12[%swap3A_200] {strides = array<i32>} : memref<64xi32, #tpu.memory_space<vmem>>, vector<16xi32>,
        tpu.vector_store %arg12[%swap3A_200], %add3A_199 {strides = array<i32>} : memref<64xi32, #tpu.memory_space<vmem>>, vector<16xi32>,
        %get3A_202 = arith.constant 32 : index
        %get3A_203 = tpu.vector_load %arg10[%get3A_202] {strides = array<i32>} : memref<64xi32, #tpu.memory_space<vmem>>, vector<16xi32>,
        %mul3A_204 = arith.constant 4 : i32
        %mul3A_205 = vector.broadcast %mul3A_204 : i32 to vector<16xi32>
        %mul3A_206 = arith.muli %get3A_203, %mul3A_205 : vector<16xi32>
        %add3A_207 = arith.constant 0 : i32
        %add3A_208 = vector.broadcast %add3A_207 : i32 to vector<16xi32>
        %add3A_209 = arith.addi %mul3A_206, %add3A_208 : vector<16xi32>
        %swap3A_210 = arith.constant 32 : index
        %swap3A_211 = tpu.vector_load %arg11[%swap3A_210] {strides = array<i32>} : memref<64xi32, #tpu.memory_space<vmem>>, vector<16xi32>,
        tpu.vector_store %arg11[%swap3A_210], %add3A_209 {strides = array<i32>} : memref<64xi32, #tpu.memory_space<vmem>>, vector<16xi32>,
        %get3A_212 = arith.constant 32 : index
        %get3A_213 = tpu.vector_load %arg9[%get3A_212] {strides = array<i32>} : memref<64xi32, #tpu.memory_space<vmem>>, vector<16xi32>,
        %mul3A_214 = arith.constant 4 : i32
        %mul3A_215 = vector.broadcast %mul3A_214 : i32 to vector<16xi32>
        %mul3A_216 = arith.muli %get3A_213, %mul3A_215 : vector<16xi32>
        %add3A_217 = arith.constant 0 : i32
        %add3A_218 = vector.broadcast %add3A_217 : i32 to vector<16xi32>
        %add3A_219 = arith.addi %mul3A_216, %add3A_218 : vector<16xi32>
        %swap3A_220 = arith.constant 32 : index
        %swap3A_221 = tpu.vector_load %arg12[%swap3A_220] {strides = array<i32>} : memref<64xi32, #tpu.memory_space<vmem>>, vector<16xi32>,
        tpu.vector_store %arg12[%swap3A_220], %add3A_219 {strides = array<i32>} : memref<64xi32, #tpu.memory_space<vmem>>, vector<16xi32>,
        %get3A_222 = arith.constant 48 : index
        %get3A_223 = tpu.vector_load %arg10[%get3A_222] {strides = array<i32>} : memref<64xi32, #tpu.memory_space<vmem>>, vector<16xi32>,
        %mul3A_224 = arith.constant 4 : i32
        %mul3A_225 = vector.broadcast %mul3A_224 : i32 to vector<16xi32>
        %mul3A_226 = arith.muli %get3A_223, %mul3A_225 : vector<16xi32>
        %add3A_227 = arith.constant 0 : i32
        %add3A_228 = vector.broadcast %add3A_227 : i32 to vector<16xi32>
        %add3A_229 = arith.addi %mul3A_226, %add3A_228 : vector<16xi32>
        %swap3A_230 = arith.constant 48 : index
        %swap3A_231 = tpu.vector_load %arg11[%swap3A_230] {strides = array<i32>} : memref<64xi32, #tpu.memory_space<vmem>>, vector<16xi32>,
        tpu.vector_store %arg11[%swap3A_230], %add3A_229 {strides = array<i32>} : memref<64xi32, #tpu.memory_space<vmem>>, vector<16xi32>,
        %get3A_232 = arith.constant 48 : index
        %get3A_233 = tpu.vector_load %arg9[%get3A_232] {strides = array<i32>} : memref<64xi32, #tpu.memory_space<vmem>>, vector<16xi32>,
        %mul3A_234 = arith.constant 4 : i32
        %mul3A_235 = vector.broadcast %mul3A_234 : i32 to vector<16xi32>
        %mul3A_236 = arith.muli %get3A_233, %mul3A_235 : vector<16xi32>
        %add3A_237 = arith.constant 0 : i32
        %add3A_238 = vector.broadcast %add3A_237 : i32 to vector<16xi32>
        %add3A_239 = arith.addi %mul3A_236, %add3A_238 : vector<16xi32>
        %swap3A_240 = arith.constant 48 : index
        %swap3A_241 = tpu.vector_load %arg12[%swap3A_240] {strides = array<i32>} : memref<64xi32, #tpu.memory_space<vmem>>, vector<16xi32>,
        tpu.vector_store %arg12[%swap3A_240], %add3A_239 {strides = array<i32>} : memref<64xi32, #tpu.memory_space<vmem>>, vector<16xi32>,
        %dma_start3A = arith.constant 0 : i32
        %dma_start3A_242 = arith.constant 0 : i32
        %dma_start3A_243 = tpu.memref_slice %arg2[%dma_start3A, %dma_start3A_242] : memref<40000x128xf32, #tpu.memory_space<hbm>> -> memref<40000x128xf32, #tpu.memory_space<hbm>>
        tpu.enqueue_indirect_dma source(%dma_start3A_243 : memref<40000x128xf32, #tpu.memory_space<hbm>>) target(%arg13 : memref<64x128xf32, #tpu.memory_space<vmem>>) offsets(%arg11 : memref<64xi32, #tpu.memory_space<vmem>>) semaphore(%arg18 : memref<!tpu.dma_semaphore, #tpu.memory_space<semaphore_mem>>)
        %dma_start3A_244 = arith.constant 0 : i32
        %dma_start3A_245 = arith.constant 0 : i32
        %dma_start3A_246 = tpu.memref_slice %arg3[%dma_start3A_244, %dma_start3A_245] : memref<40000x128xf32, #tpu.memory_space<hbm>> -> memref<40000x128xf32, #tpu.memory_space<hbm>>
        tpu.enqueue_indirect_dma source(%dma_start3A_246 : memref<40000x128xf32, #tpu.memory_space<hbm>>) target(%arg14 : memref<64x128xf32, #tpu.memory_space<vmem>>) offsets(%arg12 : memref<64xi32, #tpu.memory_space<vmem>>) semaphore(%arg19 : memref<!tpu.dma_semaphore, #tpu.memory_space<semaphore_mem>>)
        %dma_start3A_247 = arith.constant 0 : i32
        %dma_start3A_248 = arith.constant 0 : i32
        %dma_start3A_249 = tpu.memref_slice %arg4[%dma_start3A_247, %dma_start3A_248] : memref<40000x128xf32, #tpu.memory_space<hbm>> -> memref<40000x128xf32, #tpu.memory_space<hbm>>
        tpu.enqueue_indirect_dma source(%dma_start3A_249 : memref<40000x128xf32, #tpu.memory_space<hbm>>) target(%arg15 : memref<64x128xf32, #tpu.memory_space<vmem>>) offsets(%arg12 : memref<64xi32, #tpu.memory_space<vmem>>) semaphore(%arg20 : memref<!tpu.dma_semaphore, #tpu.memory_space<semaphore_mem>>)
        %dma_wait3A = arith.constant 0 : i32
        %dma_wait3A_250 = arith.constant 0 : i32
        %dma_wait3A_251 = tpu.memref_slice %arg2[%dma_wait3A, %dma_wait3A_250] : memref<40000x128xf32, #tpu.memory_space<hbm>> -> memref<40000x128xf32, #tpu.memory_space<hbm>>
        tpu.wait_indirect_dma semaphore(%arg18 : memref<!tpu.dma_semaphore, #tpu.memory_space<semaphore_mem>>) src(%dma_wait3A_251 : memref<40000x128xf32, #tpu.memory_space<hbm>>) dst(%arg13 : memref<64x128xf32, #tpu.memory_space<vmem>>)
        %dma_wait3A_252 = arith.constant 0 : i32
        %dma_wait3A_253 = arith.constant 0 : i32
        %dma_wait3A_254 = tpu.memref_slice %arg3[%dma_wait3A_252, %dma_wait3A_253] : memref<40000x128xf32, #tpu.memory_space<hbm>> -> memref<40000x128xf32, #tpu.memory_space<hbm>>
        tpu.wait_indirect_dma semaphore(%arg19 : memref<!tpu.dma_semaphore, #tpu.memory_space<semaphore_mem>>) src(%dma_wait3A_254 : memref<40000x128xf32, #tpu.memory_space<hbm>>) dst(%arg14 : memref<64x128xf32, #tpu.memory_space<vmem>>)
        %dma_wait3A_255 = arith.constant 0 : i32
        %dma_wait3A_256 = arith.constant 0 : i32
        %dma_wait3A_257 = tpu.memref_slice %arg4[%dma_wait3A_255, %dma_wait3A_256] : memref<40000x128xf32, #tpu.memory_space<hbm>> -> memref<40000x128xf32, #tpu.memory_space<hbm>>
        tpu.wait_indirect_dma semaphore(%arg20 : memref<!tpu.dma_semaphore, #tpu.memory_space<semaphore_mem>>) src(%dma_wait3A_257 : memref<40000x128xf32, #tpu.memory_space<hbm>>) dst(%arg15 : memref<64x128xf32, #tpu.memory_space<vmem>>)
        %scan3A_258 = arith.constant 0 : i32
        %mul3A_259 = arith.constant 1 : i32
        %mul3A_260 = arith.muli %scan3A_258, %mul3A_259 : i32
        %add3A_261 = arith.constant 0 : i32
        %add3A_262 = arith.addi %add3A_261, %mul3A_260 : i32
        %get3A_263 = arith.index_cast %add3A_262 : i32 to index
        %get3A_264 = arith.constant 0 : index
        %get3A_265 = tpu.vector_load %arg13[%get3A_263, %get3A_264] {strides = array<i32>} : memref<64x128xf32, #tpu.memory_space<vmem>>, vector<16xf32>,
        %get3A_266 = arith.index_cast %add3A_262 : i32 to index
        %get3A_267 = arith.constant 0 : index
        %get3A_268 = tpu.vector_load %arg14[%get3A_266, %get3A_267] {strides = array<i32>} : memref<64x128xf32, #tpu.memory_space<vmem>>, vector<16xf32>,
        %mul3A_269 = arith.mulf %get3A_265, %get3A_268 : vector<16xf32>
        %get3A_270 = arith.index_cast %add3A_262 : i32 to index
        %get3A_271 = arith.constant 16 : index
        %get3A_272 = tpu.vector_load %arg13[%get3A_270, %get3A_271] {strides = array<i32>} : memref<64x128xf32, #tpu.memory_space<vmem>>, vector<16xf32>,
        %get3A_273 = arith.index_cast %add3A_262 : i32 to index
        %get3A_274 = arith.constant 16 : index
        %get3A_275 = tpu.vector_load %arg14[%get3A_273, %get3A_274] {strides = array<i32>} : memref<64x128xf32, #tpu.memory_space<vmem>>, vector<16xf32>,
        %mul3A_276 = arith.mulf %get3A_272, %get3A_275 : vector<16xf32>
        %get3A_277 = arith.index_cast %add3A_262 : i32 to index
        %get3A_278 = arith.constant 32 : index
        %get3A_279 = tpu.vector_load %arg13[%get3A_277, %get3A_278] {strides = array<i32>} : memref<64x128xf32, #tpu.memory_space<vmem>>, vector<16xf32>,
        %get3A_280 = arith.index_cast %add3A_262 : i32 to index
        %get3A_281 = arith.constant 32 : index
        %get3A_282 = tpu.vector_load %arg14[%get3A_280, %get3A_281] {strides = array<i32>} : memref<64x128xf32, #tpu.memory_space<vmem>>, vector<16xf32>,
        %mul3A_283 = arith.mulf %get3A_279, %get3A_282 : vector<16xf32>
        %get3A_284 = arith.index_cast %add3A_262 : i32 to index
        %get3A_285 = arith.constant 48 : index
        %get3A_286 = tpu.vector_load %arg13[%get3A_284, %get3A_285] {strides = array<i32>} : memref<64x128xf32, #tpu.memory_space<vmem>>, vector<16xf32>,
        %get3A_287 = arith.index_cast %add3A_262 : i32 to index
        %get3A_288 = arith.constant 48 : index
        %get3A_289 = tpu.vector_load %arg14[%get3A_287, %get3A_288] {strides = array<i32>} : memref<64x128xf32, #tpu.memory_space<vmem>>, vector<16xf32>,
        %mul3A_290 = arith.mulf %get3A_286, %get3A_289 : vector<16xf32>
        %get3A_291 = arith.index_cast %add3A_262 : i32 to index
        %get3A_292 = arith.constant 64 : index
        %get3A_293 = tpu.vector_load %arg13[%get3A_291, %get3A_292] {strides = array<i32>} : memref<64x128xf32, #tpu.memory_space<vmem>>, vector<16xf32>,
        %get3A_294 = arith.index_cast %add3A_262 : i32 to index
        %get3A_295 = arith.constant 64 : index
        %get3A_296 = tpu.vector_load %arg14[%get3A_294, %get3A_295] {strides = array<i32>} : memref<64x128xf32, #tpu.memory_space<vmem>>, vector<16xf32>,
        %mul3A_297 = arith.mulf %get3A_293, %get3A_296 : vector<16xf32>
        %get3A_298 = arith.index_cast %add3A_262 : i32 to index
        %get3A_299 = arith.constant 80 : index
        %get3A_300 = tpu.vector_load %arg13[%get3A_298, %get3A_299] {strides = array<i32>} : memref<64x128xf32, #tpu.memory_space<vmem>>, vector<16xf32>,
        %get3A_301 = arith.index_cast %add3A_262 : i32 to index
        %get3A_302 = arith.constant 80 : index
        %get3A_303 = tpu.vector_load %arg14[%get3A_301, %get3A_302] {strides = array<i32>} : memref<64x128xf32, #tpu.memory_space<vmem>>, vector<16xf32>,
        %mul3A_304 = arith.mulf %get3A_300, %get3A_303 : vector<16xf32>
        %get3A_305 = arith.index_cast %add3A_262 : i32 to index
        %get3A_306 = arith.constant 96 : index
        %get3A_307 = tpu.vector_load %arg13[%get3A_305, %get3A_306] {strides = array<i32>} : memref<64x128xf32, #tpu.memory_space<vmem>>, vector<16xf32>,
        %get3A_308 = arith.index_cast %add3A_262 : i32 to index
        %get3A_309 = arith.constant 96 : index
        %get3A_310 = tpu.vector_load %arg14[%get3A_308, %get3A_309] {strides = array<i32>} : memref<64x128xf32, #tpu.memory_space<vmem>>, vector<16xf32>,
        %mul3A_311 = arith.mulf %get3A_307, %get3A_310 : vector<16xf32>
        %get3A_312 = arith.index_cast %add3A_262 : i32 to index
        %get3A_313 = arith.constant 112 : index
        %get3A_314 = tpu.vector_load %arg13[%get3A_312, %get3A_313] {strides = array<i32>} : memref<64x128xf32, #tpu.memory_space<vmem>>, vector<16xf32>,
        %get3A_315 = arith.index_cast %add3A_262 : i32 to index
        %get3A_316 = arith.constant 112 : index
        %get3A_317 = tpu.vector_load %arg14[%get3A_315, %get3A_316] {strides = array<i32>} : memref<64x128xf32, #tpu.memory_space<vmem>>, vector<16xf32>,
        %mul3A_318 = arith.mulf %get3A_314, %get3A_317 : vector<16xf32>
        %add3A_319 = arith.addf %mul3A_269, %mul3A_276 : vector<16xf32>
        %add3A_320 = arith.addf %mul3A_283, %mul3A_290 : vector<16xf32>
        %add3A_321 = arith.addf %add3A_319, %add3A_320 : vector<16xf32>
        %reduce_sum3A = arith.constant true
        %reduce_sum3A_322 = vector.broadcast %reduce_sum3A : i1 to vector<16xi1>
        %reduce_sum3A_323 = tpu.scan <sum>, %add3A_321 masked %reduce_sum3A_322 : vector<16xf32>, vector<16xi1> -> vector<16xf32>
        %reduce_sum3A_324 = vector.extract %reduce_sum3A_323[15] : f32 from vector<16xf32>
        %mul3A_325 = arith.constant 1.250000e-01 : f32
        %mul3A_326 = arith.mulf %reduce_sum3A_324, %mul3A_325 : f32
        %add3A_327 = arith.addf %mul3A_297, %mul3A_304 : vector<16xf32>
        %add3A_328 = arith.addf %mul3A_311, %mul3A_318 : vector<16xf32>
        %add3A_329 = arith.addf %add3A_327, %add3A_328 : vector<16xf32>
        %reduce_sum3A_330 = arith.constant true
        %reduce_sum3A_331 = vector.broadcast %reduce_sum3A_330 : i1 to vector<16xi1>
        %reduce_sum3A_332 = tpu.scan <sum>, %add3A_329 masked %reduce_sum3A_331 : vector<16xf32>, vector<16xi1> -> vector<16xf32>
        %reduce_sum3A_333 = vector.extract %reduce_sum3A_332[15] : f32 from vector<16xf32>
        %mul3A_334 = arith.constant 1.250000e-01 : f32
        %mul3A_335 = arith.mulf %reduce_sum3A_333, %mul3A_334 : f32
        %broadcast_in_dim3A = vector.broadcast %mul3A_326 : f32 to vector<16xf32>
        %exp3A = math.exp %broadcast_in_dim3A : vector<16xf32>
        %broadcast_in_dim3A_336 = vector.broadcast %mul3A_335 : f32 to vector<16xf32>
        %exp3A_337 = math.exp %broadcast_in_dim3A_336 : vector<16xf32>
        %get3A_338 = arith.index_cast %add3A_262 : i32 to index
        %get3A_339 = arith.constant 0 : index
        %get3A_340 = tpu.vector_load %arg15[%get3A_338, %get3A_339] {strides = array<i32>} : memref<64x128xf32, #tpu.memory_space<vmem>>, vector<16xf32>,
        %mul3A_341 = arith.mulf %get3A_340, %exp3A : vector<16xf32>
        %swap3A_342 = arith.index_cast %add3A_262 : i32 to index
        %swap3A_343 = arith.constant 0 : index
        %swap3A_344 = tpu.vector_load %arg16[%swap3A_342, %swap3A_343] {strides = array<i32>} : memref<64x144xf32, #tpu.memory_space<vmem>>, vector<16xf32>,
        tpu.vector_store %arg16[%swap3A_342, %swap3A_343], %mul3A_341 {strides = array<i32>} : memref<64x144xf32, #tpu.memory_space<vmem>>, vector<16xf32>,
        %get3A_345 = arith.index_cast %add3A_262 : i32 to index
        %get3A_346 = arith.constant 16 : index
        %get3A_347 = tpu.vector_load %arg15[%get3A_345, %get3A_346] {strides = array<i32>} : memref<64x128xf32, #tpu.memory_space<vmem>>, vector<16xf32>,
        %mul3A_348 = arith.mulf %get3A_347, %exp3A : vector<16xf32>
        %swap3A_349 = arith.index_cast %add3A_262 : i32 to index
        %swap3A_350 = arith.constant 16 : index
        %swap3A_351 = tpu.vector_load %arg16[%swap3A_349, %swap3A_350] {strides = array<i32>} : memref<64x144xf32, #tpu.memory_space<vmem>>, vector<16xf32>,
        tpu.vector_store %arg16[%swap3A_349, %swap3A_350], %mul3A_348 {strides = array<i32>} : memref<64x144xf32, #tpu.memory_space<vmem>>, vector<16xf32>,
        %get3A_352 = arith.index_cast %add3A_262 : i32 to index
        %get3A_353 = arith.constant 32 : index
        %get3A_354 = tpu.vector_load %arg15[%get3A_352, %get3A_353] {strides = array<i32>} : memref<64x128xf32, #tpu.memory_space<vmem>>, vector<16xf32>,
        %mul3A_355 = arith.mulf %get3A_354, %exp3A : vector<16xf32>
        %swap3A_356 = arith.index_cast %add3A_262 : i32 to index
        %swap3A_357 = arith.constant 32 : index
        %swap3A_358 = tpu.vector_load %arg16[%swap3A_356, %swap3A_357] {strides = array<i32>} : memref<64x144xf32, #tpu.memory_space<vmem>>, vector<16xf32>,
        tpu.vector_store %arg16[%swap3A_356, %swap3A_357], %mul3A_355 {strides = array<i32>} : memref<64x144xf32, #tpu.memory_space<vmem>>, vector<16xf32>,
        %get3A_359 = arith.index_cast %add3A_262 : i32 to index
        %get3A_360 = arith.constant 48 : index
        %get3A_361 = tpu.vector_load %arg15[%get3A_359, %get3A_360] {strides = array<i32>} : memref<64x128xf32, #tpu.memory_space<vmem>>, vector<16xf32>,
        %mul3A_362 = arith.mulf %get3A_361, %exp3A : vector<16xf32>
        %swap3A_363 = arith.index_cast %add3A_262 : i32 to index
        %swap3A_364 = arith.constant 48 : index
        %swap3A_365 = tpu.vector_load %arg16[%swap3A_363, %swap3A_364] {strides = array<i32>} : memref<64x144xf32, #tpu.memory_space<vmem>>, vector<16xf32>,
        tpu.vector_store %arg16[%swap3A_363, %swap3A_364], %mul3A_362 {strides = array<i32>} : memref<64x144xf32, #tpu.memory_space<vmem>>, vector<16xf32>,
        %get3A_366 = arith.index_cast %add3A_262 : i32 to index
        %get3A_367 = arith.constant 64 : index
        %get3A_368 = tpu.vector_load %arg15[%get3A_366, %get3A_367] {strides = array<i32>} : memref<64x128xf32, #tpu.memory_space<vmem>>, vector<16xf32>,
        %mul3A_369 = arith.mulf %get3A_368, %exp3A_337 : vector<16xf32>
        %swap3A_370 = arith.index_cast %add3A_262 : i32 to index
        %swap3A_371 = arith.constant 64 : index
        %swap3A_372 = tpu.vector_load %arg16[%swap3A_370, %swap3A_371] {strides = array<i32>} : memref<64x144xf32, #tpu.memory_space<vmem>>, vector<16xf32>,
        tpu.vector_store %arg16[%swap3A_370, %swap3A_371], %mul3A_369 {strides = array<i32>} : memref<64x144xf32, #tpu.memory_space<vmem>>, vector<16xf32>,
        %get3A_373 = arith.index_cast %add3A_262 : i32 to index
        %get3A_374 = arith.constant 80 : index
        %get3A_375 = tpu.vector_load %arg15[%get3A_373, %get3A_374] {strides = array<i32>} : memref<64x128xf32, #tpu.memory_space<vmem>>, vector<16xf32>,
        %mul3A_376 = arith.mulf %get3A_375, %exp3A_337 : vector<16xf32>
        %swap3A_377 = arith.index_cast %add3A_262 : i32 to index
        %swap3A_378 = arith.constant 80 : index
        %swap3A_379 = tpu.vector_load %arg16[%swap3A_377, %swap3A_378] {strides = array<i32>} : memref<64x144xf32, #tpu.memory_space<vmem>>, vector<16xf32>,
        tpu.vector_store %arg16[%swap3A_377, %swap3A_378], %mul3A_376 {strides = array<i32>} : memref<64x144xf32, #tpu.memory_space<vmem>>, vector<16xf32>,
        %get3A_380 = arith.index_cast %add3A_262 : i32 to index
        %get3A_381 = arith.constant 96 : index
        %get3A_382 = tpu.vector_load %arg15[%get3A_380, %get3A_381] {strides = array<i32>} : memref<64x128xf32, #tpu.memory_space<vmem>>, vector<16xf32>,
        %mul3A_383 = arith.mulf %get3A_382, %exp3A_337 : vector<16xf32>
        %swap3A_384 = arith.index_cast %add3A_262 : i32 to index
        %swap3A_385 = arith.constant 96 : index
        %swap3A_386 = tpu.vector_load %arg16[%swap3A_384, %swap3A_385] {strides = array<i32>} : memref<64x144xf32, #tpu.memory_space<vmem>>, vector<16xf32>,
        tpu.vector_store %arg16[%swap3A_384, %swap3A_385], %mul3A_383 {strides = array<i32>} : memref<64x144xf32, #tpu.memory_space<vmem>>, vector<16xf32>,
        %get3A_387 = arith.index_cast %add3A_262 : i32 to index
        %get3A_388 = arith.constant 112 : index
        %get3A_389 = tpu.vector_load %arg15[%get3A_387, %get3A_388] {strides = array<i32>} : memref<64x128xf32, #tpu.memory_space<vmem>>, vector<16xf32>,
        %mul3A_390 = arith.mulf %get3A_389, %exp3A_337 : vector<16xf32>
        %swap3A_391 = arith.index_cast %add3A_262 : i32 to index
        %swap3A_392 = arith.constant 112 : index
        %swap3A_393 = tpu.vector_load %arg16[%swap3A_391, %swap3A_392] {strides = array<i32>} : memref<64x144xf32, #tpu.memory_space<vmem>>, vector<16xf32>,
        tpu.vector_store %arg16[%swap3A_391, %swap3A_392], %mul3A_390 {strides = array<i32>} : memref<64x144xf32, #tpu.memory_space<vmem>>, vector<16xf32>,
        %lt3A_394 = arith.constant 8 : i32
        %lt3A_395 = vector.broadcast %lt3A_394 : i32 to vector<16xi32>
        %lt3A_396 = arith.cmpi slt, %iota3A, %lt3A_395 : vector<16xi32>
        %select_n3A = arith.select %lt3A_396, %exp3A, %exp3A_337 : vector<16xi1>, vector<16xf32>
        %swap3A_397 = arith.index_cast %add3A_262 : i32 to index
        %swap3A_398 = arith.constant 128 : index
        %swap3A_399 = tpu.vector_load %arg16[%swap3A_397, %swap3A_398] {strides = array<i32>} : memref<64x144xf32, #tpu.memory_space<vmem>>, vector<16xf32>,
        tpu.vector_store %arg16[%swap3A_397, %swap3A_398], %select_n3A {strides = array<i32>} : memref<64x144xf32, #tpu.memory_space<vmem>>, vector<16xf32>,
        %scan3A_400 = arith.constant 1 : i32
      } else {
      }
    }
    %scan3A_24 = arith.constant 79 : i32
    %barrier3A_25 = arith.constant 0 : index
    tpu.barrier barrier_id(%barrier3A_25)
    %lt3A = arith.constant 15 : i32
    %lt3A_26 = arith.cmpi slt, %arg1, %lt3A : i32
    %convert_element_type3A = arith.extui %lt3A_26 : i1 to i32
    %cond3A = arith.constant 0 : i32
    %cond3A_27 = arith.cmpi ne, %convert_element_type3A, %cond3A : i32
    scf.if %cond3A_27 {
      %mul3A_147 = arith.constant 640 : i32
      %mul3A_148 = arith.muli %arg1, %mul3A_147 : i32
      %mul3A_149 = arith.constant 640 : i32
      %mul3A_150 = arith.muli %arg1, %mul3A_149 : i32
      %run_scoped3A = arith.constant 0 : i32
      "tpu.region"() ({
        %run_scoped3A_151 = tpu.sem_alloc : memref<!tpu.dma_semaphore, #tpu.memory_space<semaphore_mem>>
        %dma_start3A = arith.constant 0 : i32
        %dma_start3A_152 = tpu.memref_slice %arg8[%arg0, %run_scoped3A, %mul3A_150, %dma_start3A] : memref<2x4x10000x144xf32, #tpu.memory_space<hbm>> -> memref<1x1x640x144xf32, #tpu.memory_space<hbm>>
        %dma_start3A_153 = tpu.memref_squeeze %dma_start3A_152 : memref<1x1x640x144xf32, #tpu.memory_space<hbm>> -> memref<640x144xf32, #tpu.memory_space<hbm>>
        %dma_start3A_154 = arith.constant 0 : i32
        %dma_start3A_155 = tpu.memref_slice %arg17[%mul3A_148, %dma_start3A_154] : memref<10240x144xf32, #tpu.memory_space<vmem_shared>> -> memref<640x144xf32, #tpu.memory_space<vmem_shared>>
        tpu.enqueue_dma source(%dma_start3A_155 : memref<640x144xf32, #tpu.memory_space<vmem_shared>>) target(%dma_start3A_153 : memref<640x144xf32, #tpu.memory_space<hbm>>) target_semaphore(%run_scoped3A_151 : memref<!tpu.dma_semaphore, #tpu.memory_space<semaphore_mem>>)
        %dma_wait3A = arith.constant 0 : i32
        %dma_wait3A_156 = tpu.memref_slice %arg8[%arg0, %run_scoped3A, %mul3A_150, %dma_wait3A] : memref<2x4x10000x144xf32, #tpu.memory_space<hbm>> -> memref<1x1x640x144xf32, #tpu.memory_space<hbm>>
        %dma_wait3A_157 = tpu.memref_squeeze %dma_wait3A_156 : memref<1x1x640x144xf32, #tpu.memory_space<hbm>> -> memref<640x144xf32, #tpu.memory_space<hbm>>
        %dma_wait3A_158 = arith.constant 0 : i32
        %dma_wait3A_159 = tpu.memref_slice %arg17[%mul3A_148, %dma_wait3A_158] : memref<10240x144xf32, #tpu.memory_space<vmem_shared>> -> memref<640x144xf32, #tpu.memory_space<vmem_shared>>
        tpu.wait_dma2 semaphore(%run_scoped3A_151 : memref<!tpu.dma_semaphore, #tpu.memory_space<semaphore_mem>>) src(%dma_wait3A_159 : memref<640x144xf32, #tpu.memory_space<vmem_shared>>) dst(%dma_wait3A_157 : memref<640x144xf32, #tpu.memory_space<hbm>>)
        tpu.yield
      }) : () -> ()
    } else {
    }
    %eq3A = arith.constant 15 : i32
    %eq3A_28 = arith.cmpi eq, %arg1, %eq3A : i32
    %convert_element_type3A_29 = arith.extui %eq3A_28 : i1 to i32
    %cond3A_30 = arith.constant 0 : i32
    %cond3A_31 = arith.cmpi ne, %convert_element_type3A_29, %cond3A_30 : i32
    scf.if %cond3A_31 {
      %run_scoped3A = arith.constant 0 : i32
      "tpu.region"() ({
        %run_scoped3A_147 = tpu.sem_alloc : memref<!tpu.dma_semaphore, #tpu.memory_space<semaphore_mem>>
        %dma_start3A = arith.constant 9600 : i32
        %dma_start3A_148 = arith.constant 0 : i32
        %dma_start3A_149 = tpu.memref_slice %arg8[%arg0, %run_scoped3A, %dma_start3A, %dma_start3A_148] : memref<2x4x10000x144xf32, #tpu.memory_space<hbm>> -> memref<1x1x400x144xf32, #tpu.memory_space<hbm>>
        %dma_start3A_150 = tpu.memref_squeeze %dma_start3A_149 : memref<1x1x400x144xf32, #tpu.memory_space<hbm>> -> memref<400x144xf32, #tpu.memory_space<hbm>>
        %dma_start3A_151 = arith.constant 9600 : i32
        %dma_start3A_152 = arith.constant 0 : i32
        %dma_start3A_153 = tpu.memref_slice %arg17[%dma_start3A_151, %dma_start3A_152] : memref<10240x144xf32, #tpu.memory_space<vmem_shared>> -> memref<400x144xf32, #tpu.memory_space<vmem_shared>>
        tpu.enqueue_dma source(%dma_start3A_153 : memref<400x144xf32, #tpu.memory_space<vmem_shared>>) target(%dma_start3A_150 : memref<400x144xf32, #tpu.memory_space<hbm>>) target_semaphore(%run_scoped3A_147 : memref<!tpu.dma_semaphore, #tpu.memory_space<semaphore_mem>>)
        %dma_wait3A = arith.constant 9600 : i32
        %dma_wait3A_154 = arith.constant 0 : i32
        %dma_wait3A_155 = tpu.memref_slice %arg8[%arg0, %run_scoped3A, %dma_wait3A, %dma_wait3A_154] : memref<2x4x10000x144xf32, #tpu.memory_space<hbm>> -> memref<1x1x400x144xf32, #tpu.memory_space<hbm>>
        %dma_wait3A_156 = tpu.memref_squeeze %dma_wait3A_155 : memref<1x1x400x144xf32, #tpu.memory_space<hbm>> -> memref<400x144xf32, #tpu.memory_space<hbm>>
        %dma_wait3A_157 = arith.constant 9600 : i32
        %dma_wait3A_158 = arith.constant 0 : i32
        %dma_wait3A_159 = tpu.memref_slice %arg17[%dma_wait3A_157, %dma_wait3A_158] : memref<10240x144xf32, #tpu.memory_space<vmem_shared>> -> memref<400x144xf32, #tpu.memory_space<vmem_shared>>
        tpu.wait_dma2 semaphore(%run_scoped3A_147 : memref<!tpu.dma_semaphore, #tpu.memory_space<semaphore_mem>>) src(%dma_wait3A_159 : memref<400x144xf32, #tpu.memory_space<vmem_shared>>) dst(%dma_wait3A_156 : memref<400x144xf32, #tpu.memory_space<hbm>>)
        tpu.yield
      }) : () -> ()
    } else {
    }
    %barrier3A_32 = arith.constant 0 : index
    tpu.barrier barrier_id(%barrier3A_32)
    %mul3A_33 = arith.constant 640 : i32
    %mul3A_34 = arith.muli %arg1, %mul3A_33 : i32
    %add3A_35 = arith.constant 0 : i32
    %add3A_36 = arith.addi %mul3A_34, %add3A_35 : i32
    "tpu.region"() ({
      %run_scoped3A = tpu.sem_alloc : memref<!tpu.dma_semaphore, #tpu.memory_space<semaphore_mem>>
      %dma_start3A = arith.constant 0 : i32
      %dma_start3A_147 = tpu.memref_slice %arg17[%add3A_36, %dma_start3A] : memref<10240x144xf32, #tpu.memory_space<vmem_shared>> -> memref<128x144xf32, #tpu.memory_space<vmem_shared>>
      tpu.enqueue_dma source(%arg7 : memref<128x144xf32, #tpu.memory_space<hbm>>) target(%dma_start3A_147 : memref<128x144xf32, #tpu.memory_space<vmem_shared>>) target_semaphore(%run_scoped3A : memref<!tpu.dma_semaphore, #tpu.memory_space<semaphore_mem>>)
      %dma_wait3A = arith.constant 0 : i32
      %dma_wait3A_148 = tpu.memref_slice %arg17[%add3A_36, %dma_wait3A] : memref<10240x144xf32, #tpu.memory_space<vmem_shared>> -> memref<128x144xf32, #tpu.memory_space<vmem_shared>>
      tpu.wait_dma2 semaphore(%run_scoped3A : memref<!tpu.dma_semaphore, #tpu.memory_space<semaphore_mem>>) src(%arg7 : memref<128x144xf32, #tpu.memory_space<hbm>>) dst(%dma_wait3A_148 : memref<128x144xf32, #tpu.memory_space<vmem_shared>>)
      tpu.yield
    }) : () -> ()
    %mul3A_37 = arith.constant 640 : i32
    %mul3A_38 = arith.muli %arg1, %mul3A_37 : i32
    %add3A_39 = arith.constant 128 : i32
    %add3A_40 = arith.addi %mul3A_38, %add3A_39 : i32
    "tpu.region"() ({
      %run_scoped3A = tpu.sem_alloc : memref<!tpu.dma_semaphore, #tpu.memory_space<semaphore_mem>>
      %dma_start3A = arith.constant 0 : i32
      %dma_start3A_147 = tpu.memref_slice %arg17[%add3A_40, %dma_start3A] : memref<10240x144xf32, #tpu.memory_space<vmem_shared>> -> memref<128x144xf32, #tpu.memory_space<vmem_shared>>
      tpu.enqueue_dma source(%arg7 : memref<128x144xf32, #tpu.memory_space<hbm>>) target(%dma_start3A_147 : memref<128x144xf32, #tpu.memory_space<vmem_shared>>) target_semaphore(%run_scoped3A : memref<!tpu.dma_semaphore, #tpu.memory_space<semaphore_mem>>)
      %dma_wait3A = arith.constant 0 : i32
      %dma_wait3A_148 = tpu.memref_slice %arg17[%add3A_40, %dma_wait3A] : memref<10240x144xf32, #tpu.memory_space<vmem_shared>> -> memref<128x144xf32, #tpu.memory_space<vmem_shared>>
      tpu.wait_dma2 semaphore(%run_scoped3A : memref<!tpu.dma_semaphore, #tpu.memory_space<semaphore_mem>>) src(%arg7 : memref<128x144xf32, #tpu.memory_space<hbm>>) dst(%dma_wait3A_148 : memref<128x144xf32, #tpu.memory_space<vmem_shared>>)
      tpu.yield
    }) : () -> ()
    %mul3A_41 = arith.constant 640 : i32
    %mul3A_42 = arith.muli %arg1, %mul3A_41 : i32
    %add3A_43 = arith.constant 256 : i32
    %add3A_44 = arith.addi %mul3A_42, %add3A_43 : i32
    "tpu.region"() ({
      %run_scoped3A = tpu.sem_alloc : memref<!tpu.dma_semaphore, #tpu.memory_space<semaphore_mem>>
      %dma_start3A = arith.constant 0 : i32
      %dma_start3A_147 = tpu.memref_slice %arg17[%add3A_44, %dma_start3A] : memref<10240x144xf32, #tpu.memory_space<vmem_shared>> -> memref<128x144xf32, #tpu.memory_space<vmem_shared>>
      tpu.enqueue_dma source(%arg7 : memref<128x144xf32, #tpu.memory_space<hbm>>) target(%dma_start3A_147 : memref<128x144xf32, #tpu.memory_space<vmem_shared>>) target_semaphore(%run_scoped3A : memref<!tpu.dma_semaphore, #tpu.memory_space<semaphore_mem>>)
      %dma_wait3A = arith.constant 0 : i32
      %dma_wait3A_148 = tpu.memref_slice %arg17[%add3A_44, %dma_wait3A] : memref<10240x144xf32, #tpu.memory_space<vmem_shared>> -> memref<128x144xf32, #tpu.memory_space<vmem_shared>>
      tpu.wait_dma2 semaphore(%run_scoped3A : memref<!tpu.dma_semaphore, #tpu.memory_space<semaphore_mem>>) src(%arg7 : memref<128x144xf32, #tpu.memory_space<hbm>>) dst(%dma_wait3A_148 : memref<128x144xf32, #tpu.memory_space<vmem_shared>>)
      tpu.yield
    }) : () -> ()
    %mul3A_45 = arith.constant 640 : i32
    %mul3A_46 = arith.muli %arg1, %mul3A_45 : i32
    %add3A_47 = arith.constant 384 : i32
    %add3A_48 = arith.addi %mul3A_46, %add3A_47 : i32
    "tpu.region"() ({
      %run_scoped3A = tpu.sem_alloc : memref<!tpu.dma_semaphore, #tpu.memory_space<semaphore_mem>>
      %dma_start3A = arith.constant 0 : i32
      %dma_start3A_147 = tpu.memref_slice %arg17[%add3A_48, %dma_start3A] : memref<10240x144xf32, #tpu.memory_space<vmem_shared>> -> memref<128x144xf32, #tpu.memory_space<vmem_shared>>
      tpu.enqueue_dma source(%arg7 : memref<128x144xf32, #tpu.memory_space<hbm>>) target(%dma_start3A_147 : memref<128x144xf32, #tpu.memory_space<vmem_shared>>) target_semaphore(%run_scoped3A : memref<!tpu.dma_semaphore, #tpu.memory_space<semaphore_mem>>)
      %dma_wait3A = arith.constant 0 : i32
      %dma_wait3A_148 = tpu.memref_slice %arg17[%add3A_48, %dma_wait3A] : memref<10240x144xf32, #tpu.memory_space<vmem_shared>> -> memref<128x144xf32, #tpu.memory_space<vmem_shared>>
      tpu.wait_dma2 semaphore(%run_scoped3A : memref<!tpu.dma_semaphore, #tpu.memory_space<semaphore_mem>>) src(%arg7 : memref<128x144xf32, #tpu.memory_space<hbm>>) dst(%dma_wait3A_148 : memref<128x144xf32, #tpu.memory_space<vmem_shared>>)
      tpu.yield
    }) : () -> ()
    %mul3A_49 = arith.constant 640 : i32
    %mul3A_50 = arith.muli %arg1, %mul3A_49 : i32
    %add3A_51 = arith.constant 512 : i32
    %add3A_52 = arith.addi %mul3A_50, %add3A_51 : i32
    "tpu.region"() ({
      %run_scoped3A = tpu.sem_alloc : memref<!tpu.dma_semaphore, #tpu.memory_space<semaphore_mem>>
      %dma_start3A = arith.constant 0 : i32
      %dma_start3A_147 = tpu.memref_slice %arg17[%add3A_52, %dma_start3A] : memref<10240x144xf32, #tpu.memory_space<vmem_shared>> -> memref<128x144xf32, #tpu.memory_space<vmem_shared>>
      tpu.enqueue_dma source(%arg7 : memref<128x144xf32, #tpu.memory_space<hbm>>) target(%dma_start3A_147 : memref<128x144xf32, #tpu.memory_space<vmem_shared>>) target_semaphore(%run_scoped3A : memref<!tpu.dma_semaphore, #tpu.memory_space<semaphore_mem>>)
      %dma_wait3A = arith.constant 0 : i32
      %dma_wait3A_148 = tpu.memref_slice %arg17[%add3A_52, %dma_wait3A] : memref<10240x144xf32, #tpu.memory_space<vmem_shared>> -> memref<128x144xf32, #tpu.memory_space<vmem_shared>>
      tpu.wait_dma2 semaphore(%run_scoped3A : memref<!tpu.dma_semaphore, #tpu.memory_space<semaphore_mem>>) src(%arg7 : memref<128x144xf32, #tpu.memory_space<hbm>>) dst(%dma_wait3A_148 : memref<128x144xf32, #tpu.memory_space<vmem_shared>>)
      tpu.yield
    }) : () -> ()
    %barrier3A_53 = arith.constant 0 : index
    tpu.barrier barrier_id(%barrier3A_53)
    %scan3A_54 = arith.constant 0 : i32
    %scan3A_55 = arith.constant 79 : i32
    %scan3A_56 = arith.addi %scan3A_54, %scan3A_55 : i32
    %scan3A_57 = arith.constant 1 : i32
    scf.for %scan3A_147 = %scan3A_54 to %scan3A_56 step %scan3A_57  : i32 {
      %mul3A_148 = arith.constant 1 : i32
      %mul3A_149 = arith.muli %scan3A_147, %mul3A_148 : i32
      %add3A_150 = arith.constant 0 : i32
      %add3A_151 = arith.addi %add3A_150, %mul3A_149 : i32
      %mul3A_152 = arith.constant 32 : i32
      %mul3A_153 = arith.muli %add3A_151, %mul3A_152 : i32
      %add3A_154 = arith.addi %add3A, %mul3A_153 : i32
      %lt3A_155 = arith.constant 2500 : i32
      %lt3A_156 = arith.cmpi slt, %add3A_154, %lt3A_155 : i32
      %convert_element_type3A_157 = arith.extui %lt3A_156 : i1 to i32
      %cond3A_158 = arith.constant 0 : i32
      %cond3A_159 = arith.cmpi ne, %convert_element_type3A_157, %cond3A_158 : i32
      scf.if %cond3A_159 {
        %mul3A_160 = arith.constant 64 : i32
        %mul3A_161 = arith.muli %add3A_154, %mul3A_160 : i32
        "tpu.region"() ({
          %run_scoped3A = tpu.sem_alloc : memref<!tpu.dma_semaphore, #tpu.memory_space<semaphore_mem>>
          %dma_start3A_401 = tpu.memref_slice %arg5[%mul3A_161] : memref<160000xi32, #tpu.memory_space<hbm>> -> memref<64xi32, #tpu.memory_space<hbm>>
          %dma_start3A_402 = tpu.memref_slice %arg5[%mul3A_161] : memref<160000xi32, #tpu.memory_space<hbm>> -> memref<64xi32, #tpu.memory_space<hbm>>
          tpu.enqueue_dma source(%dma_start3A_402 : memref<64xi32, #tpu.memory_space<hbm>>) target(%arg9 : memref<64xi32, #tpu.memory_space<vmem>>) target_semaphore(%run_scoped3A : memref<!tpu.dma_semaphore, #tpu.memory_space<semaphore_mem>>)
          %dma_wait3A_403 = tpu.memref_slice %arg5[%mul3A_161] : memref<160000xi32, #tpu.memory_space<hbm>> -> memref<64xi32, #tpu.memory_space<hbm>>
          %dma_wait3A_404 = tpu.memref_slice %arg5[%mul3A_161] : memref<160000xi32, #tpu.memory_space<hbm>> -> memref<64xi32, #tpu.memory_space<hbm>>
          tpu.wait_dma2 semaphore(%run_scoped3A : memref<!tpu.dma_semaphore, #tpu.memory_space<semaphore_mem>>) src(%dma_wait3A_404 : memref<64xi32, #tpu.memory_space<hbm>>) dst(%arg9 : memref<64xi32, #tpu.memory_space<vmem>>)
          tpu.yield
        }) : () -> ()
        %mul3A_162 = arith.constant 64 : i32
        %mul3A_163 = arith.muli %add3A_154, %mul3A_162 : i32
        "tpu.region"() ({
          %run_scoped3A = tpu.sem_alloc : memref<!tpu.dma_semaphore, #tpu.memory_space<semaphore_mem>>
          %dma_start3A_401 = tpu.memref_slice %arg6[%mul3A_163] : memref<160000xi32, #tpu.memory_space<hbm>> -> memref<64xi32, #tpu.memory_space<hbm>>
          %dma_start3A_402 = tpu.memref_slice %arg6[%mul3A_163] : memref<160000xi32, #tpu.memory_space<hbm>> -> memref<64xi32, #tpu.memory_space<hbm>>
          tpu.enqueue_dma source(%dma_start3A_402 : memref<64xi32, #tpu.memory_space<hbm>>) target(%arg10 : memref<64xi32, #tpu.memory_space<vmem>>) target_semaphore(%run_scoped3A : memref<!tpu.dma_semaphore, #tpu.memory_space<semaphore_mem>>)
          %dma_wait3A_403 = tpu.memref_slice %arg6[%mul3A_163] : memref<160000xi32, #tpu.memory_space<hbm>> -> memref<64xi32, #tpu.memory_space<hbm>>
          %dma_wait3A_404 = tpu.memref_slice %arg6[%mul3A_163] : memref<160000xi32, #tpu.memory_space<hbm>> -> memref<64xi32, #tpu.memory_space<hbm>>
          tpu.wait_dma2 semaphore(%run_scoped3A : memref<!tpu.dma_semaphore, #tpu.memory_space<semaphore_mem>>) src(%dma_wait3A_404 : memref<64xi32, #tpu.memory_space<hbm>>) dst(%arg10 : memref<64xi32, #tpu.memory_space<vmem>>)
          tpu.yield
        }) : () -> ()
        %get3A = arith.constant 0 : index
        %get3A_164 = tpu.vector_load %arg10[%get3A] {strides = array<i32>} : memref<64xi32, #tpu.memory_space<vmem>>, vector<16xi32>,
        %mul3A_165 = arith.constant 4 : i32
        %mul3A_166 = vector.broadcast %mul3A_165 : i32 to vector<16xi32>
        %mul3A_167 = arith.muli %get3A_164, %mul3A_166 : vector<16xi32>
        %add3A_168 = arith.constant 1 : i32
        %add3A_169 = vector.broadcast %add3A_168 : i32 to vector<16xi32>
        %add3A_170 = arith.addi %mul3A_167, %add3A_169 : vector<16xi32>
        %swap3A = arith.constant 0 : index
        %swap3A_171 = tpu.vector_load %arg11[%swap3A] {strides = array<i32>} : memref<64xi32, #tpu.memory_space<vmem>>, vector<16xi32>,
        tpu.vector_store %arg11[%swap3A], %add3A_170 {strides = array<i32>} : memref<64xi32, #tpu.memory_space<vmem>>, vector<16xi32>,
        %get3A_172 = arith.constant 0 : index
        %get3A_173 = tpu.vector_load %arg9[%get3A_172] {strides = array<i32>} : memref<64xi32, #tpu.memory_space<vmem>>, vector<16xi32>,
        %mul3A_174 = arith.constant 4 : i32
        %mul3A_175 = vector.broadcast %mul3A_174 : i32 to vector<16xi32>
        %mul3A_176 = arith.muli %get3A_173, %mul3A_175 : vector<16xi32>
        %add3A_177 = arith.constant 1 : i32
        %add3A_178 = vector.broadcast %add3A_177 : i32 to vector<16xi32>
        %add3A_179 = arith.addi %mul3A_176, %add3A_178 : vector<16xi32>
        %swap3A_180 = arith.constant 0 : index
        %swap3A_181 = tpu.vector_load %arg12[%swap3A_180] {strides = array<i32>} : memref<64xi32, #tpu.memory_space<vmem>>, vector<16xi32>,
        tpu.vector_store %arg12[%swap3A_180], %add3A_179 {strides = array<i32>} : memref<64xi32, #tpu.memory_space<vmem>>, vector<16xi32>,
        %get3A_182 = arith.constant 16 : index
        %get3A_183 = tpu.vector_load %arg10[%get3A_182] {strides = array<i32>} : memref<64xi32, #tpu.memory_space<vmem>>, vector<16xi32>,
        %mul3A_184 = arith.constant 4 : i32
        %mul3A_185 = vector.broadcast %mul3A_184 : i32 to vector<16xi32>
        %mul3A_186 = arith.muli %get3A_183, %mul3A_185 : vector<16xi32>
        %add3A_187 = arith.constant 1 : i32
        %add3A_188 = vector.broadcast %add3A_187 : i32 to vector<16xi32>
        %add3A_189 = arith.addi %mul3A_186, %add3A_188 : vector<16xi32>
        %swap3A_190 = arith.constant 16 : index
        %swap3A_191 = tpu.vector_load %arg11[%swap3A_190] {strides = array<i32>} : memref<64xi32, #tpu.memory_space<vmem>>, vector<16xi32>,
        tpu.vector_store %arg11[%swap3A_190], %add3A_189 {strides = array<i32>} : memref<64xi32, #tpu.memory_space<vmem>>, vector<16xi32>,
        %get3A_192 = arith.constant 16 : index
        %get3A_193 = tpu.vector_load %arg9[%get3A_192] {strides = array<i32>} : memref<64xi32, #tpu.memory_space<vmem>>, vector<16xi32>,
        %mul3A_194 = arith.constant 4 : i32
        %mul3A_195 = vector.broadcast %mul3A_194 : i32 to vector<16xi32>
        %mul3A_196 = arith.muli %get3A_193, %mul3A_195 : vector<16xi32>
        %add3A_197 = arith.constant 1 : i32
        %add3A_198 = vector.broadcast %add3A_197 : i32 to vector<16xi32>
        %add3A_199 = arith.addi %mul3A_196, %add3A_198 : vector<16xi32>
        %swap3A_200 = arith.constant 16 : index
        %swap3A_201 = tpu.vector_load %arg12[%swap3A_200] {strides = array<i32>} : memref<64xi32, #tpu.memory_space<vmem>>, vector<16xi32>,
        tpu.vector_store %arg12[%swap3A_200], %add3A_199 {strides = array<i32>} : memref<64xi32, #tpu.memory_space<vmem>>, vector<16xi32>,
        %get3A_202 = arith.constant 32 : index
        %get3A_203 = tpu.vector_load %arg10[%get3A_202] {strides = array<i32>} : memref<64xi32, #tpu.memory_space<vmem>>, vector<16xi32>,
        %mul3A_204 = arith.constant 4 : i32
        %mul3A_205 = vector.broadcast %mul3A_204 : i32 to vector<16xi32>
        %mul3A_206 = arith.muli %get3A_203, %mul3A_205 : vector<16xi32>
        %add3A_207 = arith.constant 1 : i32
        %add3A_208 = vector.broadcast %add3A_207 : i32 to vector<16xi32>
        %add3A_209 = arith.addi %mul3A_206, %add3A_208 : vector<16xi32>
        %swap3A_210 = arith.constant 32 : index
        %swap3A_211 = tpu.vector_load %arg11[%swap3A_210] {strides = array<i32>} : memref<64xi32, #tpu.memory_space<vmem>>, vector<16xi32>,
        tpu.vector_store %arg11[%swap3A_210], %add3A_209 {strides = array<i32>} : memref<64xi32, #tpu.memory_space<vmem>>, vector<16xi32>,
        %get3A_212 = arith.constant 32 : index
        %get3A_213 = tpu.vector_load %arg9[%get3A_212] {strides = array<i32>} : memref<64xi32, #tpu.memory_space<vmem>>, vector<16xi32>,
        %mul3A_214 = arith.constant 4 : i32
        %mul3A_215 = vector.broadcast %mul3A_214 : i32 to vector<16xi32>
        %mul3A_216 = arith.muli %get3A_213, %mul3A_215 : vector<16xi32>
        %add3A_217 = arith.constant 1 : i32
        %add3A_218 = vector.broadcast %add3A_217 : i32 to vector<16xi32>
        %add3A_219 = arith.addi %mul3A_216, %add3A_218 : vector<16xi32>
        %swap3A_220 = arith.constant 32 : index
        %swap3A_221 = tpu.vector_load %arg12[%swap3A_220] {strides = array<i32>} : memref<64xi32, #tpu.memory_space<vmem>>, vector<16xi32>,
        tpu.vector_store %arg12[%swap3A_220], %add3A_219 {strides = array<i32>} : memref<64xi32, #tpu.memory_space<vmem>>, vector<16xi32>,
        %get3A_222 = arith.constant 48 : index
        %get3A_223 = tpu.vector_load %arg10[%get3A_222] {strides = array<i32>} : memref<64xi32, #tpu.memory_space<vmem>>, vector<16xi32>,
        %mul3A_224 = arith.constant 4 : i32
        %mul3A_225 = vector.broadcast %mul3A_224 : i32 to vector<16xi32>
        %mul3A_226 = arith.muli %get3A_223, %mul3A_225 : vector<16xi32>
        %add3A_227 = arith.constant 1 : i32
        %add3A_228 = vector.broadcast %add3A_227 : i32 to vector<16xi32>
        %add3A_229 = arith.addi %mul3A_226, %add3A_228 : vector<16xi32>
        %swap3A_230 = arith.constant 48 : index
        %swap3A_231 = tpu.vector_load %arg11[%swap3A_230] {strides = array<i32>} : memref<64xi32, #tpu.memory_space<vmem>>, vector<16xi32>,
        tpu.vector_store %arg11[%swap3A_230], %add3A_229 {strides = array<i32>} : memref<64xi32, #tpu.memory_space<vmem>>, vector<16xi32>,
        %get3A_232 = arith.constant 48 : index
        %get3A_233 = tpu.vector_load %arg9[%get3A_232] {strides = array<i32>} : memref<64xi32, #tpu.memory_space<vmem>>, vector<16xi32>,
        %mul3A_234 = arith.constant 4 : i32
        %mul3A_235 = vector.broadcast %mul3A_234 : i32 to vector<16xi32>
        %mul3A_236 = arith.muli %get3A_233, %mul3A_235 : vector<16xi32>
        %add3A_237 = arith.constant 1 : i32
        %add3A_238 = vector.broadcast %add3A_237 : i32 to vector<16xi32>
        %add3A_239 = arith.addi %mul3A_236, %add3A_238 : vector<16xi32>
        %swap3A_240 = arith.constant 48 : index
        %swap3A_241 = tpu.vector_load %arg12[%swap3A_240] {strides = array<i32>} : memref<64xi32, #tpu.memory_space<vmem>>, vector<16xi32>,
        tpu.vector_store %arg12[%swap3A_240], %add3A_239 {strides = array<i32>} : memref<64xi32, #tpu.memory_space<vmem>>, vector<16xi32>,
        %dma_start3A = arith.constant 0 : i32
        %dma_start3A_242 = arith.constant 0 : i32
        %dma_start3A_243 = tpu.memref_slice %arg2[%dma_start3A, %dma_start3A_242] : memref<40000x128xf32, #tpu.memory_space<hbm>> -> memref<40000x128xf32, #tpu.memory_space<hbm>>
        tpu.enqueue_indirect_dma source(%dma_start3A_243 : memref<40000x128xf32, #tpu.memory_space<hbm>>) target(%arg13 : memref<64x128xf32, #tpu.memory_space<vmem>>) offsets(%arg11 : memref<64xi32, #tpu.memory_space<vmem>>) semaphore(%arg18 : memref<!tpu.dma_semaphore, #tpu.memory_space<semaphore_mem>>)
        %dma_start3A_244 = arith.constant 0 : i32
        %dma_start3A_245 = arith.constant 0 : i32
        %dma_start3A_246 = tpu.memref_slice %arg3[%dma_start3A_244, %dma_start3A_245] : memref<40000x128xf32, #tpu.memory_space<hbm>> -> memref<40000x128xf32, #tpu.memory_space<hbm>>
        tpu.enqueue_indirect_dma source(%dma_start3A_246 : memref<40000x128xf32, #tpu.memory_space<hbm>>) target(%arg14 : memref<64x128xf32, #tpu.memory_space<vmem>>) offsets(%arg12 : memref<64xi32, #tpu.memory_space<vmem>>) semaphore(%arg19 : memref<!tpu.dma_semaphore, #tpu.memory_space<semaphore_mem>>)
        %dma_start3A_247 = arith.constant 0 : i32
        %dma_start3A_248 = arith.constant 0 : i32
        %dma_start3A_249 = tpu.memref_slice %arg4[%dma_start3A_247, %dma_start3A_248] : memref<40000x128xf32, #tpu.memory_space<hbm>> -> memref<40000x128xf32, #tpu.memory_space<hbm>>
        tpu.enqueue_indirect_dma source(%dma_start3A_249 : memref<40000x128xf32, #tpu.memory_space<hbm>>) target(%arg15 : memref<64x128xf32, #tpu.memory_space<vmem>>) offsets(%arg12 : memref<64xi32, #tpu.memory_space<vmem>>) semaphore(%arg20 : memref<!tpu.dma_semaphore, #tpu.memory_space<semaphore_mem>>)
        %dma_wait3A = arith.constant 0 : i32
        %dma_wait3A_250 = arith.constant 0 : i32
        %dma_wait3A_251 = tpu.memref_slice %arg2[%dma_wait3A, %dma_wait3A_250] : memref<40000x128xf32, #tpu.memory_space<hbm>> -> memref<40000x128xf32, #tpu.memory_space<hbm>>
        tpu.wait_indirect_dma semaphore(%arg18 : memref<!tpu.dma_semaphore, #tpu.memory_space<semaphore_mem>>) src(%dma_wait3A_251 : memref<40000x128xf32, #tpu.memory_space<hbm>>) dst(%arg13 : memref<64x128xf32, #tpu.memory_space<vmem>>)
        %dma_wait3A_252 = arith.constant 0 : i32
        %dma_wait3A_253 = arith.constant 0 : i32
        %dma_wait3A_254 = tpu.memref_slice %arg3[%dma_wait3A_252, %dma_wait3A_253] : memref<40000x128xf32, #tpu.memory_space<hbm>> -> memref<40000x128xf32, #tpu.memory_space<hbm>>
        tpu.wait_indirect_dma semaphore(%arg19 : memref<!tpu.dma_semaphore, #tpu.memory_space<semaphore_mem>>) src(%dma_wait3A_254 : memref<40000x128xf32, #tpu.memory_space<hbm>>) dst(%arg14 : memref<64x128xf32, #tpu.memory_space<vmem>>)
        %dma_wait3A_255 = arith.constant 0 : i32
        %dma_wait3A_256 = arith.constant 0 : i32
        %dma_wait3A_257 = tpu.memref_slice %arg4[%dma_wait3A_255, %dma_wait3A_256] : memref<40000x128xf32, #tpu.memory_space<hbm>> -> memref<40000x128xf32, #tpu.memory_space<hbm>>
        tpu.wait_indirect_dma semaphore(%arg20 : memref<!tpu.dma_semaphore, #tpu.memory_space<semaphore_mem>>) src(%dma_wait3A_257 : memref<40000x128xf32, #tpu.memory_space<hbm>>) dst(%arg15 : memref<64x128xf32, #tpu.memory_space<vmem>>)
        %scan3A_258 = arith.constant 0 : i32
        %mul3A_259 = arith.constant 1 : i32
        %mul3A_260 = arith.muli %scan3A_258, %mul3A_259 : i32
        %add3A_261 = arith.constant 0 : i32
        %add3A_262 = arith.addi %add3A_261, %mul3A_260 : i32
        %get3A_263 = arith.index_cast %add3A_262 : i32 to index
        %get3A_264 = arith.constant 0 : index
        %get3A_265 = tpu.vector_load %arg13[%get3A_263, %get3A_264] {strides = array<i32>} : memref<64x128xf32, #tpu.memory_space<vmem>>, vector<16xf32>,
        %get3A_266 = arith.index_cast %add3A_262 : i32 to index
        %get3A_267 = arith.constant 0 : index
        %get3A_268 = tpu.vector_load %arg14[%get3A_266, %get3A_267] {strides = array<i32>} : memref<64x128xf32, #tpu.memory_space<vmem>>, vector<16xf32>,
        %mul3A_269 = arith.mulf %get3A_265, %get3A_268 : vector<16xf32>
        %get3A_270 = arith.index_cast %add3A_262 : i32 to index
        %get3A_271 = arith.constant 16 : index
        %get3A_272 = tpu.vector_load %arg13[%get3A_270, %get3A_271] {strides = array<i32>} : memref<64x128xf32, #tpu.memory_space<vmem>>, vector<16xf32>,
        %get3A_273 = arith.index_cast %add3A_262 : i32 to index
        %get3A_274 = arith.constant 16 : index
        %get3A_275 = tpu.vector_load %arg14[%get3A_273, %get3A_274] {strides = array<i32>} : memref<64x128xf32, #tpu.memory_space<vmem>>, vector<16xf32>,
        %mul3A_276 = arith.mulf %get3A_272, %get3A_275 : vector<16xf32>
        %get3A_277 = arith.index_cast %add3A_262 : i32 to index
        %get3A_278 = arith.constant 32 : index
        %get3A_279 = tpu.vector_load %arg13[%get3A_277, %get3A_278] {strides = array<i32>} : memref<64x128xf32, #tpu.memory_space<vmem>>, vector<16xf32>,
        %get3A_280 = arith.index_cast %add3A_262 : i32 to index
        %get3A_281 = arith.constant 32 : index
        %get3A_282 = tpu.vector_load %arg14[%get3A_280, %get3A_281] {strides = array<i32>} : memref<64x128xf32, #tpu.memory_space<vmem>>, vector<16xf32>,
        %mul3A_283 = arith.mulf %get3A_279, %get3A_282 : vector<16xf32>
        %get3A_284 = arith.index_cast %add3A_262 : i32 to index
        %get3A_285 = arith.constant 48 : index
        %get3A_286 = tpu.vector_load %arg13[%get3A_284, %get3A_285] {strides = array<i32>} : memref<64x128xf32, #tpu.memory_space<vmem>>, vector<16xf32>,
        %get3A_287 = arith.index_cast %add3A_262 : i32 to index
        %get3A_288 = arith.constant 48 : index
        %get3A_289 = tpu.vector_load %arg14[%get3A_287, %get3A_288] {strides = array<i32>} : memref<64x128xf32, #tpu.memory_space<vmem>>, vector<16xf32>,
        %mul3A_290 = arith.mulf %get3A_286, %get3A_289 : vector<16xf32>
        %get3A_291 = arith.index_cast %add3A_262 : i32 to index
        %get3A_292 = arith.constant 64 : index
        %get3A_293 = tpu.vector_load %arg13[%get3A_291, %get3A_292] {strides = array<i32>} : memref<64x128xf32, #tpu.memory_space<vmem>>, vector<16xf32>,
        %get3A_294 = arith.index_cast %add3A_262 : i32 to index
        %get3A_295 = arith.constant 64 : index
        %get3A_296 = tpu.vector_load %arg14[%get3A_294, %get3A_295] {strides = array<i32>} : memref<64x128xf32, #tpu.memory_space<vmem>>, vector<16xf32>,
        %mul3A_297 = arith.mulf %get3A_293, %get3A_296 : vector<16xf32>
        %get3A_298 = arith.index_cast %add3A_262 : i32 to index
        %get3A_299 = arith.constant 80 : index
        %get3A_300 = tpu.vector_load %arg13[%get3A_298, %get3A_299] {strides = array<i32>} : memref<64x128xf32, #tpu.memory_space<vmem>>, vector<16xf32>,
        %get3A_301 = arith.index_cast %add3A_262 : i32 to index
        %get3A_302 = arith.constant 80 : index
        %get3A_303 = tpu.vector_load %arg14[%get3A_301, %get3A_302] {strides = array<i32>} : memref<64x128xf32, #tpu.memory_space<vmem>>, vector<16xf32>,
        %mul3A_304 = arith.mulf %get3A_300, %get3A_303 : vector<16xf32>
        %get3A_305 = arith.index_cast %add3A_262 : i32 to index
        %get3A_306 = arith.constant 96 : index
        %get3A_307 = tpu.vector_load %arg13[%get3A_305, %get3A_306] {strides = array<i32>} : memref<64x128xf32, #tpu.memory_space<vmem>>, vector<16xf32>,
        %get3A_308 = arith.index_cast %add3A_262 : i32 to index
        %get3A_309 = arith.constant 96 : index
        %get3A_310 = tpu.vector_load %arg14[%get3A_308, %get3A_309] {strides = array<i32>} : memref<64x128xf32, #tpu.memory_space<vmem>>, vector<16xf32>,
        %mul3A_311 = arith.mulf %get3A_307, %get3A_310 : vector<16xf32>
        %get3A_312 = arith.index_cast %add3A_262 : i32 to index
        %get3A_313 = arith.constant 112 : index
        %get3A_314 = tpu.vector_load %arg13[%get3A_312, %get3A_313] {strides = array<i32>} : memref<64x128xf32, #tpu.memory_space<vmem>>, vector<16xf32>,
        %get3A_315 = arith.index_cast %add3A_262 : i32 to index
        %get3A_316 = arith.constant 112 : index
        %get3A_317 = tpu.vector_load %arg14[%get3A_315, %get3A_316] {strides = array<i32>} : memref<64x128xf32, #tpu.memory_space<vmem>>, vector<16xf32>,
        %mul3A_318 = arith.mulf %get3A_314, %get3A_317 : vector<16xf32>
        %add3A_319 = arith.addf %mul3A_269, %mul3A_276 : vector<16xf32>
        %add3A_320 = arith.addf %mul3A_283, %mul3A_290 : vector<16xf32>
        %add3A_321 = arith.addf %add3A_319, %add3A_320 : vector<16xf32>
        %reduce_sum3A = arith.constant true
        %reduce_sum3A_322 = vector.broadcast %reduce_sum3A : i1 to vector<16xi1>
        %reduce_sum3A_323 = tpu.scan <sum>, %add3A_321 masked %reduce_sum3A_322 : vector<16xf32>, vector<16xi1> -> vector<16xf32>
        %reduce_sum3A_324 = vector.extract %reduce_sum3A_323[15] : f32 from vector<16xf32>
        %mul3A_325 = arith.constant 1.250000e-01 : f32
        %mul3A_326 = arith.mulf %reduce_sum3A_324, %mul3A_325 : f32
        %add3A_327 = arith.addf %mul3A_297, %mul3A_304 : vector<16xf32>
        %add3A_328 = arith.addf %mul3A_311, %mul3A_318 : vector<16xf32>
        %add3A_329 = arith.addf %add3A_327, %add3A_328 : vector<16xf32>
        %reduce_sum3A_330 = arith.constant true
        %reduce_sum3A_331 = vector.broadcast %reduce_sum3A_330 : i1 to vector<16xi1>
        %reduce_sum3A_332 = tpu.scan <sum>, %add3A_329 masked %reduce_sum3A_331 : vector<16xf32>, vector<16xi1> -> vector<16xf32>
        %reduce_sum3A_333 = vector.extract %reduce_sum3A_332[15] : f32 from vector<16xf32>
        %mul3A_334 = arith.constant 1.250000e-01 : f32
        %mul3A_335 = arith.mulf %reduce_sum3A_333, %mul3A_334 : f32
        %broadcast_in_dim3A = vector.broadcast %mul3A_326 : f32 to vector<16xf32>
        %exp3A = math.exp %broadcast_in_dim3A : vector<16xf32>
        %broadcast_in_dim3A_336 = vector.broadcast %mul3A_335 : f32 to vector<16xf32>
        %exp3A_337 = math.exp %broadcast_in_dim3A_336 : vector<16xf32>
        %get3A_338 = arith.index_cast %add3A_262 : i32 to index
        %get3A_339 = arith.constant 0 : index
        %get3A_340 = tpu.vector_load %arg15[%get3A_338, %get3A_339] {strides = array<i32>} : memref<64x128xf32, #tpu.memory_space<vmem>>, vector<16xf32>,
        %mul3A_341 = arith.mulf %get3A_340, %exp3A : vector<16xf32>
        %swap3A_342 = arith.index_cast %add3A_262 : i32 to index
        %swap3A_343 = arith.constant 0 : index
        %swap3A_344 = tpu.vector_load %arg16[%swap3A_342, %swap3A_343] {strides = array<i32>} : memref<64x144xf32, #tpu.memory_space<vmem>>, vector<16xf32>,
        tpu.vector_store %arg16[%swap3A_342, %swap3A_343], %mul3A_341 {strides = array<i32>} : memref<64x144xf32, #tpu.memory_space<vmem>>, vector<16xf32>,
        %get3A_345 = arith.index_cast %add3A_262 : i32 to index
        %get3A_346 = arith.constant 16 : index
        %get3A_347 = tpu.vector_load %arg15[%get3A_345, %get3A_346] {strides = array<i32>} : memref<64x128xf32, #tpu.memory_space<vmem>>, vector<16xf32>,
        %mul3A_348 = arith.mulf %get3A_347, %exp3A : vector<16xf32>
        %swap3A_349 = arith.index_cast %add3A_262 : i32 to index
        %swap3A_350 = arith.constant 16 : index
        %swap3A_351 = tpu.vector_load %arg16[%swap3A_349, %swap3A_350] {strides = array<i32>} : memref<64x144xf32, #tpu.memory_space<vmem>>, vector<16xf32>,
        tpu.vector_store %arg16[%swap3A_349, %swap3A_350], %mul3A_348 {strides = array<i32>} : memref<64x144xf32, #tpu.memory_space<vmem>>, vector<16xf32>,
        %get3A_352 = arith.index_cast %add3A_262 : i32 to index
        %get3A_353 = arith.constant 32 : index
        %get3A_354 = tpu.vector_load %arg15[%get3A_352, %get3A_353] {strides = array<i32>} : memref<64x128xf32, #tpu.memory_space<vmem>>, vector<16xf32>,
        %mul3A_355 = arith.mulf %get3A_354, %exp3A : vector<16xf32>
        %swap3A_356 = arith.index_cast %add3A_262 : i32 to index
        %swap3A_357 = arith.constant 32 : index
        %swap3A_358 = tpu.vector_load %arg16[%swap3A_356, %swap3A_357] {strides = array<i32>} : memref<64x144xf32, #tpu.memory_space<vmem>>, vector<16xf32>,
        tpu.vector_store %arg16[%swap3A_356, %swap3A_357], %mul3A_355 {strides = array<i32>} : memref<64x144xf32, #tpu.memory_space<vmem>>, vector<16xf32>,
        %get3A_359 = arith.index_cast %add3A_262 : i32 to index
        %get3A_360 = arith.constant 48 : index
        %get3A_361 = tpu.vector_load %arg15[%get3A_359, %get3A_360] {strides = array<i32>} : memref<64x128xf32, #tpu.memory_space<vmem>>, vector<16xf32>,
        %mul3A_362 = arith.mulf %get3A_361, %exp3A : vector<16xf32>
        %swap3A_363 = arith.index_cast %add3A_262 : i32 to index
        %swap3A_364 = arith.constant 48 : index
        %swap3A_365 = tpu.vector_load %arg16[%swap3A_363, %swap3A_364] {strides = array<i32>} : memref<64x144xf32, #tpu.memory_space<vmem>>, vector<16xf32>,
        tpu.vector_store %arg16[%swap3A_363, %swap3A_364], %mul3A_362 {strides = array<i32>} : memref<64x144xf32, #tpu.memory_space<vmem>>, vector<16xf32>,
        %get3A_366 = arith.index_cast %add3A_262 : i32 to index
        %get3A_367 = arith.constant 64 : index
        %get3A_368 = tpu.vector_load %arg15[%get3A_366, %get3A_367] {strides = array<i32>} : memref<64x128xf32, #tpu.memory_space<vmem>>, vector<16xf32>,
        %mul3A_369 = arith.mulf %get3A_368, %exp3A_337 : vector<16xf32>
        %swap3A_370 = arith.index_cast %add3A_262 : i32 to index
        %swap3A_371 = arith.constant 64 : index
        %swap3A_372 = tpu.vector_load %arg16[%swap3A_370, %swap3A_371] {strides = array<i32>} : memref<64x144xf32, #tpu.memory_space<vmem>>, vector<16xf32>,
        tpu.vector_store %arg16[%swap3A_370, %swap3A_371], %mul3A_369 {strides = array<i32>} : memref<64x144xf32, #tpu.memory_space<vmem>>, vector<16xf32>,
        %get3A_373 = arith.index_cast %add3A_262 : i32 to index
        %get3A_374 = arith.constant 80 : index
        %get3A_375 = tpu.vector_load %arg15[%get3A_373, %get3A_374] {strides = array<i32>} : memref<64x128xf32, #tpu.memory_space<vmem>>, vector<16xf32>,
        %mul3A_376 = arith.mulf %get3A_375, %exp3A_337 : vector<16xf32>
        %swap3A_377 = arith.index_cast %add3A_262 : i32 to index
        %swap3A_378 = arith.constant 80 : index
        %swap3A_379 = tpu.vector_load %arg16[%swap3A_377, %swap3A_378] {strides = array<i32>} : memref<64x144xf32, #tpu.memory_space<vmem>>, vector<16xf32>,
        tpu.vector_store %arg16[%swap3A_377, %swap3A_378], %mul3A_376 {strides = array<i32>} : memref<64x144xf32, #tpu.memory_space<vmem>>, vector<16xf32>,
        %get3A_380 = arith.index_cast %add3A_262 : i32 to index
        %get3A_381 = arith.constant 96 : index
        %get3A_382 = tpu.vector_load %arg15[%get3A_380, %get3A_381] {strides = array<i32>} : memref<64x128xf32, #tpu.memory_space<vmem>>, vector<16xf32>,
        %mul3A_383 = arith.mulf %get3A_382, %exp3A_337 : vector<16xf32>
        %swap3A_384 = arith.index_cast %add3A_262 : i32 to index
        %swap3A_385 = arith.constant 96 : index
        %swap3A_386 = tpu.vector_load %arg16[%swap3A_384, %swap3A_385] {strides = array<i32>} : memref<64x144xf32, #tpu.memory_space<vmem>>, vector<16xf32>,
        tpu.vector_store %arg16[%swap3A_384, %swap3A_385], %mul3A_383 {strides = array<i32>} : memref<64x144xf32, #tpu.memory_space<vmem>>, vector<16xf32>,
        %get3A_387 = arith.index_cast %add3A_262 : i32 to index
        %get3A_388 = arith.constant 112 : index
        %get3A_389 = tpu.vector_load %arg15[%get3A_387, %get3A_388] {strides = array<i32>} : memref<64x128xf32, #tpu.memory_space<vmem>>, vector<16xf32>,
        %mul3A_390 = arith.mulf %get3A_389, %exp3A_337 : vector<16xf32>
        %swap3A_391 = arith.index_cast %add3A_262 : i32 to index
        %swap3A_392 = arith.constant 112 : index
        %swap3A_393 = tpu.vector_load %arg16[%swap3A_391, %swap3A_392] {strides = array<i32>} : memref<64x144xf32, #tpu.memory_space<vmem>>, vector<16xf32>,
        tpu.vector_store %arg16[%swap3A_391, %swap3A_392], %mul3A_390 {strides = array<i32>} : memref<64x144xf32, #tpu.memory_space<vmem>>, vector<16xf32>,
        %lt3A_394 = arith.constant 8 : i32
        %lt3A_395 = vector.broadcast %lt3A_394 : i32 to vector<16xi32>
        %lt3A_396 = arith.cmpi slt, %iota3A, %lt3A_395 : vector<16xi32>
        %select_n3A = arith.select %lt3A_396, %exp3A, %exp3A_337 : vector<16xi1>, vector<16xf32>
        %swap3A_397 = arith.index_cast %add3A_262 : i32 to index
        %swap3A_398 = arith.constant 128 : index
        %swap3A_399 = tpu.vector_load %arg16[%swap3A_397, %swap3A_398] {strides = array<i32>} : memref<64x144xf32, #tpu.memory_space<vmem>>, vector<16xf32>,
        tpu.vector_store %arg16[%swap3A_397, %swap3A_398], %select_n3A {strides = array<i32>} : memref<64x144xf32, #tpu.memory_space<vmem>>, vector<16xf32>,
        %scan3A_400 = arith.constant 1 : i32
      } else {
      }
    }
    %scan3A_58 = arith.constant 79 : i32
    %barrier3A_59 = arith.constant 0 : index
    tpu.barrier barrier_id(%barrier3A_59)
    %lt3A_60 = arith.constant 15 : i32
    %lt3A_61 = arith.cmpi slt, %arg1, %lt3A_60 : i32
    %convert_element_type3A_62 = arith.extui %lt3A_61 : i1 to i32
    %cond3A_63 = arith.constant 0 : i32
    %cond3A_64 = arith.cmpi ne, %convert_element_type3A_62, %cond3A_63 : i32
    scf.if %cond3A_64 {
      %mul3A_147 = arith.constant 640 : i32
      %mul3A_148 = arith.muli %arg1, %mul3A_147 : i32
      %mul3A_149 = arith.constant 640 : i32
      %mul3A_150 = arith.muli %arg1, %mul3A_149 : i32
      %run_scoped3A = arith.constant 1 : i32
      "tpu.region"() ({
        %run_scoped3A_151 = tpu.sem_alloc : memref<!tpu.dma_semaphore, #tpu.memory_space<semaphore_mem>>
        %dma_start3A = arith.constant 0 : i32
        %dma_start3A_152 = tpu.memref_slice %arg8[%arg0, %run_scoped3A, %mul3A_150, %dma_start3A] : memref<2x4x10000x144xf32, #tpu.memory_space<hbm>> -> memref<1x1x640x144xf32, #tpu.memory_space<hbm>>
        %dma_start3A_153 = tpu.memref_squeeze %dma_start3A_152 : memref<1x1x640x144xf32, #tpu.memory_space<hbm>> -> memref<640x144xf32, #tpu.memory_space<hbm>>
        %dma_start3A_154 = arith.constant 0 : i32
        %dma_start3A_155 = tpu.memref_slice %arg17[%mul3A_148, %dma_start3A_154] : memref<10240x144xf32, #tpu.memory_space<vmem_shared>> -> memref<640x144xf32, #tpu.memory_space<vmem_shared>>
        tpu.enqueue_dma source(%dma_start3A_155 : memref<640x144xf32, #tpu.memory_space<vmem_shared>>) target(%dma_start3A_153 : memref<640x144xf32, #tpu.memory_space<hbm>>) target_semaphore(%run_scoped3A_151 : memref<!tpu.dma_semaphore, #tpu.memory_space<semaphore_mem>>)
        %dma_wait3A = arith.constant 0 : i32
        %dma_wait3A_156 = tpu.memref_slice %arg8[%arg0, %run_scoped3A, %mul3A_150, %dma_wait3A] : memref<2x4x10000x144xf32, #tpu.memory_space<hbm>> -> memref<1x1x640x144xf32, #tpu.memory_space<hbm>>
        %dma_wait3A_157 = tpu.memref_squeeze %dma_wait3A_156 : memref<1x1x640x144xf32, #tpu.memory_space<hbm>> -> memref<640x144xf32, #tpu.memory_space<hbm>>
        %dma_wait3A_158 = arith.constant 0 : i32
        %dma_wait3A_159 = tpu.memref_slice %arg17[%mul3A_148, %dma_wait3A_158] : memref<10240x144xf32, #tpu.memory_space<vmem_shared>> -> memref<640x144xf32, #tpu.memory_space<vmem_shared>>
        tpu.wait_dma2 semaphore(%run_scoped3A_151 : memref<!tpu.dma_semaphore, #tpu.memory_space<semaphore_mem>>) src(%dma_wait3A_159 : memref<640x144xf32, #tpu.memory_space<vmem_shared>>) dst(%dma_wait3A_157 : memref<640x144xf32, #tpu.memory_space<hbm>>)
        tpu.yield
      }) : () -> ()
    } else {
    }
    %eq3A_65 = arith.constant 15 : i32
    %eq3A_66 = arith.cmpi eq, %arg1, %eq3A_65 : i32
    %convert_element_type3A_67 = arith.extui %eq3A_66 : i1 to i32
    %cond3A_68 = arith.constant 0 : i32
    %cond3A_69 = arith.cmpi ne, %convert_element_type3A_67, %cond3A_68 : i32
    scf.if %cond3A_69 {
      %run_scoped3A = arith.constant 1 : i32
      "tpu.region"() ({
        %run_scoped3A_147 = tpu.sem_alloc : memref<!tpu.dma_semaphore, #tpu.memory_space<semaphore_mem>>
        %dma_start3A = arith.constant 9600 : i32
        %dma_start3A_148 = arith.constant 0 : i32
        %dma_start3A_149 = tpu.memref_slice %arg8[%arg0, %run_scoped3A, %dma_start3A, %dma_start3A_148] : memref<2x4x10000x144xf32, #tpu.memory_space<hbm>> -> memref<1x1x400x144xf32, #tpu.memory_space<hbm>>
        %dma_start3A_150 = tpu.memref_squeeze %dma_start3A_149 : memref<1x1x400x144xf32, #tpu.memory_space<hbm>> -> memref<400x144xf32, #tpu.memory_space<hbm>>
        %dma_start3A_151 = arith.constant 9600 : i32
        %dma_start3A_152 = arith.constant 0 : i32
        %dma_start3A_153 = tpu.memref_slice %arg17[%dma_start3A_151, %dma_start3A_152] : memref<10240x144xf32, #tpu.memory_space<vmem_shared>> -> memref<400x144xf32, #tpu.memory_space<vmem_shared>>
        tpu.enqueue_dma source(%dma_start3A_153 : memref<400x144xf32, #tpu.memory_space<vmem_shared>>) target(%dma_start3A_150 : memref<400x144xf32, #tpu.memory_space<hbm>>) target_semaphore(%run_scoped3A_147 : memref<!tpu.dma_semaphore, #tpu.memory_space<semaphore_mem>>)
        %dma_wait3A = arith.constant 9600 : i32
        %dma_wait3A_154 = arith.constant 0 : i32
        %dma_wait3A_155 = tpu.memref_slice %arg8[%arg0, %run_scoped3A, %dma_wait3A, %dma_wait3A_154] : memref<2x4x10000x144xf32, #tpu.memory_space<hbm>> -> memref<1x1x400x144xf32, #tpu.memory_space<hbm>>
        %dma_wait3A_156 = tpu.memref_squeeze %dma_wait3A_155 : memref<1x1x400x144xf32, #tpu.memory_space<hbm>> -> memref<400x144xf32, #tpu.memory_space<hbm>>
        %dma_wait3A_157 = arith.constant 9600 : i32
        %dma_wait3A_158 = arith.constant 0 : i32
        %dma_wait3A_159 = tpu.memref_slice %arg17[%dma_wait3A_157, %dma_wait3A_158] : memref<10240x144xf32, #tpu.memory_space<vmem_shared>> -> memref<400x144xf32, #tpu.memory_space<vmem_shared>>
        tpu.wait_dma2 semaphore(%run_scoped3A_147 : memref<!tpu.dma_semaphore, #tpu.memory_space<semaphore_mem>>) src(%dma_wait3A_159 : memref<400x144xf32, #tpu.memory_space<vmem_shared>>) dst(%dma_wait3A_156 : memref<400x144xf32, #tpu.memory_space<hbm>>)
        tpu.yield
      }) : () -> ()
    } else {
    }
    %barrier3A_70 = arith.constant 0 : index
    tpu.barrier barrier_id(%barrier3A_70)
    %mul3A_71 = arith.constant 640 : i32
    %mul3A_72 = arith.muli %arg1, %mul3A_71 : i32
    %add3A_73 = arith.constant 0 : i32
    %add3A_74 = arith.addi %mul3A_72, %add3A_73 : i32
    "tpu.region"() ({
      %run_scoped3A = tpu.sem_alloc : memref<!tpu.dma_semaphore, #tpu.memory_space<semaphore_mem>>
      %dma_start3A = arith.constant 0 : i32
      %dma_start3A_147 = tpu.memref_slice %arg17[%add3A_74, %dma_start3A] : memref<10240x144xf32, #tpu.memory_space<vmem_shared>> -> memref<128x144xf32, #tpu.memory_space<vmem_shared>>
      tpu.enqueue_dma source(%arg7 : memref<128x144xf32, #tpu.memory_space<hbm>>) target(%dma_start3A_147 : memref<128x144xf32, #tpu.memory_space<vmem_shared>>) target_semaphore(%run_scoped3A : memref<!tpu.dma_semaphore, #tpu.memory_space<semaphore_mem>>)
      %dma_wait3A = arith.constant 0 : i32
      %dma_wait3A_148 = tpu.memref_slice %arg17[%add3A_74, %dma_wait3A] : memref<10240x144xf32, #tpu.memory_space<vmem_shared>> -> memref<128x144xf32, #tpu.memory_space<vmem_shared>>
      tpu.wait_dma2 semaphore(%run_scoped3A : memref<!tpu.dma_semaphore, #tpu.memory_space<semaphore_mem>>) src(%arg7 : memref<128x144xf32, #tpu.memory_space<hbm>>) dst(%dma_wait3A_148 : memref<128x144xf32, #tpu.memory_space<vmem_shared>>)
      tpu.yield
    }) : () -> ()
    %mul3A_75 = arith.constant 640 : i32
    %mul3A_76 = arith.muli %arg1, %mul3A_75 : i32
    %add3A_77 = arith.constant 128 : i32
    %add3A_78 = arith.addi %mul3A_76, %add3A_77 : i32
    "tpu.region"() ({
      %run_scoped3A = tpu.sem_alloc : memref<!tpu.dma_semaphore, #tpu.memory_space<semaphore_mem>>
      %dma_start3A = arith.constant 0 : i32
      %dma_start3A_147 = tpu.memref_slice %arg17[%add3A_78, %dma_start3A] : memref<10240x144xf32, #tpu.memory_space<vmem_shared>> -> memref<128x144xf32, #tpu.memory_space<vmem_shared>>
      tpu.enqueue_dma source(%arg7 : memref<128x144xf32, #tpu.memory_space<hbm>>) target(%dma_start3A_147 : memref<128x144xf32, #tpu.memory_space<vmem_shared>>) target_semaphore(%run_scoped3A : memref<!tpu.dma_semaphore, #tpu.memory_space<semaphore_mem>>)
      %dma_wait3A = arith.constant 0 : i32
      %dma_wait3A_148 = tpu.memref_slice %arg17[%add3A_78, %dma_wait3A] : memref<10240x144xf32, #tpu.memory_space<vmem_shared>> -> memref<128x144xf32, #tpu.memory_space<vmem_shared>>
      tpu.wait_dma2 semaphore(%run_scoped3A : memref<!tpu.dma_semaphore, #tpu.memory_space<semaphore_mem>>) src(%arg7 : memref<128x144xf32, #tpu.memory_space<hbm>>) dst(%dma_wait3A_148 : memref<128x144xf32, #tpu.memory_space<vmem_shared>>)
      tpu.yield
    }) : () -> ()
    %mul3A_79 = arith.constant 640 : i32
    %mul3A_80 = arith.muli %arg1, %mul3A_79 : i32
    %add3A_81 = arith.constant 256 : i32
    %add3A_82 = arith.addi %mul3A_80, %add3A_81 : i32
    "tpu.region"() ({
      %run_scoped3A = tpu.sem_alloc : memref<!tpu.dma_semaphore, #tpu.memory_space<semaphore_mem>>
      %dma_start3A = arith.constant 0 : i32
      %dma_start3A_147 = tpu.memref_slice %arg17[%add3A_82, %dma_start3A] : memref<10240x144xf32, #tpu.memory_space<vmem_shared>> -> memref<128x144xf32, #tpu.memory_space<vmem_shared>>
      tpu.enqueue_dma source(%arg7 : memref<128x144xf32, #tpu.memory_space<hbm>>) target(%dma_start3A_147 : memref<128x144xf32, #tpu.memory_space<vmem_shared>>) target_semaphore(%run_scoped3A : memref<!tpu.dma_semaphore, #tpu.memory_space<semaphore_mem>>)
      %dma_wait3A = arith.constant 0 : i32
      %dma_wait3A_148 = tpu.memref_slice %arg17[%add3A_82, %dma_wait3A] : memref<10240x144xf32, #tpu.memory_space<vmem_shared>> -> memref<128x144xf32, #tpu.memory_space<vmem_shared>>
      tpu.wait_dma2 semaphore(%run_scoped3A : memref<!tpu.dma_semaphore, #tpu.memory_space<semaphore_mem>>) src(%arg7 : memref<128x144xf32, #tpu.memory_space<hbm>>) dst(%dma_wait3A_148 : memref<128x144xf32, #tpu.memory_space<vmem_shared>>)
      tpu.yield
    }) : () -> ()
    %mul3A_83 = arith.constant 640 : i32
    %mul3A_84 = arith.muli %arg1, %mul3A_83 : i32
    %add3A_85 = arith.constant 384 : i32
    %add3A_86 = arith.addi %mul3A_84, %add3A_85 : i32
    "tpu.region"() ({
      %run_scoped3A = tpu.sem_alloc : memref<!tpu.dma_semaphore, #tpu.memory_space<semaphore_mem>>
      %dma_start3A = arith.constant 0 : i32
      %dma_start3A_147 = tpu.memref_slice %arg17[%add3A_86, %dma_start3A] : memref<10240x144xf32, #tpu.memory_space<vmem_shared>> -> memref<128x144xf32, #tpu.memory_space<vmem_shared>>
      tpu.enqueue_dma source(%arg7 : memref<128x144xf32, #tpu.memory_space<hbm>>) target(%dma_start3A_147 : memref<128x144xf32, #tpu.memory_space<vmem_shared>>) target_semaphore(%run_scoped3A : memref<!tpu.dma_semaphore, #tpu.memory_space<semaphore_mem>>)
      %dma_wait3A = arith.constant 0 : i32
      %dma_wait3A_148 = tpu.memref_slice %arg17[%add3A_86, %dma_wait3A] : memref<10240x144xf32, #tpu.memory_space<vmem_shared>> -> memref<128x144xf32, #tpu.memory_space<vmem_shared>>
      tpu.wait_dma2 semaphore(%run_scoped3A : memref<!tpu.dma_semaphore, #tpu.memory_space<semaphore_mem>>) src(%arg7 : memref<128x144xf32, #tpu.memory_space<hbm>>) dst(%dma_wait3A_148 : memref<128x144xf32, #tpu.memory_space<vmem_shared>>)
      tpu.yield
    }) : () -> ()
    %mul3A_87 = arith.constant 640 : i32
    %mul3A_88 = arith.muli %arg1, %mul3A_87 : i32
    %add3A_89 = arith.constant 512 : i32
    %add3A_90 = arith.addi %mul3A_88, %add3A_89 : i32
    "tpu.region"() ({
      %run_scoped3A = tpu.sem_alloc : memref<!tpu.dma_semaphore, #tpu.memory_space<semaphore_mem>>
      %dma_start3A = arith.constant 0 : i32
      %dma_start3A_147 = tpu.memref_slice %arg17[%add3A_90, %dma_start3A] : memref<10240x144xf32, #tpu.memory_space<vmem_shared>> -> memref<128x144xf32, #tpu.memory_space<vmem_shared>>
      tpu.enqueue_dma source(%arg7 : memref<128x144xf32, #tpu.memory_space<hbm>>) target(%dma_start3A_147 : memref<128x144xf32, #tpu.memory_space<vmem_shared>>) target_semaphore(%run_scoped3A : memref<!tpu.dma_semaphore, #tpu.memory_space<semaphore_mem>>)
      %dma_wait3A = arith.constant 0 : i32
      %dma_wait3A_148 = tpu.memref_slice %arg17[%add3A_90, %dma_wait3A] : memref<10240x144xf32, #tpu.memory_space<vmem_shared>> -> memref<128x144xf32, #tpu.memory_space<vmem_shared>>
      tpu.wait_dma2 semaphore(%run_scoped3A : memref<!tpu.dma_semaphore, #tpu.memory_space<semaphore_mem>>) src(%arg7 : memref<128x144xf32, #tpu.memory_space<hbm>>) dst(%dma_wait3A_148 : memref<128x144xf32, #tpu.memory_space<vmem_shared>>)
      tpu.yield
    }) : () -> ()
    %barrier3A_91 = arith.constant 0 : index
    tpu.barrier barrier_id(%barrier3A_91)
    %scan3A_92 = arith.constant 0 : i32
    %scan3A_93 = arith.constant 79 : i32
    %scan3A_94 = arith.addi %scan3A_92, %scan3A_93 : i32
    %scan3A_95 = arith.constant 1 : i32
    scf.for %scan3A_147 = %scan3A_92 to %scan3A_94 step %scan3A_95  : i32 {
      %mul3A_148 = arith.constant 1 : i32
      %mul3A_149 = arith.muli %scan3A_147, %mul3A_148 : i32
      %add3A_150 = arith.constant 0 : i32
      %add3A_151 = arith.addi %add3A_150, %mul3A_149 : i32
      %mul3A_152 = arith.constant 32 : i32
      %mul3A_153 = arith.muli %add3A_151, %mul3A_152 : i32
      %add3A_154 = arith.addi %add3A, %mul3A_153 : i32
      %lt3A_155 = arith.constant 2500 : i32
      %lt3A_156 = arith.cmpi slt, %add3A_154, %lt3A_155 : i32
      %convert_element_type3A_157 = arith.extui %lt3A_156 : i1 to i32
      %cond3A_158 = arith.constant 0 : i32
      %cond3A_159 = arith.cmpi ne, %convert_element_type3A_157, %cond3A_158 : i32
      scf.if %cond3A_159 {
        %mul3A_160 = arith.constant 64 : i32
        %mul3A_161 = arith.muli %add3A_154, %mul3A_160 : i32
        "tpu.region"() ({
          %run_scoped3A = tpu.sem_alloc : memref<!tpu.dma_semaphore, #tpu.memory_space<semaphore_mem>>
          %dma_start3A_401 = tpu.memref_slice %arg5[%mul3A_161] : memref<160000xi32, #tpu.memory_space<hbm>> -> memref<64xi32, #tpu.memory_space<hbm>>
          %dma_start3A_402 = tpu.memref_slice %arg5[%mul3A_161] : memref<160000xi32, #tpu.memory_space<hbm>> -> memref<64xi32, #tpu.memory_space<hbm>>
          tpu.enqueue_dma source(%dma_start3A_402 : memref<64xi32, #tpu.memory_space<hbm>>) target(%arg9 : memref<64xi32, #tpu.memory_space<vmem>>) target_semaphore(%run_scoped3A : memref<!tpu.dma_semaphore, #tpu.memory_space<semaphore_mem>>)
          %dma_wait3A_403 = tpu.memref_slice %arg5[%mul3A_161] : memref<160000xi32, #tpu.memory_space<hbm>> -> memref<64xi32, #tpu.memory_space<hbm>>
          %dma_wait3A_404 = tpu.memref_slice %arg5[%mul3A_161] : memref<160000xi32, #tpu.memory_space<hbm>> -> memref<64xi32, #tpu.memory_space<hbm>>
          tpu.wait_dma2 semaphore(%run_scoped3A : memref<!tpu.dma_semaphore, #tpu.memory_space<semaphore_mem>>) src(%dma_wait3A_404 : memref<64xi32, #tpu.memory_space<hbm>>) dst(%arg9 : memref<64xi32, #tpu.memory_space<vmem>>)
          tpu.yield
        }) : () -> ()
        %mul3A_162 = arith.constant 64 : i32
        %mul3A_163 = arith.muli %add3A_154, %mul3A_162 : i32
        "tpu.region"() ({
          %run_scoped3A = tpu.sem_alloc : memref<!tpu.dma_semaphore, #tpu.memory_space<semaphore_mem>>
          %dma_start3A_401 = tpu.memref_slice %arg6[%mul3A_163] : memref<160000xi32, #tpu.memory_space<hbm>> -> memref<64xi32, #tpu.memory_space<hbm>>
          %dma_start3A_402 = tpu.memref_slice %arg6[%mul3A_163] : memref<160000xi32, #tpu.memory_space<hbm>> -> memref<64xi32, #tpu.memory_space<hbm>>
          tpu.enqueue_dma source(%dma_start3A_402 : memref<64xi32, #tpu.memory_space<hbm>>) target(%arg10 : memref<64xi32, #tpu.memory_space<vmem>>) target_semaphore(%run_scoped3A : memref<!tpu.dma_semaphore, #tpu.memory_space<semaphore_mem>>)
          %dma_wait3A_403 = tpu.memref_slice %arg6[%mul3A_163] : memref<160000xi32, #tpu.memory_space<hbm>> -> memref<64xi32, #tpu.memory_space<hbm>>
          %dma_wait3A_404 = tpu.memref_slice %arg6[%mul3A_163] : memref<160000xi32, #tpu.memory_space<hbm>> -> memref<64xi32, #tpu.memory_space<hbm>>
          tpu.wait_dma2 semaphore(%run_scoped3A : memref<!tpu.dma_semaphore, #tpu.memory_space<semaphore_mem>>) src(%dma_wait3A_404 : memref<64xi32, #tpu.memory_space<hbm>>) dst(%arg10 : memref<64xi32, #tpu.memory_space<vmem>>)
          tpu.yield
        }) : () -> ()
        %get3A = arith.constant 0 : index
        %get3A_164 = tpu.vector_load %arg10[%get3A] {strides = array<i32>} : memref<64xi32, #tpu.memory_space<vmem>>, vector<16xi32>,
        %mul3A_165 = arith.constant 4 : i32
        %mul3A_166 = vector.broadcast %mul3A_165 : i32 to vector<16xi32>
        %mul3A_167 = arith.muli %get3A_164, %mul3A_166 : vector<16xi32>
        %add3A_168 = arith.constant 2 : i32
        %add3A_169 = vector.broadcast %add3A_168 : i32 to vector<16xi32>
        %add3A_170 = arith.addi %mul3A_167, %add3A_169 : vector<16xi32>
        %swap3A = arith.constant 0 : index
        %swap3A_171 = tpu.vector_load %arg11[%swap3A] {strides = array<i32>} : memref<64xi32, #tpu.memory_space<vmem>>, vector<16xi32>,
        tpu.vector_store %arg11[%swap3A], %add3A_170 {strides = array<i32>} : memref<64xi32, #tpu.memory_space<vmem>>, vector<16xi32>,
        %get3A_172 = arith.constant 0 : index
        %get3A_173 = tpu.vector_load %arg9[%get3A_172] {strides = array<i32>} : memref<64xi32, #tpu.memory_space<vmem>>, vector<16xi32>,
        %mul3A_174 = arith.constant 4 : i32
        %mul3A_175 = vector.broadcast %mul3A_174 : i32 to vector<16xi32>
        %mul3A_176 = arith.muli %get3A_173, %mul3A_175 : vector<16xi32>
        %add3A_177 = arith.constant 2 : i32
        %add3A_178 = vector.broadcast %add3A_177 : i32 to vector<16xi32>
        %add3A_179 = arith.addi %mul3A_176, %add3A_178 : vector<16xi32>
        %swap3A_180 = arith.constant 0 : index
        %swap3A_181 = tpu.vector_load %arg12[%swap3A_180] {strides = array<i32>} : memref<64xi32, #tpu.memory_space<vmem>>, vector<16xi32>,
        tpu.vector_store %arg12[%swap3A_180], %add3A_179 {strides = array<i32>} : memref<64xi32, #tpu.memory_space<vmem>>, vector<16xi32>,
        %get3A_182 = arith.constant 16 : index
        %get3A_183 = tpu.vector_load %arg10[%get3A_182] {strides = array<i32>} : memref<64xi32, #tpu.memory_space<vmem>>, vector<16xi32>,
        %mul3A_184 = arith.constant 4 : i32
        %mul3A_185 = vector.broadcast %mul3A_184 : i32 to vector<16xi32>
        %mul3A_186 = arith.muli %get3A_183, %mul3A_185 : vector<16xi32>
        %add3A_187 = arith.constant 2 : i32
        %add3A_188 = vector.broadcast %add3A_187 : i32 to vector<16xi32>
        %add3A_189 = arith.addi %mul3A_186, %add3A_188 : vector<16xi32>
        %swap3A_190 = arith.constant 16 : index
        %swap3A_191 = tpu.vector_load %arg11[%swap3A_190] {strides = array<i32>} : memref<64xi32, #tpu.memory_space<vmem>>, vector<16xi32>,
        tpu.vector_store %arg11[%swap3A_190], %add3A_189 {strides = array<i32>} : memref<64xi32, #tpu.memory_space<vmem>>, vector<16xi32>,
        %get3A_192 = arith.constant 16 : index
        %get3A_193 = tpu.vector_load %arg9[%get3A_192] {strides = array<i32>} : memref<64xi32, #tpu.memory_space<vmem>>, vector<16xi32>,
        %mul3A_194 = arith.constant 4 : i32
        %mul3A_195 = vector.broadcast %mul3A_194 : i32 to vector<16xi32>
        %mul3A_196 = arith.muli %get3A_193, %mul3A_195 : vector<16xi32>
        %add3A_197 = arith.constant 2 : i32
        %add3A_198 = vector.broadcast %add3A_197 : i32 to vector<16xi32>
        %add3A_199 = arith.addi %mul3A_196, %add3A_198 : vector<16xi32>
        %swap3A_200 = arith.constant 16 : index
        %swap3A_201 = tpu.vector_load %arg12[%swap3A_200] {strides = array<i32>} : memref<64xi32, #tpu.memory_space<vmem>>, vector<16xi32>,
        tpu.vector_store %arg12[%swap3A_200], %add3A_199 {strides = array<i32>} : memref<64xi32, #tpu.memory_space<vmem>>, vector<16xi32>,
        %get3A_202 = arith.constant 32 : index
        %get3A_203 = tpu.vector_load %arg10[%get3A_202] {strides = array<i32>} : memref<64xi32, #tpu.memory_space<vmem>>, vector<16xi32>,
        %mul3A_204 = arith.constant 4 : i32
        %mul3A_205 = vector.broadcast %mul3A_204 : i32 to vector<16xi32>
        %mul3A_206 = arith.muli %get3A_203, %mul3A_205 : vector<16xi32>
        %add3A_207 = arith.constant 2 : i32
        %add3A_208 = vector.broadcast %add3A_207 : i32 to vector<16xi32>
        %add3A_209 = arith.addi %mul3A_206, %add3A_208 : vector<16xi32>
        %swap3A_210 = arith.constant 32 : index
        %swap3A_211 = tpu.vector_load %arg11[%swap3A_210] {strides = array<i32>} : memref<64xi32, #tpu.memory_space<vmem>>, vector<16xi32>,
        tpu.vector_store %arg11[%swap3A_210], %add3A_209 {strides = array<i32>} : memref<64xi32, #tpu.memory_space<vmem>>, vector<16xi32>,
        %get3A_212 = arith.constant 32 : index
        %get3A_213 = tpu.vector_load %arg9[%get3A_212] {strides = array<i32>} : memref<64xi32, #tpu.memory_space<vmem>>, vector<16xi32>,
        %mul3A_214 = arith.constant 4 : i32
        %mul3A_215 = vector.broadcast %mul3A_214 : i32 to vector<16xi32>
        %mul3A_216 = arith.muli %get3A_213, %mul3A_215 : vector<16xi32>
        %add3A_217 = arith.constant 2 : i32
        %add3A_218 = vector.broadcast %add3A_217 : i32 to vector<16xi32>
        %add3A_219 = arith.addi %mul3A_216, %add3A_218 : vector<16xi32>
        %swap3A_220 = arith.constant 32 : index
        %swap3A_221 = tpu.vector_load %arg12[%swap3A_220] {strides = array<i32>} : memref<64xi32, #tpu.memory_space<vmem>>, vector<16xi32>,
        tpu.vector_store %arg12[%swap3A_220], %add3A_219 {strides = array<i32>} : memref<64xi32, #tpu.memory_space<vmem>>, vector<16xi32>,
        %get3A_222 = arith.constant 48 : index
        %get3A_223 = tpu.vector_load %arg10[%get3A_222] {strides = array<i32>} : memref<64xi32, #tpu.memory_space<vmem>>, vector<16xi32>,
        %mul3A_224 = arith.constant 4 : i32
        %mul3A_225 = vector.broadcast %mul3A_224 : i32 to vector<16xi32>
        %mul3A_226 = arith.muli %get3A_223, %mul3A_225 : vector<16xi32>
        %add3A_227 = arith.constant 2 : i32
        %add3A_228 = vector.broadcast %add3A_227 : i32 to vector<16xi32>
        %add3A_229 = arith.addi %mul3A_226, %add3A_228 : vector<16xi32>
        %swap3A_230 = arith.constant 48 : index
        %swap3A_231 = tpu.vector_load %arg11[%swap3A_230] {strides = array<i32>} : memref<64xi32, #tpu.memory_space<vmem>>, vector<16xi32>,
        tpu.vector_store %arg11[%swap3A_230], %add3A_229 {strides = array<i32>} : memref<64xi32, #tpu.memory_space<vmem>>, vector<16xi32>,
        %get3A_232 = arith.constant 48 : index
        %get3A_233 = tpu.vector_load %arg9[%get3A_232] {strides = array<i32>} : memref<64xi32, #tpu.memory_space<vmem>>, vector<16xi32>,
        %mul3A_234 = arith.constant 4 : i32
        %mul3A_235 = vector.broadcast %mul3A_234 : i32 to vector<16xi32>
        %mul3A_236 = arith.muli %get3A_233, %mul3A_235 : vector<16xi32>
        %add3A_237 = arith.constant 2 : i32
        %add3A_238 = vector.broadcast %add3A_237 : i32 to vector<16xi32>
        %add3A_239 = arith.addi %mul3A_236, %add3A_238 : vector<16xi32>
        %swap3A_240 = arith.constant 48 : index
        %swap3A_241 = tpu.vector_load %arg12[%swap3A_240] {strides = array<i32>} : memref<64xi32, #tpu.memory_space<vmem>>, vector<16xi32>,
        tpu.vector_store %arg12[%swap3A_240], %add3A_239 {strides = array<i32>} : memref<64xi32, #tpu.memory_space<vmem>>, vector<16xi32>,
        %dma_start3A = arith.constant 0 : i32
        %dma_start3A_242 = arith.constant 0 : i32
        %dma_start3A_243 = tpu.memref_slice %arg2[%dma_start3A, %dma_start3A_242] : memref<40000x128xf32, #tpu.memory_space<hbm>> -> memref<40000x128xf32, #tpu.memory_space<hbm>>
        tpu.enqueue_indirect_dma source(%dma_start3A_243 : memref<40000x128xf32, #tpu.memory_space<hbm>>) target(%arg13 : memref<64x128xf32, #tpu.memory_space<vmem>>) offsets(%arg11 : memref<64xi32, #tpu.memory_space<vmem>>) semaphore(%arg18 : memref<!tpu.dma_semaphore, #tpu.memory_space<semaphore_mem>>)
        %dma_start3A_244 = arith.constant 0 : i32
        %dma_start3A_245 = arith.constant 0 : i32
        %dma_start3A_246 = tpu.memref_slice %arg3[%dma_start3A_244, %dma_start3A_245] : memref<40000x128xf32, #tpu.memory_space<hbm>> -> memref<40000x128xf32, #tpu.memory_space<hbm>>
        tpu.enqueue_indirect_dma source(%dma_start3A_246 : memref<40000x128xf32, #tpu.memory_space<hbm>>) target(%arg14 : memref<64x128xf32, #tpu.memory_space<vmem>>) offsets(%arg12 : memref<64xi32, #tpu.memory_space<vmem>>) semaphore(%arg19 : memref<!tpu.dma_semaphore, #tpu.memory_space<semaphore_mem>>)
        %dma_start3A_247 = arith.constant 0 : i32
        %dma_start3A_248 = arith.constant 0 : i32
        %dma_start3A_249 = tpu.memref_slice %arg4[%dma_start3A_247, %dma_start3A_248] : memref<40000x128xf32, #tpu.memory_space<hbm>> -> memref<40000x128xf32, #tpu.memory_space<hbm>>
        tpu.enqueue_indirect_dma source(%dma_start3A_249 : memref<40000x128xf32, #tpu.memory_space<hbm>>) target(%arg15 : memref<64x128xf32, #tpu.memory_space<vmem>>) offsets(%arg12 : memref<64xi32, #tpu.memory_space<vmem>>) semaphore(%arg20 : memref<!tpu.dma_semaphore, #tpu.memory_space<semaphore_mem>>)
        %dma_wait3A = arith.constant 0 : i32
        %dma_wait3A_250 = arith.constant 0 : i32
        %dma_wait3A_251 = tpu.memref_slice %arg2[%dma_wait3A, %dma_wait3A_250] : memref<40000x128xf32, #tpu.memory_space<hbm>> -> memref<40000x128xf32, #tpu.memory_space<hbm>>
        tpu.wait_indirect_dma semaphore(%arg18 : memref<!tpu.dma_semaphore, #tpu.memory_space<semaphore_mem>>) src(%dma_wait3A_251 : memref<40000x128xf32, #tpu.memory_space<hbm>>) dst(%arg13 : memref<64x128xf32, #tpu.memory_space<vmem>>)
        %dma_wait3A_252 = arith.constant 0 : i32
        %dma_wait3A_253 = arith.constant 0 : i32
        %dma_wait3A_254 = tpu.memref_slice %arg3[%dma_wait3A_252, %dma_wait3A_253] : memref<40000x128xf32, #tpu.memory_space<hbm>> -> memref<40000x128xf32, #tpu.memory_space<hbm>>
        tpu.wait_indirect_dma semaphore(%arg19 : memref<!tpu.dma_semaphore, #tpu.memory_space<semaphore_mem>>) src(%dma_wait3A_254 : memref<40000x128xf32, #tpu.memory_space<hbm>>) dst(%arg14 : memref<64x128xf32, #tpu.memory_space<vmem>>)
        %dma_wait3A_255 = arith.constant 0 : i32
        %dma_wait3A_256 = arith.constant 0 : i32
        %dma_wait3A_257 = tpu.memref_slice %arg4[%dma_wait3A_255, %dma_wait3A_256] : memref<40000x128xf32, #tpu.memory_space<hbm>> -> memref<40000x128xf32, #tpu.memory_space<hbm>>
        tpu.wait_indirect_dma semaphore(%arg20 : memref<!tpu.dma_semaphore, #tpu.memory_space<semaphore_mem>>) src(%dma_wait3A_257 : memref<40000x128xf32, #tpu.memory_space<hbm>>) dst(%arg15 : memref<64x128xf32, #tpu.memory_space<vmem>>)
        %scan3A_258 = arith.constant 0 : i32
        %mul3A_259 = arith.constant 1 : i32
        %mul3A_260 = arith.muli %scan3A_258, %mul3A_259 : i32
        %add3A_261 = arith.constant 0 : i32
        %add3A_262 = arith.addi %add3A_261, %mul3A_260 : i32
        %get3A_263 = arith.index_cast %add3A_262 : i32 to index
        %get3A_264 = arith.constant 0 : index
        %get3A_265 = tpu.vector_load %arg13[%get3A_263, %get3A_264] {strides = array<i32>} : memref<64x128xf32, #tpu.memory_space<vmem>>, vector<16xf32>,
        %get3A_266 = arith.index_cast %add3A_262 : i32 to index
        %get3A_267 = arith.constant 0 : index
        %get3A_268 = tpu.vector_load %arg14[%get3A_266, %get3A_267] {strides = array<i32>} : memref<64x128xf32, #tpu.memory_space<vmem>>, vector<16xf32>,
        %mul3A_269 = arith.mulf %get3A_265, %get3A_268 : vector<16xf32>
        %get3A_270 = arith.index_cast %add3A_262 : i32 to index
        %get3A_271 = arith.constant 16 : index
        %get3A_272 = tpu.vector_load %arg13[%get3A_270, %get3A_271] {strides = array<i32>} : memref<64x128xf32, #tpu.memory_space<vmem>>, vector<16xf32>,
        %get3A_273 = arith.index_cast %add3A_262 : i32 to index
        %get3A_274 = arith.constant 16 : index
        %get3A_275 = tpu.vector_load %arg14[%get3A_273, %get3A_274] {strides = array<i32>} : memref<64x128xf32, #tpu.memory_space<vmem>>, vector<16xf32>,
        %mul3A_276 = arith.mulf %get3A_272, %get3A_275 : vector<16xf32>
        %get3A_277 = arith.index_cast %add3A_262 : i32 to index
        %get3A_278 = arith.constant 32 : index
        %get3A_279 = tpu.vector_load %arg13[%get3A_277, %get3A_278] {strides = array<i32>} : memref<64x128xf32, #tpu.memory_space<vmem>>, vector<16xf32>,
        %get3A_280 = arith.index_cast %add3A_262 : i32 to index
        %get3A_281 = arith.constant 32 : index
        %get3A_282 = tpu.vector_load %arg14[%get3A_280, %get3A_281] {strides = array<i32>} : memref<64x128xf32, #tpu.memory_space<vmem>>, vector<16xf32>,
        %mul3A_283 = arith.mulf %get3A_279, %get3A_282 : vector<16xf32>
        %get3A_284 = arith.index_cast %add3A_262 : i32 to index
        %get3A_285 = arith.constant 48 : index
        %get3A_286 = tpu.vector_load %arg13[%get3A_284, %get3A_285] {strides = array<i32>} : memref<64x128xf32, #tpu.memory_space<vmem>>, vector<16xf32>,
        %get3A_287 = arith.index_cast %add3A_262 : i32 to index
        %get3A_288 = arith.constant 48 : index
        %get3A_289 = tpu.vector_load %arg14[%get3A_287, %get3A_288] {strides = array<i32>} : memref<64x128xf32, #tpu.memory_space<vmem>>, vector<16xf32>,
        %mul3A_290 = arith.mulf %get3A_286, %get3A_289 : vector<16xf32>
        %get3A_291 = arith.index_cast %add3A_262 : i32 to index
        %get3A_292 = arith.constant 64 : index
        %get3A_293 = tpu.vector_load %arg13[%get3A_291, %get3A_292] {strides = array<i32>} : memref<64x128xf32, #tpu.memory_space<vmem>>, vector<16xf32>,
        %get3A_294 = arith.index_cast %add3A_262 : i32 to index
        %get3A_295 = arith.constant 64 : index
        %get3A_296 = tpu.vector_load %arg14[%get3A_294, %get3A_295] {strides = array<i32>} : memref<64x128xf32, #tpu.memory_space<vmem>>, vector<16xf32>,
        %mul3A_297 = arith.mulf %get3A_293, %get3A_296 : vector<16xf32>
        %get3A_298 = arith.index_cast %add3A_262 : i32 to index
        %get3A_299 = arith.constant 80 : index
        %get3A_300 = tpu.vector_load %arg13[%get3A_298, %get3A_299] {strides = array<i32>} : memref<64x128xf32, #tpu.memory_space<vmem>>, vector<16xf32>,
        %get3A_301 = arith.index_cast %add3A_262 : i32 to index
        %get3A_302 = arith.constant 80 : index
        %get3A_303 = tpu.vector_load %arg14[%get3A_301, %get3A_302] {strides = array<i32>} : memref<64x128xf32, #tpu.memory_space<vmem>>, vector<16xf32>,
        %mul3A_304 = arith.mulf %get3A_300, %get3A_303 : vector<16xf32>
        %get3A_305 = arith.index_cast %add3A_262 : i32 to index
        %get3A_306 = arith.constant 96 : index
        %get3A_307 = tpu.vector_load %arg13[%get3A_305, %get3A_306] {strides = array<i32>} : memref<64x128xf32, #tpu.memory_space<vmem>>, vector<16xf32>,
        %get3A_308 = arith.index_cast %add3A_262 : i32 to index
        %get3A_309 = arith.constant 96 : index
        %get3A_310 = tpu.vector_load %arg14[%get3A_308, %get3A_309] {strides = array<i32>} : memref<64x128xf32, #tpu.memory_space<vmem>>, vector<16xf32>,
        %mul3A_311 = arith.mulf %get3A_307, %get3A_310 : vector<16xf32>
        %get3A_312 = arith.index_cast %add3A_262 : i32 to index
        %get3A_313 = arith.constant 112 : index
        %get3A_314 = tpu.vector_load %arg13[%get3A_312, %get3A_313] {strides = array<i32>} : memref<64x128xf32, #tpu.memory_space<vmem>>, vector<16xf32>,
        %get3A_315 = arith.index_cast %add3A_262 : i32 to index
        %get3A_316 = arith.constant 112 : index
        %get3A_317 = tpu.vector_load %arg14[%get3A_315, %get3A_316] {strides = array<i32>} : memref<64x128xf32, #tpu.memory_space<vmem>>, vector<16xf32>,
        %mul3A_318 = arith.mulf %get3A_314, %get3A_317 : vector<16xf32>
        %add3A_319 = arith.addf %mul3A_269, %mul3A_276 : vector<16xf32>
        %add3A_320 = arith.addf %mul3A_283, %mul3A_290 : vector<16xf32>
        %add3A_321 = arith.addf %add3A_319, %add3A_320 : vector<16xf32>
        %reduce_sum3A = arith.constant true
        %reduce_sum3A_322 = vector.broadcast %reduce_sum3A : i1 to vector<16xi1>
        %reduce_sum3A_323 = tpu.scan <sum>, %add3A_321 masked %reduce_sum3A_322 : vector<16xf32>, vector<16xi1> -> vector<16xf32>
        %reduce_sum3A_324 = vector.extract %reduce_sum3A_323[15] : f32 from vector<16xf32>
        %mul3A_325 = arith.constant 1.250000e-01 : f32
        %mul3A_326 = arith.mulf %reduce_sum3A_324, %mul3A_325 : f32
        %add3A_327 = arith.addf %mul3A_297, %mul3A_304 : vector<16xf32>
        %add3A_328 = arith.addf %mul3A_311, %mul3A_318 : vector<16xf32>
        %add3A_329 = arith.addf %add3A_327, %add3A_328 : vector<16xf32>
        %reduce_sum3A_330 = arith.constant true
        %reduce_sum3A_331 = vector.broadcast %reduce_sum3A_330 : i1 to vector<16xi1>
        %reduce_sum3A_332 = tpu.scan <sum>, %add3A_329 masked %reduce_sum3A_331 : vector<16xf32>, vector<16xi1> -> vector<16xf32>
        %reduce_sum3A_333 = vector.extract %reduce_sum3A_332[15] : f32 from vector<16xf32>
        %mul3A_334 = arith.constant 1.250000e-01 : f32
        %mul3A_335 = arith.mulf %reduce_sum3A_333, %mul3A_334 : f32
        %broadcast_in_dim3A = vector.broadcast %mul3A_326 : f32 to vector<16xf32>
        %exp3A = math.exp %broadcast_in_dim3A : vector<16xf32>
        %broadcast_in_dim3A_336 = vector.broadcast %mul3A_335 : f32 to vector<16xf32>
        %exp3A_337 = math.exp %broadcast_in_dim3A_336 : vector<16xf32>
        %get3A_338 = arith.index_cast %add3A_262 : i32 to index
        %get3A_339 = arith.constant 0 : index
        %get3A_340 = tpu.vector_load %arg15[%get3A_338, %get3A_339] {strides = array<i32>} : memref<64x128xf32, #tpu.memory_space<vmem>>, vector<16xf32>,
        %mul3A_341 = arith.mulf %get3A_340, %exp3A : vector<16xf32>
        %swap3A_342 = arith.index_cast %add3A_262 : i32 to index
        %swap3A_343 = arith.constant 0 : index
        %swap3A_344 = tpu.vector_load %arg16[%swap3A_342, %swap3A_343] {strides = array<i32>} : memref<64x144xf32, #tpu.memory_space<vmem>>, vector<16xf32>,
        tpu.vector_store %arg16[%swap3A_342, %swap3A_343], %mul3A_341 {strides = array<i32>} : memref<64x144xf32, #tpu.memory_space<vmem>>, vector<16xf32>,
        %get3A_345 = arith.index_cast %add3A_262 : i32 to index
        %get3A_346 = arith.constant 16 : index
        %get3A_347 = tpu.vector_load %arg15[%get3A_345, %get3A_346] {strides = array<i32>} : memref<64x128xf32, #tpu.memory_space<vmem>>, vector<16xf32>,
        %mul3A_348 = arith.mulf %get3A_347, %exp3A : vector<16xf32>
        %swap3A_349 = arith.index_cast %add3A_262 : i32 to index
        %swap3A_350 = arith.constant 16 : index
        %swap3A_351 = tpu.vector_load %arg16[%swap3A_349, %swap3A_350] {strides = array<i32>} : memref<64x144xf32, #tpu.memory_space<vmem>>, vector<16xf32>,
        tpu.vector_store %arg16[%swap3A_349, %swap3A_350], %mul3A_348 {strides = array<i32>} : memref<64x144xf32, #tpu.memory_space<vmem>>, vector<16xf32>,
        %get3A_352 = arith.index_cast %add3A_262 : i32 to index
        %get3A_353 = arith.constant 32 : index
        %get3A_354 = tpu.vector_load %arg15[%get3A_352, %get3A_353] {strides = array<i32>} : memref<64x128xf32, #tpu.memory_space<vmem>>, vector<16xf32>,
        %mul3A_355 = arith.mulf %get3A_354, %exp3A : vector<16xf32>
        %swap3A_356 = arith.index_cast %add3A_262 : i32 to index
        %swap3A_357 = arith.constant 32 : index
        %swap3A_358 = tpu.vector_load %arg16[%swap3A_356, %swap3A_357] {strides = array<i32>} : memref<64x144xf32, #tpu.memory_space<vmem>>, vector<16xf32>,
        tpu.vector_store %arg16[%swap3A_356, %swap3A_357], %mul3A_355 {strides = array<i32>} : memref<64x144xf32, #tpu.memory_space<vmem>>, vector<16xf32>,
        %get3A_359 = arith.index_cast %add3A_262 : i32 to index
        %get3A_360 = arith.constant 48 : index
        %get3A_361 = tpu.vector_load %arg15[%get3A_359, %get3A_360] {strides = array<i32>} : memref<64x128xf32, #tpu.memory_space<vmem>>, vector<16xf32>,
        %mul3A_362 = arith.mulf %get3A_361, %exp3A : vector<16xf32>
        %swap3A_363 = arith.index_cast %add3A_262 : i32 to index
        %swap3A_364 = arith.constant 48 : index
        %swap3A_365 = tpu.vector_load %arg16[%swap3A_363, %swap3A_364] {strides = array<i32>} : memref<64x144xf32, #tpu.memory_space<vmem>>, vector<16xf32>,
        tpu.vector_store %arg16[%swap3A_363, %swap3A_364], %mul3A_362 {strides = array<i32>} : memref<64x144xf32, #tpu.memory_space<vmem>>, vector<16xf32>,
        %get3A_366 = arith.index_cast %add3A_262 : i32 to index
        %get3A_367 = arith.constant 64 : index
        %get3A_368 = tpu.vector_load %arg15[%get3A_366, %get3A_367] {strides = array<i32>} : memref<64x128xf32, #tpu.memory_space<vmem>>, vector<16xf32>,
        %mul3A_369 = arith.mulf %get3A_368, %exp3A_337 : vector<16xf32>
        %swap3A_370 = arith.index_cast %add3A_262 : i32 to index
        %swap3A_371 = arith.constant 64 : index
        %swap3A_372 = tpu.vector_load %arg16[%swap3A_370, %swap3A_371] {strides = array<i32>} : memref<64x144xf32, #tpu.memory_space<vmem>>, vector<16xf32>,
        tpu.vector_store %arg16[%swap3A_370, %swap3A_371], %mul3A_369 {strides = array<i32>} : memref<64x144xf32, #tpu.memory_space<vmem>>, vector<16xf32>,
        %get3A_373 = arith.index_cast %add3A_262 : i32 to index
        %get3A_374 = arith.constant 80 : index
        %get3A_375 = tpu.vector_load %arg15[%get3A_373, %get3A_374] {strides = array<i32>} : memref<64x128xf32, #tpu.memory_space<vmem>>, vector<16xf32>,
        %mul3A_376 = arith.mulf %get3A_375, %exp3A_337 : vector<16xf32>
        %swap3A_377 = arith.index_cast %add3A_262 : i32 to index
        %swap3A_378 = arith.constant 80 : index
        %swap3A_379 = tpu.vector_load %arg16[%swap3A_377, %swap3A_378] {strides = array<i32>} : memref<64x144xf32, #tpu.memory_space<vmem>>, vector<16xf32>,
        tpu.vector_store %arg16[%swap3A_377, %swap3A_378], %mul3A_376 {strides = array<i32>} : memref<64x144xf32, #tpu.memory_space<vmem>>, vector<16xf32>,
        %get3A_380 = arith.index_cast %add3A_262 : i32 to index
        %get3A_381 = arith.constant 96 : index
        %get3A_382 = tpu.vector_load %arg15[%get3A_380, %get3A_381] {strides = array<i32>} : memref<64x128xf32, #tpu.memory_space<vmem>>, vector<16xf32>,
        %mul3A_383 = arith.mulf %get3A_382, %exp3A_337 : vector<16xf32>
        %swap3A_384 = arith.index_cast %add3A_262 : i32 to index
        %swap3A_385 = arith.constant 96 : index
        %swap3A_386 = tpu.vector_load %arg16[%swap3A_384, %swap3A_385] {strides = array<i32>} : memref<64x144xf32, #tpu.memory_space<vmem>>, vector<16xf32>,
        tpu.vector_store %arg16[%swap3A_384, %swap3A_385], %mul3A_383 {strides = array<i32>} : memref<64x144xf32, #tpu.memory_space<vmem>>, vector<16xf32>,
        %get3A_387 = arith.index_cast %add3A_262 : i32 to index
        %get3A_388 = arith.constant 112 : index
        %get3A_389 = tpu.vector_load %arg15[%get3A_387, %get3A_388] {strides = array<i32>} : memref<64x128xf32, #tpu.memory_space<vmem>>, vector<16xf32>,
        %mul3A_390 = arith.mulf %get3A_389, %exp3A_337 : vector<16xf32>
        %swap3A_391 = arith.index_cast %add3A_262 : i32 to index
        %swap3A_392 = arith.constant 112 : index
        %swap3A_393 = tpu.vector_load %arg16[%swap3A_391, %swap3A_392] {strides = array<i32>} : memref<64x144xf32, #tpu.memory_space<vmem>>, vector<16xf32>,
        tpu.vector_store %arg16[%swap3A_391, %swap3A_392], %mul3A_390 {strides = array<i32>} : memref<64x144xf32, #tpu.memory_space<vmem>>, vector<16xf32>,
        %lt3A_394 = arith.constant 8 : i32
        %lt3A_395 = vector.broadcast %lt3A_394 : i32 to vector<16xi32>
        %lt3A_396 = arith.cmpi slt, %iota3A, %lt3A_395 : vector<16xi32>
        %select_n3A = arith.select %lt3A_396, %exp3A, %exp3A_337 : vector<16xi1>, vector<16xf32>
        %swap3A_397 = arith.index_cast %add3A_262 : i32 to index
        %swap3A_398 = arith.constant 128 : index
        %swap3A_399 = tpu.vector_load %arg16[%swap3A_397, %swap3A_398] {strides = array<i32>} : memref<64x144xf32, #tpu.memory_space<vmem>>, vector<16xf32>,
        tpu.vector_store %arg16[%swap3A_397, %swap3A_398], %select_n3A {strides = array<i32>} : memref<64x144xf32, #tpu.memory_space<vmem>>, vector<16xf32>,
        %scan3A_400 = arith.constant 1 : i32
      } else {
      }
    }
    %scan3A_96 = arith.constant 79 : i32
    %barrier3A_97 = arith.constant 0 : index
    tpu.barrier barrier_id(%barrier3A_97)
    %lt3A_98 = arith.constant 15 : i32
    %lt3A_99 = arith.cmpi slt, %arg1, %lt3A_98 : i32
    %convert_element_type3A_100 = arith.extui %lt3A_99 : i1 to i32
    %cond3A_101 = arith.constant 0 : i32
    %cond3A_102 = arith.cmpi ne, %convert_element_type3A_100, %cond3A_101 : i32
    scf.if %cond3A_102 {
      %mul3A_147 = arith.constant 640 : i32
      %mul3A_148 = arith.muli %arg1, %mul3A_147 : i32
      %mul3A_149 = arith.constant 640 : i32
      %mul3A_150 = arith.muli %arg1, %mul3A_149 : i32
      %run_scoped3A = arith.constant 2 : i32
      "tpu.region"() ({
        %run_scoped3A_151 = tpu.sem_alloc : memref<!tpu.dma_semaphore, #tpu.memory_space<semaphore_mem>>
        %dma_start3A = arith.constant 0 : i32
        %dma_start3A_152 = tpu.memref_slice %arg8[%arg0, %run_scoped3A, %mul3A_150, %dma_start3A] : memref<2x4x10000x144xf32, #tpu.memory_space<hbm>> -> memref<1x1x640x144xf32, #tpu.memory_space<hbm>>
        %dma_start3A_153 = tpu.memref_squeeze %dma_start3A_152 : memref<1x1x640x144xf32, #tpu.memory_space<hbm>> -> memref<640x144xf32, #tpu.memory_space<hbm>>
        %dma_start3A_154 = arith.constant 0 : i32
        %dma_start3A_155 = tpu.memref_slice %arg17[%mul3A_148, %dma_start3A_154] : memref<10240x144xf32, #tpu.memory_space<vmem_shared>> -> memref<640x144xf32, #tpu.memory_space<vmem_shared>>
        tpu.enqueue_dma source(%dma_start3A_155 : memref<640x144xf32, #tpu.memory_space<vmem_shared>>) target(%dma_start3A_153 : memref<640x144xf32, #tpu.memory_space<hbm>>) target_semaphore(%run_scoped3A_151 : memref<!tpu.dma_semaphore, #tpu.memory_space<semaphore_mem>>)
        %dma_wait3A = arith.constant 0 : i32
        %dma_wait3A_156 = tpu.memref_slice %arg8[%arg0, %run_scoped3A, %mul3A_150, %dma_wait3A] : memref<2x4x10000x144xf32, #tpu.memory_space<hbm>> -> memref<1x1x640x144xf32, #tpu.memory_space<hbm>>
        %dma_wait3A_157 = tpu.memref_squeeze %dma_wait3A_156 : memref<1x1x640x144xf32, #tpu.memory_space<hbm>> -> memref<640x144xf32, #tpu.memory_space<hbm>>
        %dma_wait3A_158 = arith.constant 0 : i32
        %dma_wait3A_159 = tpu.memref_slice %arg17[%mul3A_148, %dma_wait3A_158] : memref<10240x144xf32, #tpu.memory_space<vmem_shared>> -> memref<640x144xf32, #tpu.memory_space<vmem_shared>>
        tpu.wait_dma2 semaphore(%run_scoped3A_151 : memref<!tpu.dma_semaphore, #tpu.memory_space<semaphore_mem>>) src(%dma_wait3A_159 : memref<640x144xf32, #tpu.memory_space<vmem_shared>>) dst(%dma_wait3A_157 : memref<640x144xf32, #tpu.memory_space<hbm>>)
        tpu.yield
      }) : () -> ()
    } else {
    }
    %eq3A_103 = arith.constant 15 : i32
    %eq3A_104 = arith.cmpi eq, %arg1, %eq3A_103 : i32
    %convert_element_type3A_105 = arith.extui %eq3A_104 : i1 to i32
    %cond3A_106 = arith.constant 0 : i32
    %cond3A_107 = arith.cmpi ne, %convert_element_type3A_105, %cond3A_106 : i32
    scf.if %cond3A_107 {
      %run_scoped3A = arith.constant 2 : i32
      "tpu.region"() ({
        %run_scoped3A_147 = tpu.sem_alloc : memref<!tpu.dma_semaphore, #tpu.memory_space<semaphore_mem>>
        %dma_start3A = arith.constant 9600 : i32
        %dma_start3A_148 = arith.constant 0 : i32
        %dma_start3A_149 = tpu.memref_slice %arg8[%arg0, %run_scoped3A, %dma_start3A, %dma_start3A_148] : memref<2x4x10000x144xf32, #tpu.memory_space<hbm>> -> memref<1x1x400x144xf32, #tpu.memory_space<hbm>>
        %dma_start3A_150 = tpu.memref_squeeze %dma_start3A_149 : memref<1x1x400x144xf32, #tpu.memory_space<hbm>> -> memref<400x144xf32, #tpu.memory_space<hbm>>
        %dma_start3A_151 = arith.constant 9600 : i32
        %dma_start3A_152 = arith.constant 0 : i32
        %dma_start3A_153 = tpu.memref_slice %arg17[%dma_start3A_151, %dma_start3A_152] : memref<10240x144xf32, #tpu.memory_space<vmem_shared>> -> memref<400x144xf32, #tpu.memory_space<vmem_shared>>
        tpu.enqueue_dma source(%dma_start3A_153 : memref<400x144xf32, #tpu.memory_space<vmem_shared>>) target(%dma_start3A_150 : memref<400x144xf32, #tpu.memory_space<hbm>>) target_semaphore(%run_scoped3A_147 : memref<!tpu.dma_semaphore, #tpu.memory_space<semaphore_mem>>)
        %dma_wait3A = arith.constant 9600 : i32
        %dma_wait3A_154 = arith.constant 0 : i32
        %dma_wait3A_155 = tpu.memref_slice %arg8[%arg0, %run_scoped3A, %dma_wait3A, %dma_wait3A_154] : memref<2x4x10000x144xf32, #tpu.memory_space<hbm>> -> memref<1x1x400x144xf32, #tpu.memory_space<hbm>>
        %dma_wait3A_156 = tpu.memref_squeeze %dma_wait3A_155 : memref<1x1x400x144xf32, #tpu.memory_space<hbm>> -> memref<400x144xf32, #tpu.memory_space<hbm>>
        %dma_wait3A_157 = arith.constant 9600 : i32
        %dma_wait3A_158 = arith.constant 0 : i32
        %dma_wait3A_159 = tpu.memref_slice %arg17[%dma_wait3A_157, %dma_wait3A_158] : memref<10240x144xf32, #tpu.memory_space<vmem_shared>> -> memref<400x144xf32, #tpu.memory_space<vmem_shared>>
        tpu.wait_dma2 semaphore(%run_scoped3A_147 : memref<!tpu.dma_semaphore, #tpu.memory_space<semaphore_mem>>) src(%dma_wait3A_159 : memref<400x144xf32, #tpu.memory_space<vmem_shared>>) dst(%dma_wait3A_156 : memref<400x144xf32, #tpu.memory_space<hbm>>)
        tpu.yield
      }) : () -> ()
    } else {
    }
    %barrier3A_108 = arith.constant 0 : index
    tpu.barrier barrier_id(%barrier3A_108)
    %mul3A_109 = arith.constant 640 : i32
    %mul3A_110 = arith.muli %arg1, %mul3A_109 : i32
    %add3A_111 = arith.constant 0 : i32
    %add3A_112 = arith.addi %mul3A_110, %add3A_111 : i32
    "tpu.region"() ({
      %run_scoped3A = tpu.sem_alloc : memref<!tpu.dma_semaphore, #tpu.memory_space<semaphore_mem>>
      %dma_start3A = arith.constant 0 : i32
      %dma_start3A_147 = tpu.memref_slice %arg17[%add3A_112, %dma_start3A] : memref<10240x144xf32, #tpu.memory_space<vmem_shared>> -> memref<128x144xf32, #tpu.memory_space<vmem_shared>>
      tpu.enqueue_dma source(%arg7 : memref<128x144xf32, #tpu.memory_space<hbm>>) target(%dma_start3A_147 : memref<128x144xf32, #tpu.memory_space<vmem_shared>>) target_semaphore(%run_scoped3A : memref<!tpu.dma_semaphore, #tpu.memory_space<semaphore_mem>>)
      %dma_wait3A = arith.constant 0 : i32
      %dma_wait3A_148 = tpu.memref_slice %arg17[%add3A_112, %dma_wait3A] : memref<10240x144xf32, #tpu.memory_space<vmem_shared>> -> memref<128x144xf32, #tpu.memory_space<vmem_shared>>
      tpu.wait_dma2 semaphore(%run_scoped3A : memref<!tpu.dma_semaphore, #tpu.memory_space<semaphore_mem>>) src(%arg7 : memref<128x144xf32, #tpu.memory_space<hbm>>) dst(%dma_wait3A_148 : memref<128x144xf32, #tpu.memory_space<vmem_shared>>)
      tpu.yield
    }) : () -> ()
    %mul3A_113 = arith.constant 640 : i32
    %mul3A_114 = arith.muli %arg1, %mul3A_113 : i32
    %add3A_115 = arith.constant 128 : i32
    %add3A_116 = arith.addi %mul3A_114, %add3A_115 : i32
    "tpu.region"() ({
      %run_scoped3A = tpu.sem_alloc : memref<!tpu.dma_semaphore, #tpu.memory_space<semaphore_mem>>
      %dma_start3A = arith.constant 0 : i32
      %dma_start3A_147 = tpu.memref_slice %arg17[%add3A_116, %dma_start3A] : memref<10240x144xf32, #tpu.memory_space<vmem_shared>> -> memref<128x144xf32, #tpu.memory_space<vmem_shared>>
      tpu.enqueue_dma source(%arg7 : memref<128x144xf32, #tpu.memory_space<hbm>>) target(%dma_start3A_147 : memref<128x144xf32, #tpu.memory_space<vmem_shared>>) target_semaphore(%run_scoped3A : memref<!tpu.dma_semaphore, #tpu.memory_space<semaphore_mem>>)
      %dma_wait3A = arith.constant 0 : i32
      %dma_wait3A_148 = tpu.memref_slice %arg17[%add3A_116, %dma_wait3A] : memref<10240x144xf32, #tpu.memory_space<vmem_shared>> -> memref<128x144xf32, #tpu.memory_space<vmem_shared>>
      tpu.wait_dma2 semaphore(%run_scoped3A : memref<!tpu.dma_semaphore, #tpu.memory_space<semaphore_mem>>) src(%arg7 : memref<128x144xf32, #tpu.memory_space<hbm>>) dst(%dma_wait3A_148 : memref<128x144xf32, #tpu.memory_space<vmem_shared>>)
      tpu.yield
    }) : () -> ()
    %mul3A_117 = arith.constant 640 : i32
    %mul3A_118 = arith.muli %arg1, %mul3A_117 : i32
    %add3A_119 = arith.constant 256 : i32
    %add3A_120 = arith.addi %mul3A_118, %add3A_119 : i32
    "tpu.region"() ({
      %run_scoped3A = tpu.sem_alloc : memref<!tpu.dma_semaphore, #tpu.memory_space<semaphore_mem>>
      %dma_start3A = arith.constant 0 : i32
      %dma_start3A_147 = tpu.memref_slice %arg17[%add3A_120, %dma_start3A] : memref<10240x144xf32, #tpu.memory_space<vmem_shared>> -> memref<128x144xf32, #tpu.memory_space<vmem_shared>>
      tpu.enqueue_dma source(%arg7 : memref<128x144xf32, #tpu.memory_space<hbm>>) target(%dma_start3A_147 : memref<128x144xf32, #tpu.memory_space<vmem_shared>>) target_semaphore(%run_scoped3A : memref<!tpu.dma_semaphore, #tpu.memory_space<semaphore_mem>>)
      %dma_wait3A = arith.constant 0 : i32
      %dma_wait3A_148 = tpu.memref_slice %arg17[%add3A_120, %dma_wait3A] : memref<10240x144xf32, #tpu.memory_space<vmem_shared>> -> memref<128x144xf32, #tpu.memory_space<vmem_shared>>
      tpu.wait_dma2 semaphore(%run_scoped3A : memref<!tpu.dma_semaphore, #tpu.memory_space<semaphore_mem>>) src(%arg7 : memref<128x144xf32, #tpu.memory_space<hbm>>) dst(%dma_wait3A_148 : memref<128x144xf32, #tpu.memory_space<vmem_shared>>)
      tpu.yield
    }) : () -> ()
    %mul3A_121 = arith.constant 640 : i32
    %mul3A_122 = arith.muli %arg1, %mul3A_121 : i32
    %add3A_123 = arith.constant 384 : i32
    %add3A_124 = arith.addi %mul3A_122, %add3A_123 : i32
    "tpu.region"() ({
      %run_scoped3A = tpu.sem_alloc : memref<!tpu.dma_semaphore, #tpu.memory_space<semaphore_mem>>
      %dma_start3A = arith.constant 0 : i32
      %dma_start3A_147 = tpu.memref_slice %arg17[%add3A_124, %dma_start3A] : memref<10240x144xf32, #tpu.memory_space<vmem_shared>> -> memref<128x144xf32, #tpu.memory_space<vmem_shared>>
      tpu.enqueue_dma source(%arg7 : memref<128x144xf32, #tpu.memory_space<hbm>>) target(%dma_start3A_147 : memref<128x144xf32, #tpu.memory_space<vmem_shared>>) target_semaphore(%run_scoped3A : memref<!tpu.dma_semaphore, #tpu.memory_space<semaphore_mem>>)
      %dma_wait3A = arith.constant 0 : i32
      %dma_wait3A_148 = tpu.memref_slice %arg17[%add3A_124, %dma_wait3A] : memref<10240x144xf32, #tpu.memory_space<vmem_shared>> -> memref<128x144xf32, #tpu.memory_space<vmem_shared>>
      tpu.wait_dma2 semaphore(%run_scoped3A : memref<!tpu.dma_semaphore, #tpu.memory_space<semaphore_mem>>) src(%arg7 : memref<128x144xf32, #tpu.memory_space<hbm>>) dst(%dma_wait3A_148 : memref<128x144xf32, #tpu.memory_space<vmem_shared>>)
      tpu.yield
    }) : () -> ()
    %mul3A_125 = arith.constant 640 : i32
    %mul3A_126 = arith.muli %arg1, %mul3A_125 : i32
    %add3A_127 = arith.constant 512 : i32
    %add3A_128 = arith.addi %mul3A_126, %add3A_127 : i32
    "tpu.region"() ({
      %run_scoped3A = tpu.sem_alloc : memref<!tpu.dma_semaphore, #tpu.memory_space<semaphore_mem>>
      %dma_start3A = arith.constant 0 : i32
      %dma_start3A_147 = tpu.memref_slice %arg17[%add3A_128, %dma_start3A] : memref<10240x144xf32, #tpu.memory_space<vmem_shared>> -> memref<128x144xf32, #tpu.memory_space<vmem_shared>>
      tpu.enqueue_dma source(%arg7 : memref<128x144xf32, #tpu.memory_space<hbm>>) target(%dma_start3A_147 : memref<128x144xf32, #tpu.memory_space<vmem_shared>>) target_semaphore(%run_scoped3A : memref<!tpu.dma_semaphore, #tpu.memory_space<semaphore_mem>>)
      %dma_wait3A = arith.constant 0 : i32
      %dma_wait3A_148 = tpu.memref_slice %arg17[%add3A_128, %dma_wait3A] : memref<10240x144xf32, #tpu.memory_space<vmem_shared>> -> memref<128x144xf32, #tpu.memory_space<vmem_shared>>
      tpu.wait_dma2 semaphore(%run_scoped3A : memref<!tpu.dma_semaphore, #tpu.memory_space<semaphore_mem>>) src(%arg7 : memref<128x144xf32, #tpu.memory_space<hbm>>) dst(%dma_wait3A_148 : memref<128x144xf32, #tpu.memory_space<vmem_shared>>)
      tpu.yield
    }) : () -> ()
    %barrier3A_129 = arith.constant 0 : index
    tpu.barrier barrier_id(%barrier3A_129)
    %scan3A_130 = arith.constant 0 : i32
    %scan3A_131 = arith.constant 79 : i32
    %scan3A_132 = arith.addi %scan3A_130, %scan3A_131 : i32
    %scan3A_133 = arith.constant 1 : i32
    scf.for %scan3A_147 = %scan3A_130 to %scan3A_132 step %scan3A_133  : i32 {
      %mul3A_148 = arith.constant 1 : i32
      %mul3A_149 = arith.muli %scan3A_147, %mul3A_148 : i32
      %add3A_150 = arith.constant 0 : i32
      %add3A_151 = arith.addi %add3A_150, %mul3A_149 : i32
      %mul3A_152 = arith.constant 32 : i32
      %mul3A_153 = arith.muli %add3A_151, %mul3A_152 : i32
      %add3A_154 = arith.addi %add3A, %mul3A_153 : i32
      %lt3A_155 = arith.constant 2500 : i32
      %lt3A_156 = arith.cmpi slt, %add3A_154, %lt3A_155 : i32
      %convert_element_type3A_157 = arith.extui %lt3A_156 : i1 to i32
      %cond3A_158 = arith.constant 0 : i32
      %cond3A_159 = arith.cmpi ne, %convert_element_type3A_157, %cond3A_158 : i32
      scf.if %cond3A_159 {
        %mul3A_160 = arith.constant 64 : i32
        %mul3A_161 = arith.muli %add3A_154, %mul3A_160 : i32
        "tpu.region"() ({
          %run_scoped3A = tpu.sem_alloc : memref<!tpu.dma_semaphore, #tpu.memory_space<semaphore_mem>>
          %dma_start3A_401 = tpu.memref_slice %arg5[%mul3A_161] : memref<160000xi32, #tpu.memory_space<hbm>> -> memref<64xi32, #tpu.memory_space<hbm>>
          %dma_start3A_402 = tpu.memref_slice %arg5[%mul3A_161] : memref<160000xi32, #tpu.memory_space<hbm>> -> memref<64xi32, #tpu.memory_space<hbm>>
          tpu.enqueue_dma source(%dma_start3A_402 : memref<64xi32, #tpu.memory_space<hbm>>) target(%arg9 : memref<64xi32, #tpu.memory_space<vmem>>) target_semaphore(%run_scoped3A : memref<!tpu.dma_semaphore, #tpu.memory_space<semaphore_mem>>)
          %dma_wait3A_403 = tpu.memref_slice %arg5[%mul3A_161] : memref<160000xi32, #tpu.memory_space<hbm>> -> memref<64xi32, #tpu.memory_space<hbm>>
          %dma_wait3A_404 = tpu.memref_slice %arg5[%mul3A_161] : memref<160000xi32, #tpu.memory_space<hbm>> -> memref<64xi32, #tpu.memory_space<hbm>>
          tpu.wait_dma2 semaphore(%run_scoped3A : memref<!tpu.dma_semaphore, #tpu.memory_space<semaphore_mem>>) src(%dma_wait3A_404 : memref<64xi32, #tpu.memory_space<hbm>>) dst(%arg9 : memref<64xi32, #tpu.memory_space<vmem>>)
          tpu.yield
        }) : () -> ()
        %mul3A_162 = arith.constant 64 : i32
        %mul3A_163 = arith.muli %add3A_154, %mul3A_162 : i32
        "tpu.region"() ({
          %run_scoped3A = tpu.sem_alloc : memref<!tpu.dma_semaphore, #tpu.memory_space<semaphore_mem>>
          %dma_start3A_401 = tpu.memref_slice %arg6[%mul3A_163] : memref<160000xi32, #tpu.memory_space<hbm>> -> memref<64xi32, #tpu.memory_space<hbm>>
          %dma_start3A_402 = tpu.memref_slice %arg6[%mul3A_163] : memref<160000xi32, #tpu.memory_space<hbm>> -> memref<64xi32, #tpu.memory_space<hbm>>
          tpu.enqueue_dma source(%dma_start3A_402 : memref<64xi32, #tpu.memory_space<hbm>>) target(%arg10 : memref<64xi32, #tpu.memory_space<vmem>>) target_semaphore(%run_scoped3A : memref<!tpu.dma_semaphore, #tpu.memory_space<semaphore_mem>>)
          %dma_wait3A_403 = tpu.memref_slice %arg6[%mul3A_163] : memref<160000xi32, #tpu.memory_space<hbm>> -> memref<64xi32, #tpu.memory_space<hbm>>
          %dma_wait3A_404 = tpu.memref_slice %arg6[%mul3A_163] : memref<160000xi32, #tpu.memory_space<hbm>> -> memref<64xi32, #tpu.memory_space<hbm>>
          tpu.wait_dma2 semaphore(%run_scoped3A : memref<!tpu.dma_semaphore, #tpu.memory_space<semaphore_mem>>) src(%dma_wait3A_404 : memref<64xi32, #tpu.memory_space<hbm>>) dst(%arg10 : memref<64xi32, #tpu.memory_space<vmem>>)
          tpu.yield
        }) : () -> ()
        %get3A = arith.constant 0 : index
        %get3A_164 = tpu.vector_load %arg10[%get3A] {strides = array<i32>} : memref<64xi32, #tpu.memory_space<vmem>>, vector<16xi32>,
        %mul3A_165 = arith.constant 4 : i32
        %mul3A_166 = vector.broadcast %mul3A_165 : i32 to vector<16xi32>
        %mul3A_167 = arith.muli %get3A_164, %mul3A_166 : vector<16xi32>
        %add3A_168 = arith.constant 3 : i32
        %add3A_169 = vector.broadcast %add3A_168 : i32 to vector<16xi32>
        %add3A_170 = arith.addi %mul3A_167, %add3A_169 : vector<16xi32>
        %swap3A = arith.constant 0 : index
        %swap3A_171 = tpu.vector_load %arg11[%swap3A] {strides = array<i32>} : memref<64xi32, #tpu.memory_space<vmem>>, vector<16xi32>,
        tpu.vector_store %arg11[%swap3A], %add3A_170 {strides = array<i32>} : memref<64xi32, #tpu.memory_space<vmem>>, vector<16xi32>,
        %get3A_172 = arith.constant 0 : index
        %get3A_173 = tpu.vector_load %arg9[%get3A_172] {strides = array<i32>} : memref<64xi32, #tpu.memory_space<vmem>>, vector<16xi32>,
        %mul3A_174 = arith.constant 4 : i32
        %mul3A_175 = vector.broadcast %mul3A_174 : i32 to vector<16xi32>
        %mul3A_176 = arith.muli %get3A_173, %mul3A_175 : vector<16xi32>
        %add3A_177 = arith.constant 3 : i32
        %add3A_178 = vector.broadcast %add3A_177 : i32 to vector<16xi32>
        %add3A_179 = arith.addi %mul3A_176, %add3A_178 : vector<16xi32>
        %swap3A_180 = arith.constant 0 : index
        %swap3A_181 = tpu.vector_load %arg12[%swap3A_180] {strides = array<i32>} : memref<64xi32, #tpu.memory_space<vmem>>, vector<16xi32>,
        tpu.vector_store %arg12[%swap3A_180], %add3A_179 {strides = array<i32>} : memref<64xi32, #tpu.memory_space<vmem>>, vector<16xi32>,
        %get3A_182 = arith.constant 16 : index
        %get3A_183 = tpu.vector_load %arg10[%get3A_182] {strides = array<i32>} : memref<64xi32, #tpu.memory_space<vmem>>, vector<16xi32>,
        %mul3A_184 = arith.constant 4 : i32
        %mul3A_185 = vector.broadcast %mul3A_184 : i32 to vector<16xi32>
        %mul3A_186 = arith.muli %get3A_183, %mul3A_185 : vector<16xi32>
        %add3A_187 = arith.constant 3 : i32
        %add3A_188 = vector.broadcast %add3A_187 : i32 to vector<16xi32>
        %add3A_189 = arith.addi %mul3A_186, %add3A_188 : vector<16xi32>
        %swap3A_190 = arith.constant 16 : index
        %swap3A_191 = tpu.vector_load %arg11[%swap3A_190] {strides = array<i32>} : memref<64xi32, #tpu.memory_space<vmem>>, vector<16xi32>,
        tpu.vector_store %arg11[%swap3A_190], %add3A_189 {strides = array<i32>} : memref<64xi32, #tpu.memory_space<vmem>>, vector<16xi32>,
        %get3A_192 = arith.constant 16 : index
        %get3A_193 = tpu.vector_load %arg9[%get3A_192] {strides = array<i32>} : memref<64xi32, #tpu.memory_space<vmem>>, vector<16xi32>,
        %mul3A_194 = arith.constant 4 : i32
        %mul3A_195 = vector.broadcast %mul3A_194 : i32 to vector<16xi32>
        %mul3A_196 = arith.muli %get3A_193, %mul3A_195 : vector<16xi32>
        %add3A_197 = arith.constant 3 : i32
        %add3A_198 = vector.broadcast %add3A_197 : i32 to vector<16xi32>
        %add3A_199 = arith.addi %mul3A_196, %add3A_198 : vector<16xi32>
        %swap3A_200 = arith.constant 16 : index
        %swap3A_201 = tpu.vector_load %arg12[%swap3A_200] {strides = array<i32>} : memref<64xi32, #tpu.memory_space<vmem>>, vector<16xi32>,
        tpu.vector_store %arg12[%swap3A_200], %add3A_199 {strides = array<i32>} : memref<64xi32, #tpu.memory_space<vmem>>, vector<16xi32>,
        %get3A_202 = arith.constant 32 : index
        %get3A_203 = tpu.vector_load %arg10[%get3A_202] {strides = array<i32>} : memref<64xi32, #tpu.memory_space<vmem>>, vector<16xi32>,
        %mul3A_204 = arith.constant 4 : i32
        %mul3A_205 = vector.broadcast %mul3A_204 : i32 to vector<16xi32>
        %mul3A_206 = arith.muli %get3A_203, %mul3A_205 : vector<16xi32>
        %add3A_207 = arith.constant 3 : i32
        %add3A_208 = vector.broadcast %add3A_207 : i32 to vector<16xi32>
        %add3A_209 = arith.addi %mul3A_206, %add3A_208 : vector<16xi32>
        %swap3A_210 = arith.constant 32 : index
        %swap3A_211 = tpu.vector_load %arg11[%swap3A_210] {strides = array<i32>} : memref<64xi32, #tpu.memory_space<vmem>>, vector<16xi32>,
        tpu.vector_store %arg11[%swap3A_210], %add3A_209 {strides = array<i32>} : memref<64xi32, #tpu.memory_space<vmem>>, vector<16xi32>,
        %get3A_212 = arith.constant 32 : index
        %get3A_213 = tpu.vector_load %arg9[%get3A_212] {strides = array<i32>} : memref<64xi32, #tpu.memory_space<vmem>>, vector<16xi32>,
        %mul3A_214 = arith.constant 4 : i32
        %mul3A_215 = vector.broadcast %mul3A_214 : i32 to vector<16xi32>
        %mul3A_216 = arith.muli %get3A_213, %mul3A_215 : vector<16xi32>
        %add3A_217 = arith.constant 3 : i32
        %add3A_218 = vector.broadcast %add3A_217 : i32 to vector<16xi32>
        %add3A_219 = arith.addi %mul3A_216, %add3A_218 : vector<16xi32>
        %swap3A_220 = arith.constant 32 : index
        %swap3A_221 = tpu.vector_load %arg12[%swap3A_220] {strides = array<i32>} : memref<64xi32, #tpu.memory_space<vmem>>, vector<16xi32>,
        tpu.vector_store %arg12[%swap3A_220], %add3A_219 {strides = array<i32>} : memref<64xi32, #tpu.memory_space<vmem>>, vector<16xi32>,
        %get3A_222 = arith.constant 48 : index
        %get3A_223 = tpu.vector_load %arg10[%get3A_222] {strides = array<i32>} : memref<64xi32, #tpu.memory_space<vmem>>, vector<16xi32>,
        %mul3A_224 = arith.constant 4 : i32
        %mul3A_225 = vector.broadcast %mul3A_224 : i32 to vector<16xi32>
        %mul3A_226 = arith.muli %get3A_223, %mul3A_225 : vector<16xi32>
        %add3A_227 = arith.constant 3 : i32
        %add3A_228 = vector.broadcast %add3A_227 : i32 to vector<16xi32>
        %add3A_229 = arith.addi %mul3A_226, %add3A_228 : vector<16xi32>
        %swap3A_230 = arith.constant 48 : index
        %swap3A_231 = tpu.vector_load %arg11[%swap3A_230] {strides = array<i32>} : memref<64xi32, #tpu.memory_space<vmem>>, vector<16xi32>,
        tpu.vector_store %arg11[%swap3A_230], %add3A_229 {strides = array<i32>} : memref<64xi32, #tpu.memory_space<vmem>>, vector<16xi32>,
        %get3A_232 = arith.constant 48 : index
        %get3A_233 = tpu.vector_load %arg9[%get3A_232] {strides = array<i32>} : memref<64xi32, #tpu.memory_space<vmem>>, vector<16xi32>,
        %mul3A_234 = arith.constant 4 : i32
        %mul3A_235 = vector.broadcast %mul3A_234 : i32 to vector<16xi32>
        %mul3A_236 = arith.muli %get3A_233, %mul3A_235 : vector<16xi32>
        %add3A_237 = arith.constant 3 : i32
        %add3A_238 = vector.broadcast %add3A_237 : i32 to vector<16xi32>
        %add3A_239 = arith.addi %mul3A_236, %add3A_238 : vector<16xi32>
        %swap3A_240 = arith.constant 48 : index
        %swap3A_241 = tpu.vector_load %arg12[%swap3A_240] {strides = array<i32>} : memref<64xi32, #tpu.memory_space<vmem>>, vector<16xi32>,
        tpu.vector_store %arg12[%swap3A_240], %add3A_239 {strides = array<i32>} : memref<64xi32, #tpu.memory_space<vmem>>, vector<16xi32>,
        %dma_start3A = arith.constant 0 : i32
        %dma_start3A_242 = arith.constant 0 : i32
        %dma_start3A_243 = tpu.memref_slice %arg2[%dma_start3A, %dma_start3A_242] : memref<40000x128xf32, #tpu.memory_space<hbm>> -> memref<40000x128xf32, #tpu.memory_space<hbm>>
        tpu.enqueue_indirect_dma source(%dma_start3A_243 : memref<40000x128xf32, #tpu.memory_space<hbm>>) target(%arg13 : memref<64x128xf32, #tpu.memory_space<vmem>>) offsets(%arg11 : memref<64xi32, #tpu.memory_space<vmem>>) semaphore(%arg18 : memref<!tpu.dma_semaphore, #tpu.memory_space<semaphore_mem>>)
        %dma_start3A_244 = arith.constant 0 : i32
        %dma_start3A_245 = arith.constant 0 : i32
        %dma_start3A_246 = tpu.memref_slice %arg3[%dma_start3A_244, %dma_start3A_245] : memref<40000x128xf32, #tpu.memory_space<hbm>> -> memref<40000x128xf32, #tpu.memory_space<hbm>>
        tpu.enqueue_indirect_dma source(%dma_start3A_246 : memref<40000x128xf32, #tpu.memory_space<hbm>>) target(%arg14 : memref<64x128xf32, #tpu.memory_space<vmem>>) offsets(%arg12 : memref<64xi32, #tpu.memory_space<vmem>>) semaphore(%arg19 : memref<!tpu.dma_semaphore, #tpu.memory_space<semaphore_mem>>)
        %dma_start3A_247 = arith.constant 0 : i32
        %dma_start3A_248 = arith.constant 0 : i32
        %dma_start3A_249 = tpu.memref_slice %arg4[%dma_start3A_247, %dma_start3A_248] : memref<40000x128xf32, #tpu.memory_space<hbm>> -> memref<40000x128xf32, #tpu.memory_space<hbm>>
        tpu.enqueue_indirect_dma source(%dma_start3A_249 : memref<40000x128xf32, #tpu.memory_space<hbm>>) target(%arg15 : memref<64x128xf32, #tpu.memory_space<vmem>>) offsets(%arg12 : memref<64xi32, #tpu.memory_space<vmem>>) semaphore(%arg20 : memref<!tpu.dma_semaphore, #tpu.memory_space<semaphore_mem>>)
        %dma_wait3A = arith.constant 0 : i32
        %dma_wait3A_250 = arith.constant 0 : i32
        %dma_wait3A_251 = tpu.memref_slice %arg2[%dma_wait3A, %dma_wait3A_250] : memref<40000x128xf32, #tpu.memory_space<hbm>> -> memref<40000x128xf32, #tpu.memory_space<hbm>>
        tpu.wait_indirect_dma semaphore(%arg18 : memref<!tpu.dma_semaphore, #tpu.memory_space<semaphore_mem>>) src(%dma_wait3A_251 : memref<40000x128xf32, #tpu.memory_space<hbm>>) dst(%arg13 : memref<64x128xf32, #tpu.memory_space<vmem>>)
        %dma_wait3A_252 = arith.constant 0 : i32
        %dma_wait3A_253 = arith.constant 0 : i32
        %dma_wait3A_254 = tpu.memref_slice %arg3[%dma_wait3A_252, %dma_wait3A_253] : memref<40000x128xf32, #tpu.memory_space<hbm>> -> memref<40000x128xf32, #tpu.memory_space<hbm>>
        tpu.wait_indirect_dma semaphore(%arg19 : memref<!tpu.dma_semaphore, #tpu.memory_space<semaphore_mem>>) src(%dma_wait3A_254 : memref<40000x128xf32, #tpu.memory_space<hbm>>) dst(%arg14 : memref<64x128xf32, #tpu.memory_space<vmem>>)
        %dma_wait3A_255 = arith.constant 0 : i32
        %dma_wait3A_256 = arith.constant 0 : i32
        %dma_wait3A_257 = tpu.memref_slice %arg4[%dma_wait3A_255, %dma_wait3A_256] : memref<40000x128xf32, #tpu.memory_space<hbm>> -> memref<40000x128xf32, #tpu.memory_space<hbm>>
        tpu.wait_indirect_dma semaphore(%arg20 : memref<!tpu.dma_semaphore, #tpu.memory_space<semaphore_mem>>) src(%dma_wait3A_257 : memref<40000x128xf32, #tpu.memory_space<hbm>>) dst(%arg15 : memref<64x128xf32, #tpu.memory_space<vmem>>)
        %scan3A_258 = arith.constant 0 : i32
        %mul3A_259 = arith.constant 1 : i32
        %mul3A_260 = arith.muli %scan3A_258, %mul3A_259 : i32
        %add3A_261 = arith.constant 0 : i32
        %add3A_262 = arith.addi %add3A_261, %mul3A_260 : i32
        %get3A_263 = arith.index_cast %add3A_262 : i32 to index
        %get3A_264 = arith.constant 0 : index
        %get3A_265 = tpu.vector_load %arg13[%get3A_263, %get3A_264] {strides = array<i32>} : memref<64x128xf32, #tpu.memory_space<vmem>>, vector<16xf32>,
        %get3A_266 = arith.index_cast %add3A_262 : i32 to index
        %get3A_267 = arith.constant 0 : index
        %get3A_268 = tpu.vector_load %arg14[%get3A_266, %get3A_267] {strides = array<i32>} : memref<64x128xf32, #tpu.memory_space<vmem>>, vector<16xf32>,
        %mul3A_269 = arith.mulf %get3A_265, %get3A_268 : vector<16xf32>
        %get3A_270 = arith.index_cast %add3A_262 : i32 to index
        %get3A_271 = arith.constant 16 : index
        %get3A_272 = tpu.vector_load %arg13[%get3A_270, %get3A_271] {strides = array<i32>} : memref<64x128xf32, #tpu.memory_space<vmem>>, vector<16xf32>,
        %get3A_273 = arith.index_cast %add3A_262 : i32 to index
        %get3A_274 = arith.constant 16 : index
        %get3A_275 = tpu.vector_load %arg14[%get3A_273, %get3A_274] {strides = array<i32>} : memref<64x128xf32, #tpu.memory_space<vmem>>, vector<16xf32>,
        %mul3A_276 = arith.mulf %get3A_272, %get3A_275 : vector<16xf32>
        %get3A_277 = arith.index_cast %add3A_262 : i32 to index
        %get3A_278 = arith.constant 32 : index
        %get3A_279 = tpu.vector_load %arg13[%get3A_277, %get3A_278] {strides = array<i32>} : memref<64x128xf32, #tpu.memory_space<vmem>>, vector<16xf32>,
        %get3A_280 = arith.index_cast %add3A_262 : i32 to index
        %get3A_281 = arith.constant 32 : index
        %get3A_282 = tpu.vector_load %arg14[%get3A_280, %get3A_281] {strides = array<i32>} : memref<64x128xf32, #tpu.memory_space<vmem>>, vector<16xf32>,
        %mul3A_283 = arith.mulf %get3A_279, %get3A_282 : vector<16xf32>
        %get3A_284 = arith.index_cast %add3A_262 : i32 to index
        %get3A_285 = arith.constant 48 : index
        %get3A_286 = tpu.vector_load %arg13[%get3A_284, %get3A_285] {strides = array<i32>} : memref<64x128xf32, #tpu.memory_space<vmem>>, vector<16xf32>,
        %get3A_287 = arith.index_cast %add3A_262 : i32 to index
        %get3A_288 = arith.constant 48 : index
        %get3A_289 = tpu.vector_load %arg14[%get3A_287, %get3A_288] {strides = array<i32>} : memref<64x128xf32, #tpu.memory_space<vmem>>, vector<16xf32>,
        %mul3A_290 = arith.mulf %get3A_286, %get3A_289 : vector<16xf32>
        %get3A_291 = arith.index_cast %add3A_262 : i32 to index
        %get3A_292 = arith.constant 64 : index
        %get3A_293 = tpu.vector_load %arg13[%get3A_291, %get3A_292] {strides = array<i32>} : memref<64x128xf32, #tpu.memory_space<vmem>>, vector<16xf32>,
        %get3A_294 = arith.index_cast %add3A_262 : i32 to index
        %get3A_295 = arith.constant 64 : index
        %get3A_296 = tpu.vector_load %arg14[%get3A_294, %get3A_295] {strides = array<i32>} : memref<64x128xf32, #tpu.memory_space<vmem>>, vector<16xf32>,
        %mul3A_297 = arith.mulf %get3A_293, %get3A_296 : vector<16xf32>
        %get3A_298 = arith.index_cast %add3A_262 : i32 to index
        %get3A_299 = arith.constant 80 : index
        %get3A_300 = tpu.vector_load %arg13[%get3A_298, %get3A_299] {strides = array<i32>} : memref<64x128xf32, #tpu.memory_space<vmem>>, vector<16xf32>,
        %get3A_301 = arith.index_cast %add3A_262 : i32 to index
        %get3A_302 = arith.constant 80 : index
        %get3A_303 = tpu.vector_load %arg14[%get3A_301, %get3A_302] {strides = array<i32>} : memref<64x128xf32, #tpu.memory_space<vmem>>, vector<16xf32>,
        %mul3A_304 = arith.mulf %get3A_300, %get3A_303 : vector<16xf32>
        %get3A_305 = arith.index_cast %add3A_262 : i32 to index
        %get3A_306 = arith.constant 96 : index
        %get3A_307 = tpu.vector_load %arg13[%get3A_305, %get3A_306] {strides = array<i32>} : memref<64x128xf32, #tpu.memory_space<vmem>>, vector<16xf32>,
        %get3A_308 = arith.index_cast %add3A_262 : i32 to index
        %get3A_309 = arith.constant 96 : index
        %get3A_310 = tpu.vector_load %arg14[%get3A_308, %get3A_309] {strides = array<i32>} : memref<64x128xf32, #tpu.memory_space<vmem>>, vector<16xf32>,
        %mul3A_311 = arith.mulf %get3A_307, %get3A_310 : vector<16xf32>
        %get3A_312 = arith.index_cast %add3A_262 : i32 to index
        %get3A_313 = arith.constant 112 : index
        %get3A_314 = tpu.vector_load %arg13[%get3A_312, %get3A_313] {strides = array<i32>} : memref<64x128xf32, #tpu.memory_space<vmem>>, vector<16xf32>,
        %get3A_315 = arith.index_cast %add3A_262 : i32 to index
        %get3A_316 = arith.constant 112 : index
        %get3A_317 = tpu.vector_load %arg14[%get3A_315, %get3A_316] {strides = array<i32>} : memref<64x128xf32, #tpu.memory_space<vmem>>, vector<16xf32>,
        %mul3A_318 = arith.mulf %get3A_314, %get3A_317 : vector<16xf32>
        %add3A_319 = arith.addf %mul3A_269, %mul3A_276 : vector<16xf32>
        %add3A_320 = arith.addf %mul3A_283, %mul3A_290 : vector<16xf32>
        %add3A_321 = arith.addf %add3A_319, %add3A_320 : vector<16xf32>
        %reduce_sum3A = arith.constant true
        %reduce_sum3A_322 = vector.broadcast %reduce_sum3A : i1 to vector<16xi1>
        %reduce_sum3A_323 = tpu.scan <sum>, %add3A_321 masked %reduce_sum3A_322 : vector<16xf32>, vector<16xi1> -> vector<16xf32>
        %reduce_sum3A_324 = vector.extract %reduce_sum3A_323[15] : f32 from vector<16xf32>
        %mul3A_325 = arith.constant 1.250000e-01 : f32
        %mul3A_326 = arith.mulf %reduce_sum3A_324, %mul3A_325 : f32
        %add3A_327 = arith.addf %mul3A_297, %mul3A_304 : vector<16xf32>
        %add3A_328 = arith.addf %mul3A_311, %mul3A_318 : vector<16xf32>
        %add3A_329 = arith.addf %add3A_327, %add3A_328 : vector<16xf32>
        %reduce_sum3A_330 = arith.constant true
        %reduce_sum3A_331 = vector.broadcast %reduce_sum3A_330 : i1 to vector<16xi1>
        %reduce_sum3A_332 = tpu.scan <sum>, %add3A_329 masked %reduce_sum3A_331 : vector<16xf32>, vector<16xi1> -> vector<16xf32>
        %reduce_sum3A_333 = vector.extract %reduce_sum3A_332[15] : f32 from vector<16xf32>
        %mul3A_334 = arith.constant 1.250000e-01 : f32
        %mul3A_335 = arith.mulf %reduce_sum3A_333, %mul3A_334 : f32
        %broadcast_in_dim3A = vector.broadcast %mul3A_326 : f32 to vector<16xf32>
        %exp3A = math.exp %broadcast_in_dim3A : vector<16xf32>
        %broadcast_in_dim3A_336 = vector.broadcast %mul3A_335 : f32 to vector<16xf32>
        %exp3A_337 = math.exp %broadcast_in_dim3A_336 : vector<16xf32>
        %get3A_338 = arith.index_cast %add3A_262 : i32 to index
        %get3A_339 = arith.constant 0 : index
        %get3A_340 = tpu.vector_load %arg15[%get3A_338, %get3A_339] {strides = array<i32>} : memref<64x128xf32, #tpu.memory_space<vmem>>, vector<16xf32>,
        %mul3A_341 = arith.mulf %get3A_340, %exp3A : vector<16xf32>
        %swap3A_342 = arith.index_cast %add3A_262 : i32 to index
        %swap3A_343 = arith.constant 0 : index
        %swap3A_344 = tpu.vector_load %arg16[%swap3A_342, %swap3A_343] {strides = array<i32>} : memref<64x144xf32, #tpu.memory_space<vmem>>, vector<16xf32>,
        tpu.vector_store %arg16[%swap3A_342, %swap3A_343], %mul3A_341 {strides = array<i32>} : memref<64x144xf32, #tpu.memory_space<vmem>>, vector<16xf32>,
        %get3A_345 = arith.index_cast %add3A_262 : i32 to index
        %get3A_346 = arith.constant 16 : index
        %get3A_347 = tpu.vector_load %arg15[%get3A_345, %get3A_346] {strides = array<i32>} : memref<64x128xf32, #tpu.memory_space<vmem>>, vector<16xf32>,
        %mul3A_348 = arith.mulf %get3A_347, %exp3A : vector<16xf32>
        %swap3A_349 = arith.index_cast %add3A_262 : i32 to index
        %swap3A_350 = arith.constant 16 : index
        %swap3A_351 = tpu.vector_load %arg16[%swap3A_349, %swap3A_350] {strides = array<i32>} : memref<64x144xf32, #tpu.memory_space<vmem>>, vector<16xf32>,
        tpu.vector_store %arg16[%swap3A_349, %swap3A_350], %mul3A_348 {strides = array<i32>} : memref<64x144xf32, #tpu.memory_space<vmem>>, vector<16xf32>,
        %get3A_352 = arith.index_cast %add3A_262 : i32 to index
        %get3A_353 = arith.constant 32 : index
        %get3A_354 = tpu.vector_load %arg15[%get3A_352, %get3A_353] {strides = array<i32>} : memref<64x128xf32, #tpu.memory_space<vmem>>, vector<16xf32>,
        %mul3A_355 = arith.mulf %get3A_354, %exp3A : vector<16xf32>
        %swap3A_356 = arith.index_cast %add3A_262 : i32 to index
        %swap3A_357 = arith.constant 32 : index
        %swap3A_358 = tpu.vector_load %arg16[%swap3A_356, %swap3A_357] {strides = array<i32>} : memref<64x144xf32, #tpu.memory_space<vmem>>, vector<16xf32>,
        tpu.vector_store %arg16[%swap3A_356, %swap3A_357], %mul3A_355 {strides = array<i32>} : memref<64x144xf32, #tpu.memory_space<vmem>>, vector<16xf32>,
        %get3A_359 = arith.index_cast %add3A_262 : i32 to index
        %get3A_360 = arith.constant 48 : index
        %get3A_361 = tpu.vector_load %arg15[%get3A_359, %get3A_360] {strides = array<i32>} : memref<64x128xf32, #tpu.memory_space<vmem>>, vector<16xf32>,
        %mul3A_362 = arith.mulf %get3A_361, %exp3A : vector<16xf32>
        %swap3A_363 = arith.index_cast %add3A_262 : i32 to index
        %swap3A_364 = arith.constant 48 : index
        %swap3A_365 = tpu.vector_load %arg16[%swap3A_363, %swap3A_364] {strides = array<i32>} : memref<64x144xf32, #tpu.memory_space<vmem>>, vector<16xf32>,
        tpu.vector_store %arg16[%swap3A_363, %swap3A_364], %mul3A_362 {strides = array<i32>} : memref<64x144xf32, #tpu.memory_space<vmem>>, vector<16xf32>,
        %get3A_366 = arith.index_cast %add3A_262 : i32 to index
        %get3A_367 = arith.constant 64 : index
        %get3A_368 = tpu.vector_load %arg15[%get3A_366, %get3A_367] {strides = array<i32>} : memref<64x128xf32, #tpu.memory_space<vmem>>, vector<16xf32>,
        %mul3A_369 = arith.mulf %get3A_368, %exp3A_337 : vector<16xf32>
        %swap3A_370 = arith.index_cast %add3A_262 : i32 to index
        %swap3A_371 = arith.constant 64 : index
        %swap3A_372 = tpu.vector_load %arg16[%swap3A_370, %swap3A_371] {strides = array<i32>} : memref<64x144xf32, #tpu.memory_space<vmem>>, vector<16xf32>,
        tpu.vector_store %arg16[%swap3A_370, %swap3A_371], %mul3A_369 {strides = array<i32>} : memref<64x144xf32, #tpu.memory_space<vmem>>, vector<16xf32>,
        %get3A_373 = arith.index_cast %add3A_262 : i32 to index
        %get3A_374 = arith.constant 80 : index
        %get3A_375 = tpu.vector_load %arg15[%get3A_373, %get3A_374] {strides = array<i32>} : memref<64x128xf32, #tpu.memory_space<vmem>>, vector<16xf32>,
        %mul3A_376 = arith.mulf %get3A_375, %exp3A_337 : vector<16xf32>
        %swap3A_377 = arith.index_cast %add3A_262 : i32 to index
        %swap3A_378 = arith.constant 80 : index
        %swap3A_379 = tpu.vector_load %arg16[%swap3A_377, %swap3A_378] {strides = array<i32>} : memref<64x144xf32, #tpu.memory_space<vmem>>, vector<16xf32>,
        tpu.vector_store %arg16[%swap3A_377, %swap3A_378], %mul3A_376 {strides = array<i32>} : memref<64x144xf32, #tpu.memory_space<vmem>>, vector<16xf32>,
        %get3A_380 = arith.index_cast %add3A_262 : i32 to index
        %get3A_381 = arith.constant 96 : index
        %get3A_382 = tpu.vector_load %arg15[%get3A_380, %get3A_381] {strides = array<i32>} : memref<64x128xf32, #tpu.memory_space<vmem>>, vector<16xf32>,
        %mul3A_383 = arith.mulf %get3A_382, %exp3A_337 : vector<16xf32>
        %swap3A_384 = arith.index_cast %add3A_262 : i32 to index
        %swap3A_385 = arith.constant 96 : index
        %swap3A_386 = tpu.vector_load %arg16[%swap3A_384, %swap3A_385] {strides = array<i32>} : memref<64x144xf32, #tpu.memory_space<vmem>>, vector<16xf32>,
        tpu.vector_store %arg16[%swap3A_384, %swap3A_385], %mul3A_383 {strides = array<i32>} : memref<64x144xf32, #tpu.memory_space<vmem>>, vector<16xf32>,
        %get3A_387 = arith.index_cast %add3A_262 : i32 to index
        %get3A_388 = arith.constant 112 : index
        %get3A_389 = tpu.vector_load %arg15[%get3A_387, %get3A_388] {strides = array<i32>} : memref<64x128xf32, #tpu.memory_space<vmem>>, vector<16xf32>,
        %mul3A_390 = arith.mulf %get3A_389, %exp3A_337 : vector<16xf32>
        %swap3A_391 = arith.index_cast %add3A_262 : i32 to index
        %swap3A_392 = arith.constant 112 : index
        %swap3A_393 = tpu.vector_load %arg16[%swap3A_391, %swap3A_392] {strides = array<i32>} : memref<64x144xf32, #tpu.memory_space<vmem>>, vector<16xf32>,
        tpu.vector_store %arg16[%swap3A_391, %swap3A_392], %mul3A_390 {strides = array<i32>} : memref<64x144xf32, #tpu.memory_space<vmem>>, vector<16xf32>,
        %lt3A_394 = arith.constant 8 : i32
        %lt3A_395 = vector.broadcast %lt3A_394 : i32 to vector<16xi32>
        %lt3A_396 = arith.cmpi slt, %iota3A, %lt3A_395 : vector<16xi32>
        %select_n3A = arith.select %lt3A_396, %exp3A, %exp3A_337 : vector<16xi1>, vector<16xf32>
        %swap3A_397 = arith.index_cast %add3A_262 : i32 to index
        %swap3A_398 = arith.constant 128 : index
        %swap3A_399 = tpu.vector_load %arg16[%swap3A_397, %swap3A_398] {strides = array<i32>} : memref<64x144xf32, #tpu.memory_space<vmem>>, vector<16xf32>,
        tpu.vector_store %arg16[%swap3A_397, %swap3A_398], %select_n3A {strides = array<i32>} : memref<64x144xf32, #tpu.memory_space<vmem>>, vector<16xf32>,
        %scan3A_400 = arith.constant 1 : i32
      } else {
      }
    }
    %scan3A_134 = arith.constant 79 : i32
    %barrier3A_135 = arith.constant 0 : index
    tpu.barrier barrier_id(%barrier3A_135)
    %lt3A_136 = arith.constant 15 : i32
    %lt3A_137 = arith.cmpi slt, %arg1, %lt3A_136 : i32
    %convert_element_type3A_138 = arith.extui %lt3A_137 : i1 to i32
    %cond3A_139 = arith.constant 0 : i32
    %cond3A_140 = arith.cmpi ne, %convert_element_type3A_138, %cond3A_139 : i32
    scf.if %cond3A_140 {
      %mul3A_147 = arith.constant 640 : i32
      %mul3A_148 = arith.muli %arg1, %mul3A_147 : i32
      %mul3A_149 = arith.constant 640 : i32
      %mul3A_150 = arith.muli %arg1, %mul3A_149 : i32
      %run_scoped3A = arith.constant 3 : i32
      "tpu.region"() ({
        %run_scoped3A_151 = tpu.sem_alloc : memref<!tpu.dma_semaphore, #tpu.memory_space<semaphore_mem>>
        %dma_start3A = arith.constant 0 : i32
        %dma_start3A_152 = tpu.memref_slice %arg8[%arg0, %run_scoped3A, %mul3A_150, %dma_start3A] : memref<2x4x10000x144xf32, #tpu.memory_space<hbm>> -> memref<1x1x640x144xf32, #tpu.memory_space<hbm>>
        %dma_start3A_153 = tpu.memref_squeeze %dma_start3A_152 : memref<1x1x640x144xf32, #tpu.memory_space<hbm>> -> memref<640x144xf32, #tpu.memory_space<hbm>>
        %dma_start3A_154 = arith.constant 0 : i32
        %dma_start3A_155 = tpu.memref_slice %arg17[%mul3A_148, %dma_start3A_154] : memref<10240x144xf32, #tpu.memory_space<vmem_shared>> -> memref<640x144xf32, #tpu.memory_space<vmem_shared>>
        tpu.enqueue_dma source(%dma_start3A_155 : memref<640x144xf32, #tpu.memory_space<vmem_shared>>) target(%dma_start3A_153 : memref<640x144xf32, #tpu.memory_space<hbm>>) target_semaphore(%run_scoped3A_151 : memref<!tpu.dma_semaphore, #tpu.memory_space<semaphore_mem>>)
        %dma_wait3A = arith.constant 0 : i32
        %dma_wait3A_156 = tpu.memref_slice %arg8[%arg0, %run_scoped3A, %mul3A_150, %dma_wait3A] : memref<2x4x10000x144xf32, #tpu.memory_space<hbm>> -> memref<1x1x640x144xf32, #tpu.memory_space<hbm>>
        %dma_wait3A_157 = tpu.memref_squeeze %dma_wait3A_156 : memref<1x1x640x144xf32, #tpu.memory_space<hbm>> -> memref<640x144xf32, #tpu.memory_space<hbm>>
        %dma_wait3A_158 = arith.constant 0 : i32
        %dma_wait3A_159 = tpu.memref_slice %arg17[%mul3A_148, %dma_wait3A_158] : memref<10240x144xf32, #tpu.memory_space<vmem_shared>> -> memref<640x144xf32, #tpu.memory_space<vmem_shared>>
        tpu.wait_dma2 semaphore(%run_scoped3A_151 : memref<!tpu.dma_semaphore, #tpu.memory_space<semaphore_mem>>) src(%dma_wait3A_159 : memref<640x144xf32, #tpu.memory_space<vmem_shared>>) dst(%dma_wait3A_157 : memref<640x144xf32, #tpu.memory_space<hbm>>)
        tpu.yield
      }) : () -> ()
    } else {
    }
    %eq3A_141 = arith.constant 15 : i32
    %eq3A_142 = arith.cmpi eq, %arg1, %eq3A_141 : i32
    %convert_element_type3A_143 = arith.extui %eq3A_142 : i1 to i32
    %cond3A_144 = arith.constant 0 : i32
    %cond3A_145 = arith.cmpi ne, %convert_element_type3A_143, %cond3A_144 : i32
    scf.if %cond3A_145 {
      %run_scoped3A = arith.constant 3 : i32
      "tpu.region"() ({
        %run_scoped3A_147 = tpu.sem_alloc : memref<!tpu.dma_semaphore, #tpu.memory_space<semaphore_mem>>
        %dma_start3A = arith.constant 9600 : i32
        %dma_start3A_148 = arith.constant 0 : i32
        %dma_start3A_149 = tpu.memref_slice %arg8[%arg0, %run_scoped3A, %dma_start3A, %dma_start3A_148] : memref<2x4x10000x144xf32, #tpu.memory_space<hbm>> -> memref<1x1x400x144xf32, #tpu.memory_space<hbm>>
        %dma_start3A_150 = tpu.memref_squeeze %dma_start3A_149 : memref<1x1x400x144xf32, #tpu.memory_space<hbm>> -> memref<400x144xf32, #tpu.memory_space<hbm>>
        %dma_start3A_151 = arith.constant 9600 : i32
        %dma_start3A_152 = arith.constant 0 : i32
        %dma_start3A_153 = tpu.memref_slice %arg17[%dma_start3A_151, %dma_start3A_152] : memref<10240x144xf32, #tpu.memory_space<vmem_shared>> -> memref<400x144xf32, #tpu.memory_space<vmem_shared>>
        tpu.enqueue_dma source(%dma_start3A_153 : memref<400x144xf32, #tpu.memory_space<vmem_shared>>) target(%dma_start3A_150 : memref<400x144xf32, #tpu.memory_space<hbm>>) target_semaphore(%run_scoped3A_147 : memref<!tpu.dma_semaphore, #tpu.memory_space<semaphore_mem>>)
        %dma_wait3A = arith.constant 9600 : i32
        %dma_wait3A_154 = arith.constant 0 : i32
        %dma_wait3A_155 = tpu.memref_slice %arg8[%arg0, %run_scoped3A, %dma_wait3A, %dma_wait3A_154] : memref<2x4x10000x144xf32, #tpu.memory_space<hbm>> -> memref<1x1x400x144xf32, #tpu.memory_space<hbm>>
        %dma_wait3A_156 = tpu.memref_squeeze %dma_wait3A_155 : memref<1x1x400x144xf32, #tpu.memory_space<hbm>> -> memref<400x144xf32, #tpu.memory_space<hbm>>
        %dma_wait3A_157 = arith.constant 9600 : i32
        %dma_wait3A_158 = arith.constant 0 : i32
        %dma_wait3A_159 = tpu.memref_slice %arg17[%dma_wait3A_157, %dma_wait3A_158] : memref<10240x144xf32, #tpu.memory_space<vmem_shared>> -> memref<400x144xf32, #tpu.memory_space<vmem_shared>>
        tpu.wait_dma2 semaphore(%run_scoped3A_147 : memref<!tpu.dma_semaphore, #tpu.memory_space<semaphore_mem>>) src(%dma_wait3A_159 : memref<400x144xf32, #tpu.memory_space<vmem_shared>>) dst(%dma_wait3A_156 : memref<400x144xf32, #tpu.memory_space<hbm>>)
        tpu.yield
      }) : () -> ()
    } else {
    }
    %barrier3A_146 = arith.constant 0 : index
    tpu.barrier barrier_id(%barrier3A_146)
    return
  }
}

module attributes {stable_mosaic.version = 14 : i64} {
  func.func @_qkv_kernel(%arg0: i32, %arg1: memref<1000x256xf32, #tpu.memory_space<vmem>>, %arg2: memref<256x512xf32, #tpu.memory_space<vmem>>, %arg3: memref<256x512xf32, #tpu.memory_space<vmem>>, %arg4: memref<256x512xf32, #tpu.memory_space<vmem>>, %arg5: memref<1000x512xf32, #tpu.memory_space<vmem>>, %arg6: memref<1000x512xf32, #tpu.memory_space<vmem>>, %arg7: memref<1000x512xf32, #tpu.memory_space<vmem>>) attributes {dimension_semantics = [#tpu.dimension_semantics<arbitrary>], iteration_bounds = array<i64: 10>, scalar_prefetch = 0 : i64, scratch_operands = 0 : i64, tpu.core_type = #tpu.core_type<tc>, window_params = [{transform_indices = @transform_0, window_bounds = array<i64: 1000, 256>}, {pipeline_mode = #tpu.pipeline_mode<synchronous>, transform_indices = @transform_1, window_bounds = array<i64: 256, 512>}, {pipeline_mode = #tpu.pipeline_mode<synchronous>, transform_indices = @transform_2, window_bounds = array<i64: 256, 512>}, {pipeline_mode = #tpu.pipeline_mode<synchronous>, transform_indices = @transform_3, window_bounds = array<i64: 256, 512>}, {transform_indices = @transform_4, window_bounds = array<i64: 1000, 512>}, {transform_indices = @transform_5, window_bounds = array<i64: 1000, 512>}, {transform_indices = @transform_6, window_bounds = array<i64: 1000, 512>}]} {
    %get3A = arith.constant 0 : index
    %get3A_0 = arith.constant 0 : index
    %get3A_1 = vector.load %arg1[%get3A, %get3A_0] : memref<1000x256xf32, #tpu.memory_space<vmem>>, vector<1000x256xf32>
    %get3A_2 = arith.constant 0 : index
    %get3A_3 = arith.constant 0 : index
    %get3A_4 = vector.load %arg2[%get3A_2, %get3A_3] : memref<256x512xf32, #tpu.memory_space<vmem>>, vector<256x512xf32>
    %dot_general3A = arith.constant dense<0.000000e+00> : vector<1000x512xf32>
    %dot_general3A_5 = tpu.matmul %get3A_1, %get3A_4, %dot_general3A {dimension_numbers = #tpu.dot_dimension_numbers<[1], [0], [0], [1], [0, 0, 1, 1], [], []>, precision = #tpu.contract_precision<fp32>, transpose_lhs_hint = false} : vector<1000x256xf32>, vector<256x512xf32>, vector<1000x512xf32> -> vector<1000x512xf32>
    %swap3A = arith.constant 0 : index
    %swap3A_6 = arith.constant 0 : index
    %swap3A_7 = vector.load %arg5[%swap3A, %swap3A_6] : memref<1000x512xf32, #tpu.memory_space<vmem>>, vector<1000x512xf32>
    tpu.vector_store %arg5[%swap3A, %swap3A_6], %dot_general3A_5 {strides = array<i32>} : memref<1000x512xf32, #tpu.memory_space<vmem>>, vector<1000x512xf32>,
    %get3A_8 = arith.constant 0 : index
    %get3A_9 = arith.constant 0 : index
    %get3A_10 = vector.load %arg3[%get3A_8, %get3A_9] : memref<256x512xf32, #tpu.memory_space<vmem>>, vector<256x512xf32>
    %dot_general3A_11 = arith.constant dense<0.000000e+00> : vector<1000x512xf32>
    %dot_general3A_12 = tpu.matmul %get3A_1, %get3A_10, %dot_general3A_11 {dimension_numbers = #tpu.dot_dimension_numbers<[1], [0], [0], [1], [0, 0, 1, 1], [], []>, precision = #tpu.contract_precision<fp32>, transpose_lhs_hint = false} : vector<1000x256xf32>, vector<256x512xf32>, vector<1000x512xf32> -> vector<1000x512xf32>
    %swap3A_13 = arith.constant 0 : index
    %swap3A_14 = arith.constant 0 : index
    %swap3A_15 = vector.load %arg6[%swap3A_13, %swap3A_14] : memref<1000x512xf32, #tpu.memory_space<vmem>>, vector<1000x512xf32>
    tpu.vector_store %arg6[%swap3A_13, %swap3A_14], %dot_general3A_12 {strides = array<i32>} : memref<1000x512xf32, #tpu.memory_space<vmem>>, vector<1000x512xf32>,
    %get3A_16 = arith.constant 0 : index
    %get3A_17 = arith.constant 0 : index
    %get3A_18 = vector.load %arg4[%get3A_16, %get3A_17] : memref<256x512xf32, #tpu.memory_space<vmem>>, vector<256x512xf32>
    %dot_general3A_19 = arith.constant dense<0.000000e+00> : vector<1000x512xf32>
    %dot_general3A_20 = tpu.matmul %get3A_1, %get3A_18, %dot_general3A_19 {dimension_numbers = #tpu.dot_dimension_numbers<[1], [0], [0], [1], [0, 0, 1, 1], [], []>, precision = #tpu.contract_precision<fp32>, transpose_lhs_hint = false} : vector<1000x256xf32>, vector<256x512xf32>, vector<1000x512xf32> -> vector<1000x512xf32>
    %swap3A_21 = arith.constant 0 : index
    %swap3A_22 = arith.constant 0 : index
    %swap3A_23 = vector.load %arg7[%swap3A_21, %swap3A_22] : memref<1000x512xf32, #tpu.memory_space<vmem>>, vector<1000x512xf32>
    tpu.vector_store %arg7[%swap3A_21, %swap3A_22], %dot_general3A_20 {strides = array<i32>} : memref<1000x512xf32, #tpu.memory_space<vmem>>, vector<1000x512xf32>,
    return
  }
  func.func @transform_0(%arg0: i32) -> (i32, i32) {
    %c0_i32 = arith.constant 0 : i32
    %c0_i32_0 = arith.constant 0 : i32
    return %arg0, %c0_i32 : i32, i32
  }
  func.func @transform_1(%arg0: i32) -> (i32, i32) {
    %c0_i32 = arith.constant 0 : i32
    %c0_i32_0 = arith.constant 0 : i32
    %c0_i32_1 = arith.constant 0 : i32
    return %c0_i32, %c0_i32_0 : i32, i32
  }
  func.func @transform_2(%arg0: i32) -> (i32, i32) {
    %c0_i32 = arith.constant 0 : i32
    %c0_i32_0 = arith.constant 0 : i32
    %c0_i32_1 = arith.constant 0 : i32
    return %c0_i32, %c0_i32_0 : i32, i32
  }
  func.func @transform_3(%arg0: i32) -> (i32, i32) {
    %c0_i32 = arith.constant 0 : i32
    %c0_i32_0 = arith.constant 0 : i32
    %c0_i32_1 = arith.constant 0 : i32
    return %c0_i32, %c0_i32_0 : i32, i32
  }
  func.func @transform_4(%arg0: i32) -> (i32, i32) {
    %c0_i32 = arith.constant 0 : i32
    %c0_i32_0 = arith.constant 0 : i32
    return %arg0, %c0_i32 : i32, i32
  }
  func.func @transform_5(%arg0: i32) -> (i32, i32) {
    %c0_i32 = arith.constant 0 : i32
    %c0_i32_0 = arith.constant 0 : i32
    return %arg0, %c0_i32 : i32, i32
  }
  func.func @transform_6(%arg0: i32) -> (i32, i32) {
    %c0_i32 = arith.constant 0 : i32
    %c0_i32_0 = arith.constant 0 : i32
    return %arg0, %c0_i32 : i32, i32
  }
}

module attributes {stable_mosaic.version = 14 : i64} {
  func.func @_out_ln_kernel(%arg0: i32, %arg1: memref<2x4x1000x144xf32, #tpu.memory_space<vmem>>, %arg2: memref<1000x256xf32, #tpu.memory_space<vmem>>, %arg3: memref<512x256xf32, #tpu.memory_space<vmem>>, %arg4: memref<1x256xf32, #tpu.memory_space<vmem>>, %arg5: memref<1x256xf32, #tpu.memory_space<vmem>>, %arg6: memref<1000x256xf32, #tpu.memory_space<vmem>>) attributes {dimension_semantics = [#tpu.dimension_semantics<arbitrary>], iteration_bounds = array<i64: 10>, scalar_prefetch = 0 : i64, scratch_operands = 0 : i64, tpu.core_type = #tpu.core_type<tc>, window_params = [{transform_indices = @transform_0, window_bounds = array<i64: 2, 4, 1000, 144>}, {transform_indices = @transform_1, window_bounds = array<i64: 1000, 256>}, {pipeline_mode = #tpu.pipeline_mode<synchronous>, transform_indices = @transform_2, window_bounds = array<i64: 512, 256>}, {pipeline_mode = #tpu.pipeline_mode<synchronous>, transform_indices = @transform_3, window_bounds = array<i64: 1, 256>}, {pipeline_mode = #tpu.pipeline_mode<synchronous>, transform_indices = @transform_4, window_bounds = array<i64: 1, 256>}, {transform_indices = @transform_5, window_bounds = array<i64: 1000, 256>}]} {
    %get3A = arith.constant 0 : index
    %get3A_0 = arith.constant 0 : index
    %get3A_1 = arith.constant 0 : index
    %get3A_2 = arith.constant 0 : index
    %get3A_3 = vector.load %arg1[%get3A, %get3A_0, %get3A_1, %get3A_2] : memref<2x4x1000x144xf32, #tpu.memory_space<vmem>>, vector<2x4x1000x144xf32>
    %slice3A = vector.extract_strided_slice %get3A_3 {offsets = [0, 0, 0, 0], sizes = [1, 4, 1000, 144], strides = [1, 1, 1, 1]} : vector<2x4x1000x144xf32> to vector<1x4x1000x144xf32>
    %squeeze3A = vector.shape_cast %slice3A : vector<1x4x1000x144xf32> to vector<4x1000x144xf32>
    %slice3A_4 = vector.extract_strided_slice %get3A_3 {offsets = [1, 0, 0, 0], sizes = [1, 4, 1000, 144], strides = [1, 1, 1, 1]} : vector<2x4x1000x144xf32> to vector<1x4x1000x144xf32>
    %squeeze3A_5 = vector.shape_cast %slice3A_4 : vector<1x4x1000x144xf32> to vector<4x1000x144xf32>
    %add3A = arith.addf %squeeze3A, %squeeze3A_5 : vector<4x1000x144xf32>
    %slice3A_6 = vector.extract_strided_slice %add3A {offsets = [0, 0, 0], sizes = [1, 1000, 64], strides = [1, 1, 1]} : vector<4x1000x144xf32> to vector<1x1000x64xf32>
    %squeeze3A_7 = vector.shape_cast %slice3A_6 : vector<1x1000x64xf32> to vector<1000x64xf32>
    %slice3A_8 = vector.extract_strided_slice %add3A {offsets = [0, 0, 128], sizes = [1, 1000, 1], strides = [1, 1, 1]} : vector<4x1000x144xf32> to vector<1x1000x1xf32>
    %squeeze3A_9 = vector.shape_cast %slice3A_8 : vector<1x1000x1xf32> to vector<1000x1xf32>
    %gt3A = arith.constant 0.000000e+00 : f32
    %gt3A_10 = vector.broadcast %gt3A : f32 to vector<1000x1xf32>
    %gt3A_11 = arith.cmpf ogt, %squeeze3A_9, %gt3A_10 : vector<1000x1xf32>
    %div3A = vector.broadcast %squeeze3A_9 : vector<1000x1xf32> to vector<1000x64xf32>
    %div3A_12 = arith.divf %squeeze3A_7, %div3A : vector<1000x64xf32>
    %jit3A = arith.constant 0.000000e+00 : f32
    %broadcast_in_dim3A = vector.shape_cast %gt3A_11 : vector<1000x1xi1> to vector<1000x1xi1>
    %broadcast_in_dim3A_13 = vector.broadcast %broadcast_in_dim3A : vector<1000x1xi1> to vector<1000x64xi1>
    %broadcast_in_dim3A_14 = vector.broadcast %jit3A : f32 to vector<1000x64xf32>
    %select_n3A = arith.select %broadcast_in_dim3A_13, %div3A_12, %broadcast_in_dim3A_14 : vector<1000x64xi1>, vector<1000x64xf32>
    %slice3A_15 = vector.extract_strided_slice %add3A {offsets = [0, 0, 64], sizes = [1, 1000, 64], strides = [1, 1, 1]} : vector<4x1000x144xf32> to vector<1x1000x64xf32>
    %squeeze3A_16 = vector.shape_cast %slice3A_15 : vector<1x1000x64xf32> to vector<1000x64xf32>
    %slice3A_17 = vector.extract_strided_slice %add3A {offsets = [0, 0, 136], sizes = [1, 1000, 1], strides = [1, 1, 1]} : vector<4x1000x144xf32> to vector<1x1000x1xf32>
    %squeeze3A_18 = vector.shape_cast %slice3A_17 : vector<1x1000x1xf32> to vector<1000x1xf32>
    %gt3A_19 = arith.constant 0.000000e+00 : f32
    %gt3A_20 = vector.broadcast %gt3A_19 : f32 to vector<1000x1xf32>
    %gt3A_21 = arith.cmpf ogt, %squeeze3A_18, %gt3A_20 : vector<1000x1xf32>
    %div3A_22 = vector.broadcast %squeeze3A_18 : vector<1000x1xf32> to vector<1000x64xf32>
    %div3A_23 = arith.divf %squeeze3A_16, %div3A_22 : vector<1000x64xf32>
    %jit3A_24 = arith.constant 0.000000e+00 : f32
    %broadcast_in_dim3A_25 = vector.shape_cast %gt3A_21 : vector<1000x1xi1> to vector<1000x1xi1>
    %broadcast_in_dim3A_26 = vector.broadcast %broadcast_in_dim3A_25 : vector<1000x1xi1> to vector<1000x64xi1>
    %broadcast_in_dim3A_27 = vector.broadcast %jit3A_24 : f32 to vector<1000x64xf32>
    %select_n3A_28 = arith.select %broadcast_in_dim3A_26, %div3A_23, %broadcast_in_dim3A_27 : vector<1000x64xi1>, vector<1000x64xf32>
    %slice3A_29 = vector.extract_strided_slice %add3A {offsets = [1, 0, 0], sizes = [1, 1000, 64], strides = [1, 1, 1]} : vector<4x1000x144xf32> to vector<1x1000x64xf32>
    %squeeze3A_30 = vector.shape_cast %slice3A_29 : vector<1x1000x64xf32> to vector<1000x64xf32>
    %slice3A_31 = vector.extract_strided_slice %add3A {offsets = [1, 0, 128], sizes = [1, 1000, 1], strides = [1, 1, 1]} : vector<4x1000x144xf32> to vector<1x1000x1xf32>
    %squeeze3A_32 = vector.shape_cast %slice3A_31 : vector<1x1000x1xf32> to vector<1000x1xf32>
    %gt3A_33 = arith.constant 0.000000e+00 : f32
    %gt3A_34 = vector.broadcast %gt3A_33 : f32 to vector<1000x1xf32>
    %gt3A_35 = arith.cmpf ogt, %squeeze3A_32, %gt3A_34 : vector<1000x1xf32>
    %div3A_36 = vector.broadcast %squeeze3A_32 : vector<1000x1xf32> to vector<1000x64xf32>
    %div3A_37 = arith.divf %squeeze3A_30, %div3A_36 : vector<1000x64xf32>
    %jit3A_38 = arith.constant 0.000000e+00 : f32
    %broadcast_in_dim3A_39 = vector.shape_cast %gt3A_35 : vector<1000x1xi1> to vector<1000x1xi1>
    %broadcast_in_dim3A_40 = vector.broadcast %broadcast_in_dim3A_39 : vector<1000x1xi1> to vector<1000x64xi1>
    %broadcast_in_dim3A_41 = vector.broadcast %jit3A_38 : f32 to vector<1000x64xf32>
    %select_n3A_42 = arith.select %broadcast_in_dim3A_40, %div3A_37, %broadcast_in_dim3A_41 : vector<1000x64xi1>, vector<1000x64xf32>
    %slice3A_43 = vector.extract_strided_slice %add3A {offsets = [1, 0, 64], sizes = [1, 1000, 64], strides = [1, 1, 1]} : vector<4x1000x144xf32> to vector<1x1000x64xf32>
    %squeeze3A_44 = vector.shape_cast %slice3A_43 : vector<1x1000x64xf32> to vector<1000x64xf32>
    %slice3A_45 = vector.extract_strided_slice %add3A {offsets = [1, 0, 136], sizes = [1, 1000, 1], strides = [1, 1, 1]} : vector<4x1000x144xf32> to vector<1x1000x1xf32>
    %squeeze3A_46 = vector.shape_cast %slice3A_45 : vector<1x1000x1xf32> to vector<1000x1xf32>
    %gt3A_47 = arith.constant 0.000000e+00 : f32
    %gt3A_48 = vector.broadcast %gt3A_47 : f32 to vector<1000x1xf32>
    %gt3A_49 = arith.cmpf ogt, %squeeze3A_46, %gt3A_48 : vector<1000x1xf32>
    %div3A_50 = vector.broadcast %squeeze3A_46 : vector<1000x1xf32> to vector<1000x64xf32>
    %div3A_51 = arith.divf %squeeze3A_44, %div3A_50 : vector<1000x64xf32>
    %jit3A_52 = arith.constant 0.000000e+00 : f32
    %broadcast_in_dim3A_53 = vector.shape_cast %gt3A_49 : vector<1000x1xi1> to vector<1000x1xi1>
    %broadcast_in_dim3A_54 = vector.broadcast %broadcast_in_dim3A_53 : vector<1000x1xi1> to vector<1000x64xi1>
    %broadcast_in_dim3A_55 = vector.broadcast %jit3A_52 : f32 to vector<1000x64xf32>
    %select_n3A_56 = arith.select %broadcast_in_dim3A_54, %div3A_51, %broadcast_in_dim3A_55 : vector<1000x64xi1>, vector<1000x64xf32>
    %slice3A_57 = vector.extract_strided_slice %add3A {offsets = [2, 0, 0], sizes = [1, 1000, 64], strides = [1, 1, 1]} : vector<4x1000x144xf32> to vector<1x1000x64xf32>
    %squeeze3A_58 = vector.shape_cast %slice3A_57 : vector<1x1000x64xf32> to vector<1000x64xf32>
    %slice3A_59 = vector.extract_strided_slice %add3A {offsets = [2, 0, 128], sizes = [1, 1000, 1], strides = [1, 1, 1]} : vector<4x1000x144xf32> to vector<1x1000x1xf32>
    %squeeze3A_60 = vector.shape_cast %slice3A_59 : vector<1x1000x1xf32> to vector<1000x1xf32>
    %gt3A_61 = arith.constant 0.000000e+00 : f32
    %gt3A_62 = vector.broadcast %gt3A_61 : f32 to vector<1000x1xf32>
    %gt3A_63 = arith.cmpf ogt, %squeeze3A_60, %gt3A_62 : vector<1000x1xf32>
    %div3A_64 = vector.broadcast %squeeze3A_60 : vector<1000x1xf32> to vector<1000x64xf32>
    %div3A_65 = arith.divf %squeeze3A_58, %div3A_64 : vector<1000x64xf32>
    %jit3A_66 = arith.constant 0.000000e+00 : f32
    %broadcast_in_dim3A_67 = vector.shape_cast %gt3A_63 : vector<1000x1xi1> to vector<1000x1xi1>
    %broadcast_in_dim3A_68 = vector.broadcast %broadcast_in_dim3A_67 : vector<1000x1xi1> to vector<1000x64xi1>
    %broadcast_in_dim3A_69 = vector.broadcast %jit3A_66 : f32 to vector<1000x64xf32>
    %select_n3A_70 = arith.select %broadcast_in_dim3A_68, %div3A_65, %broadcast_in_dim3A_69 : vector<1000x64xi1>, vector<1000x64xf32>
    %slice3A_71 = vector.extract_strided_slice %add3A {offsets = [2, 0, 64], sizes = [1, 1000, 64], strides = [1, 1, 1]} : vector<4x1000x144xf32> to vector<1x1000x64xf32>
    %squeeze3A_72 = vector.shape_cast %slice3A_71 : vector<1x1000x64xf32> to vector<1000x64xf32>
    %slice3A_73 = vector.extract_strided_slice %add3A {offsets = [2, 0, 136], sizes = [1, 1000, 1], strides = [1, 1, 1]} : vector<4x1000x144xf32> to vector<1x1000x1xf32>
    %squeeze3A_74 = vector.shape_cast %slice3A_73 : vector<1x1000x1xf32> to vector<1000x1xf32>
    %gt3A_75 = arith.constant 0.000000e+00 : f32
    %gt3A_76 = vector.broadcast %gt3A_75 : f32 to vector<1000x1xf32>
    %gt3A_77 = arith.cmpf ogt, %squeeze3A_74, %gt3A_76 : vector<1000x1xf32>
    %div3A_78 = vector.broadcast %squeeze3A_74 : vector<1000x1xf32> to vector<1000x64xf32>
    %div3A_79 = arith.divf %squeeze3A_72, %div3A_78 : vector<1000x64xf32>
    %jit3A_80 = arith.constant 0.000000e+00 : f32
    %broadcast_in_dim3A_81 = vector.shape_cast %gt3A_77 : vector<1000x1xi1> to vector<1000x1xi1>
    %broadcast_in_dim3A_82 = vector.broadcast %broadcast_in_dim3A_81 : vector<1000x1xi1> to vector<1000x64xi1>
    %broadcast_in_dim3A_83 = vector.broadcast %jit3A_80 : f32 to vector<1000x64xf32>
    %select_n3A_84 = arith.select %broadcast_in_dim3A_82, %div3A_79, %broadcast_in_dim3A_83 : vector<1000x64xi1>, vector<1000x64xf32>
    %slice3A_85 = vector.extract_strided_slice %add3A {offsets = [3, 0, 0], sizes = [1, 1000, 64], strides = [1, 1, 1]} : vector<4x1000x144xf32> to vector<1x1000x64xf32>
    %squeeze3A_86 = vector.shape_cast %slice3A_85 : vector<1x1000x64xf32> to vector<1000x64xf32>
    %slice3A_87 = vector.extract_strided_slice %add3A {offsets = [3, 0, 128], sizes = [1, 1000, 1], strides = [1, 1, 1]} : vector<4x1000x144xf32> to vector<1x1000x1xf32>
    %squeeze3A_88 = vector.shape_cast %slice3A_87 : vector<1x1000x1xf32> to vector<1000x1xf32>
    %gt3A_89 = arith.constant 0.000000e+00 : f32
    %gt3A_90 = vector.broadcast %gt3A_89 : f32 to vector<1000x1xf32>
    %gt3A_91 = arith.cmpf ogt, %squeeze3A_88, %gt3A_90 : vector<1000x1xf32>
    %div3A_92 = vector.broadcast %squeeze3A_88 : vector<1000x1xf32> to vector<1000x64xf32>
    %div3A_93 = arith.divf %squeeze3A_86, %div3A_92 : vector<1000x64xf32>
    %jit3A_94 = arith.constant 0.000000e+00 : f32
    %broadcast_in_dim3A_95 = vector.shape_cast %gt3A_91 : vector<1000x1xi1> to vector<1000x1xi1>
    %broadcast_in_dim3A_96 = vector.broadcast %broadcast_in_dim3A_95 : vector<1000x1xi1> to vector<1000x64xi1>
    %broadcast_in_dim3A_97 = vector.broadcast %jit3A_94 : f32 to vector<1000x64xf32>
    %select_n3A_98 = arith.select %broadcast_in_dim3A_96, %div3A_93, %broadcast_in_dim3A_97 : vector<1000x64xi1>, vector<1000x64xf32>
    %slice3A_99 = vector.extract_strided_slice %add3A {offsets = [3, 0, 64], sizes = [1, 1000, 64], strides = [1, 1, 1]} : vector<4x1000x144xf32> to vector<1x1000x64xf32>
    %squeeze3A_100 = vector.shape_cast %slice3A_99 : vector<1x1000x64xf32> to vector<1000x64xf32>
    %slice3A_101 = vector.extract_strided_slice %add3A {offsets = [3, 0, 136], sizes = [1, 1000, 1], strides = [1, 1, 1]} : vector<4x1000x144xf32> to vector<1x1000x1xf32>
    %squeeze3A_102 = vector.shape_cast %slice3A_101 : vector<1x1000x1xf32> to vector<1000x1xf32>
    %gt3A_103 = arith.constant 0.000000e+00 : f32
    %gt3A_104 = vector.broadcast %gt3A_103 : f32 to vector<1000x1xf32>
    %gt3A_105 = arith.cmpf ogt, %squeeze3A_102, %gt3A_104 : vector<1000x1xf32>
    %div3A_106 = vector.broadcast %squeeze3A_102 : vector<1000x1xf32> to vector<1000x64xf32>
    %div3A_107 = arith.divf %squeeze3A_100, %div3A_106 : vector<1000x64xf32>
    %jit3A_108 = arith.constant 0.000000e+00 : f32
    %broadcast_in_dim3A_109 = vector.shape_cast %gt3A_105 : vector<1000x1xi1> to vector<1000x1xi1>
    %broadcast_in_dim3A_110 = vector.broadcast %broadcast_in_dim3A_109 : vector<1000x1xi1> to vector<1000x64xi1>
    %broadcast_in_dim3A_111 = vector.broadcast %jit3A_108 : f32 to vector<1000x64xf32>
    %select_n3A_112 = arith.select %broadcast_in_dim3A_110, %div3A_107, %broadcast_in_dim3A_111 : vector<1000x64xi1>, vector<1000x64xf32>
    %concatenate3A = tpu.concatenate %select_n3A, %select_n3A_28, %select_n3A_42, %select_n3A_56, %select_n3A_70, %select_n3A_84, %select_n3A_98, %select_n3A_112 in 1 : vector<1000x64xf32>, vector<1000x64xf32>, vector<1000x64xf32>, vector<1000x64xf32>, vector<1000x64xf32>, vector<1000x64xf32>, vector<1000x64xf32>, vector<1000x64xf32> -> vector<1000x512xf32>
    %get3A_113 = arith.constant 0 : index
    %get3A_114 = arith.constant 0 : index
    %get3A_115 = vector.load %arg3[%get3A_113, %get3A_114] : memref<512x256xf32, #tpu.memory_space<vmem>>, vector<512x256xf32>
    %dot_general3A = arith.constant dense<0.000000e+00> : vector<1000x256xf32>
    %dot_general3A_116 = tpu.matmul %concatenate3A, %get3A_115, %dot_general3A {dimension_numbers = #tpu.dot_dimension_numbers<[1], [0], [0], [1], [0, 0, 1, 1], [], []>, precision = #tpu.contract_precision<fp32>, transpose_lhs_hint = false} : vector<1000x512xf32>, vector<512x256xf32>, vector<1000x256xf32> -> vector<1000x256xf32>
    %get3A_117 = arith.constant 0 : index
    %get3A_118 = arith.constant 0 : index
    %get3A_119 = vector.load %arg2[%get3A_117, %get3A_118] : memref<1000x256xf32, #tpu.memory_space<vmem>>, vector<1000x256xf32>
    %add3A_120 = arith.addf %dot_general3A_116, %get3A_119 : vector<1000x256xf32>
    %reduce_sum3A = arith.constant dense<0.000000e+00> : vector<1000xf32>
    %reduce_sum3A_121 = vector.multi_reduction <add>, %add3A_120, %reduce_sum3A [1] : vector<1000x256xf32> to vector<1000xf32>
    %broadcast_in_dim3A_122 = vector.shape_cast %reduce_sum3A_121 : vector<1000xf32> to vector<1000x1xf32>
    %div3A_123 = arith.constant 2.560000e+02 : f32
    %div3A_124 = vector.broadcast %div3A_123 : f32 to vector<1000x1xf32>
    %div3A_125 = arith.divf %broadcast_in_dim3A_122, %div3A_124 : vector<1000x1xf32>
    %sub3A = vector.broadcast %div3A_125 : vector<1000x1xf32> to vector<1000x256xf32>
    %sub3A_126 = arith.subf %add3A_120, %sub3A : vector<1000x256xf32>
    %integer_pow3A = arith.mulf %sub3A_126, %sub3A_126 : vector<1000x256xf32>
    %reduce_sum3A_127 = arith.constant dense<0.000000e+00> : vector<1000xf32>
    %reduce_sum3A_128 = vector.multi_reduction <add>, %integer_pow3A, %reduce_sum3A_127 [1] : vector<1000x256xf32> to vector<1000xf32>
    %broadcast_in_dim3A_129 = vector.shape_cast %reduce_sum3A_128 : vector<1000xf32> to vector<1000x1xf32>
    %div3A_130 = arith.constant 2.560000e+02 : f32
    %div3A_131 = vector.broadcast %div3A_130 : f32 to vector<1000x1xf32>
    %div3A_132 = arith.divf %broadcast_in_dim3A_129, %div3A_131 : vector<1000x1xf32>
    %sub3A_133 = vector.broadcast %div3A_125 : vector<1000x1xf32> to vector<1000x256xf32>
    %sub3A_134 = arith.subf %add3A_120, %sub3A_133 : vector<1000x256xf32>
    %add3A_135 = arith.constant 9.99999974E-6 : f32
    %add3A_136 = vector.broadcast %add3A_135 : f32 to vector<1000x1xf32>
    %add3A_137 = arith.addf %div3A_132, %add3A_136 : vector<1000x1xf32>
    %rsqrt3A = math.rsqrt %add3A_137 : vector<1000x1xf32>
    %mul3A = vector.broadcast %rsqrt3A : vector<1000x1xf32> to vector<1000x256xf32>
    %mul3A_138 = arith.mulf %sub3A_134, %mul3A : vector<1000x256xf32>
    %get3A_139 = arith.constant 0 : index
    %get3A_140 = arith.constant 0 : index
    %get3A_141 = vector.load %arg4[%get3A_139, %get3A_140] : memref<1x256xf32, #tpu.memory_space<vmem>>, vector<1x256xf32>
    %mul3A_142 = vector.broadcast %get3A_141 : vector<1x256xf32> to vector<1000x256xf32>
    %mul3A_143 = arith.mulf %mul3A_138, %mul3A_142 : vector<1000x256xf32>
    %get3A_144 = arith.constant 0 : index
    %get3A_145 = arith.constant 0 : index
    %get3A_146 = vector.load %arg5[%get3A_144, %get3A_145] : memref<1x256xf32, #tpu.memory_space<vmem>>, vector<1x256xf32>
    %add3A_147 = vector.broadcast %get3A_146 : vector<1x256xf32> to vector<1000x256xf32>
    %add3A_148 = arith.addf %mul3A_143, %add3A_147 : vector<1000x256xf32>
    %swap3A = arith.constant 0 : index
    %swap3A_149 = arith.constant 0 : index
    %swap3A_150 = vector.load %arg6[%swap3A, %swap3A_149] : memref<1000x256xf32, #tpu.memory_space<vmem>>, vector<1000x256xf32>
    tpu.vector_store %arg6[%swap3A, %swap3A_149], %add3A_148 {strides = array<i32>} : memref<1000x256xf32, #tpu.memory_space<vmem>>, vector<1000x256xf32>,
    return
  }
  func.func @transform_0(%arg0: i32) -> (i32, i32, i32, i32) {
    %c0_i32 = arith.constant 0 : i32
    %c0_i32_0 = arith.constant 0 : i32
    %c0_i32_1 = arith.constant 0 : i32
    %c0_i32_2 = arith.constant 0 : i32
    return %c0_i32, %c0_i32_0, %arg0, %c0_i32_1 : i32, i32, i32, i32
  }
  func.func @transform_1(%arg0: i32) -> (i32, i32) {
    %c0_i32 = arith.constant 0 : i32
    %c0_i32_0 = arith.constant 0 : i32
    return %arg0, %c0_i32 : i32, i32
  }
  func.func @transform_2(%arg0: i32) -> (i32, i32) {
    %c0_i32 = arith.constant 0 : i32
    %c0_i32_0 = arith.constant 0 : i32
    %c0_i32_1 = arith.constant 0 : i32
    return %c0_i32, %c0_i32_0 : i32, i32
  }
  func.func @transform_3(%arg0: i32) -> (i32, i32) {
    %c0_i32 = arith.constant 0 : i32
    %c0_i32_0 = arith.constant 0 : i32
    %c0_i32_1 = arith.constant 0 : i32
    return %c0_i32, %c0_i32_0 : i32, i32
  }
  func.func @transform_4(%arg0: i32) -> (i32, i32) {
    %c0_i32 = arith.constant 0 : i32
    %c0_i32_0 = arith.constant 0 : i32
    %c0_i32_1 = arith.constant 0 : i32
    return %c0_i32, %c0_i32_0 : i32, i32
  }
  func.func @transform_5(%arg0: i32) -> (i32, i32) {
    %c0_i32 = arith.constant 0 : i32
    %c0_i32_0 = arith.constant 0 : i32
    return %arg0, %c0_i32 : i32, i32
  }
}

</mosaic_0001>

<sc_bundles>
// kernel: kernel.5.cloned.1.call-start
scs
__scs_entry_jumppad:
0x0: {  	(pc) =	sbr.rel $0x88, $3  }
0x1: {  	(tag) =	ssettag $0x0;
	lr =	simm.s32 $0x1  }
0x2: {  	[smem:$0x3F99] =	sst lr;
	_ =	strace $0xD0000000  }
0x3: {  	_ = 	snop  }
0x4: {  	_ = 	snop  }
0x5: {  	_ = 	snop  }
0x6: {  	_ = 	snop  }
0x7: {  	_ = 	snop  }
__scs_overlays_trampoline_lowered:
0x8: {  	[smem:$0x3FA8] =	sst s0  }
0x9: {  	[smem:$0x3FA9] =	sst s1  }
0xa: {  	[smem:$0x3FAA] =	sst s2  }
0xb: {  	[smem:$0x3FAB] =	sst s3  }
0xc: {  	[smem:$0x3FAC] =	sst s4  }
0xd: {  	[smem:$0x3FAD] =	sst s5  }
0xe: {  	[smem:$0x3FAE] =	sst s6  }
0xf: {  	[smem:$0x3FAF] =	sst s7  }
0x10: {  	[smem:$0x3FB0] =	sst s8  }
0x11: {  	[smem:$0x3FB1] =	sst s9;
	s0 =	simm.s32 @!p0 $0x0  }
0x12: {  	s1 =	sld [smem:$0x3F97];
	s0 =	simm.s32 @p0 $0x1  }
0x13: {  	[smem:$0x3FB2] =	sst s0;
	s0 =	simm.s32 @!p1 $0x0  }
0x14: {  	s2 =	sld [smem:$0x3F96];
	s0 =	simm.s32 @p1 $0x1  }
0x15: {  	[smem:$0x3FB3] =	sst s0;
	s0 =	simm.s32 @!p2 $0x0  }
0x16: {  	s3 =	sld [smem:$0x3FDB];
	s0 =	simm.s32 @p2 $0x1  }
0x17: {  	s4 =	simm.s32 $0x1BF5;
	[smem:$0x3FB5] =	sst s0  }
0x18: {  	s0 =	sld [smem:$0x3F98];
	_ =	swait.ge [sflag:s4], $0x0  }
0x19: {  	s7 =	sld [smem:$0x3F99]  }
0x1a: {  	s8 =	sadd.s32 $0xFFFFE003, lr  }
0x1b: {  	s9 =	sadd.s32 $0xFFFFFEF7, lr;
	s5 =	simm.s32 $0xFFFFFFFF;
	p2 =	slt.u32 s8, $0xFFFFF086  }
0x1c: {  	p1 =	slt.u32 s9, $0xF7A;
	s5 =	simm.s32 @!p2 $0x0  }
0x1d: {  	s5 =	simm.s32 @p1 $0x1;
	p0 =	seq.s32 s7, s2  }
0x1e: {  	s7 =	smul.u32 @!p0 $0xF7A, s2;
	p2 =	seq.s32 @!p0 s5, $0x0  }
0x1f: {  	s9 =	smul.u32 $0xF7A, s1;
	s8 =	simm.s32 @!p0 $0x1BF5;
	p2 =	por !p2, p0  }
0x20: {  	[sflag:s8] =	ssyncset.s32 @!p0 $0xFFFFF086;
	s6 =	sadd.s32 @!p0 s3, s7;
	s7 =	simm.s32 @!p0 $0x108  }
0x21: {  	s3 =	sadd.s32 s3, s9;
	s6 =	sadd.s32 @!p0 $0x88, s6;
	s7 =	simm.s32 @p2 $0x1082  }
0x22: {  	[simem:s7], [sflag:s8] =	dma.local @!p0 [hbm:s6], $0xF7A  }
0x23: {  	s9 =	sor.u32 $0xD0000000, s2;
	s6 =	simm.s32 $0x108;
	_ =	swait.ge @!p0 [sflag:s8], $0x0  }
0x24: {  	s3 =	sadd.s32 $0x88, s3;
	s6 =	simm.s32 @!p1 $0x1082;
	[sflag:s4] =	ssyncset.s32 $0xFFFFF086  }
0x25: {  	[simem:s6], [sflag:s4] =	dma.local [hbm:s3], $0xF7A  }
0x26: {  	[smem:$0x3F99] =	sst s1;
	(tag) =	ssettag s2;
	_ =	strace s9  }
0x27: {  	s1 =	sld [smem:$0x3FA9]  }
0x28: {  	s2 =	sld [smem:$0x3FAA]  }
0x29: {  	s4 =	sld [smem:$0x3FAC]  }
0x2a: {  	p0 =	seq.s32 s5, $0x0;
	s5 =	sld [smem:$0x3FAD]  }
0x2b: {  	s6 =	sld [smem:$0x3FAE]  }
0x2c: {  	s7 =	sld [smem:$0x3FAF]  }
0x2d: {  	s3 =	simm.s32 $0x108;
	s8 =	sld [smem:$0x3FB0]  }
0x2e: {  	s3 =	simm.s32 @!p0 $0x1082;
	s9 =	sld [smem:$0x3FB1]  }
0x2f: {  	lr =	sadd.s32 s0, s3;
	s0 =	sld [smem:$0x3FA8]  }
0x30: {  	s3 =	sld [smem:$0x3FAB]  }
0x31: {  	[smem:$0x3FB4] =	sst s10  }
0x32: {  	s10 =	sld [smem:$0x3FB2];
	_ =	sdelay $0x3  }
0x33: {  	p0 =	seq.s32 s10, $0x1;
	s10 =	sld [smem:$0x3FB4];
	_ =	sdelay $0x3  }
0x34: {  	[smem:$0x3FB4] =	sst s10  }
0x35: {  	s10 =	sld [smem:$0x3FB3];
	_ =	sdelay $0x3  }
0x36: {  	p1 =	seq.s32 s10, $0x1;
	s10 =	sld [smem:$0x3FB4];
	_ =	sdelay $0x3  }
0x37: {  	[smem:$0x3FB4] =	sst s10  }
0x38: {  	s10 =	sld [smem:$0x3FB5]  }
0x39: {  	_ = 	snop;
	(pc) =	sbr.ind lr, $3  }
0x3a: {  	_ = 	snop  }
0x3b: {  	_ = 	snop  }
0x3c: {  	p2 =	seq.s32 s10, $0x1;
	s10 =	sld [smem:$0x3FB4]  }
0x3d: {  	_ =	shalt  }
0x3e: {  	_ =	shalt  }
0x3f: {  	_ =	shalt  }
0x40: {  	_ =	shalt  }
0x41: {  	_ =	shalt  }
0x42: {  	_ =	shalt  }
0x43: {  	_ =	shalt  }
0x44: {  	_ =	shalt  }
0x45: {  	_ =	shalt  }
0x46: {  	_ =	shalt  }
0x47: {  	_ =	shalt  }
0x48: {  	_ =	shalt  }
0x49: {  	_ =	shalt  }
0x4a: {  	_ =	shalt  }
0x4b: {  	_ =	shalt  }
0x4c: {  	_ =	shalt  }
0x4d: {  	_ =	shalt  }
0x4e: {  	_ =	shalt  }
0x4f: {  	_ =	shalt  }
0x50: {  	_ =	shalt  }
0x51: {  	_ =	shalt  }
0x52: {  	_ =	shalt  }
0x53: {  	_ =	shalt  }
0x54: {  	_ =	shalt  }
0x55: {  	_ =	shalt  }
0x56: {  	_ =	shalt  }
0x57: {  	_ =	shalt  }
0x58: {  	_ =	shalt  }
0x59: {  	_ =	shalt  }
0x5a: {  	_ =	shalt  }
0x5b: {  	_ =	shalt  }
0x5c: {  	_ =	shalt  }
0x5d: {  	_ =	shalt  }
0x5e: {  	_ =	shalt  }
0x5f: {  	_ =	shalt  }
0x60: {  	_ =	shalt  }
0x61: {  	_ =	shalt  }
0x62: {  	_ =	shalt  }
0x63: {  	_ =	shalt  }
0x64: {  	_ =	shalt  }
0x65: {  	_ =	shalt  }
0x66: {  	_ =	shalt  }
0x67: {  	_ =	shalt  }
0x68: {  	_ =	shalt  }
0x69: {  	_ =	shalt  }
0x6a: {  	_ =	shalt  }
0x6b: {  	_ =	shalt  }
0x6c: {  	_ =	shalt  }
0x6d: {  	_ =	shalt  }
0x6e: {  	_ =	shalt  }
0x6f: {  	_ =	shalt  }
0x70: {  	_ =	shalt  }
0x71: {  	_ =	shalt  }
0x72: {  	_ =	shalt  }
0x73: {  	_ =	shalt  }
0x74: {  	_ =	shalt  }
0x75: {  	_ =	shalt  }
0x76: {  	_ =	shalt  }
0x77: {  	_ =	shalt  }
0x78: {  	_ =	shalt  }
0x79: {  	_ =	shalt  }
0x7a: {  	_ =	shalt  }
0x7b: {  	_ =	shalt  }
0x7c: {  	_ =	shalt  }
0x7d: {  	_ =	shalt  }
0x7e: {  	_ =	shalt  }
0x7f: {  	_ =	shalt  }
0x80: {  	_ =	shalt  }
0x81: {  	_ =	shalt  }
0x82: {  	_ =	shalt  }
0x83: {  	_ =	shalt  }
0x84: {  	_ =	shalt  }
0x85: {  	_ =	shalt  }
0x86: {  	_ =	shalt  }
0x87: {  	_ =	shalt  }
.Lfunc_end0:
.L_simem_size_0:
called_computation_lowered:
.L_overlay_start_0:
0x88: {  	s2 =	sld [smem:$0x3FD9]  }
0x89: {  	s3 =	sld [smem:$0x3FFE];
	_ =	sdelay $0x1  }
0x8a: {  	s1 =	srdreg.scid  }
0x8b: {  	s0 =	sand.u32 $0x1, s1  }
0x8c: {  	s17 =	sshll.u32 s0, $0xA;
	s2 =	sadd.s32 s3, s2  }
0x8d: {  	s2 =	sadd.s32 s2, s17  }
0x8e: {  	[smem:$0x3FC0] =	sst s2  }
0x8f: {  	_ = 	snop  }
0x90: {  	s2 =	sld [smem:$0x3FD0];
	(tm) =	ssettm $0x1  }
0x91: {  	s18 =	sld [smem:$0x3FFB];
	_ =	sdelay $0x3  }
0x92: {  	_ =	strace s18  }
0x93: {  	s3 =	sld [smem:$0x3FFC];
	_ =	sdelay $0x3  }
0x94: {  	_ =	strace s3  }
0x95: {  	s3 =	sld [smem:$0x3FFD];
	_ =	sdelay $0x3  }
0x96: {  	_ =	strace s3  }
0x97: {  	_ =	strace $0x8FFFFFFF  }
0x98: {  	s19 =	sld [smem:$0x3FDB];
	_ =	sdelay $0x1  }
0x99: {  	s4 =	simm.s32 $_scs_section_size  }
0x9a: {  	s5 =	simm.s32 $_size__tile_overlayer_lowered;
	s6 =	simm.s32 $_tile_overlayer_lowered  }
0x9b: {  	s22 =	simm.s32 $0x1BFF;
	s21 =	sshll.u32 s6, $0x1;
	s3 =	sadd.s32 s4, s19  }
0x9c: {  	s7 =	simm.s32 $0x0;
	s20 =	sshll.u32 s5, $0x1;
	s5 =	sadd.s32 s21, s3  }
0x9d: {  	[timem:s7], [sflag:s22] =	dma.local [hbm:s5], s20  }
0x9e: {  	_ =	swait.ge [sflag:s22], s20  }
0x9f: {  	s4 =	ssub.s32 $0x0, s20;
	[sflag:s22] =	ssyncset.done $0x0  }
0xa0: {  	[sflag:s22] =	ssyncadd.s32 s4;
	_ =	sdelay $0x1  }
0xa1: {  	s23 =	simm.s32 $0x1B8B  }
0xa2: {  	_ =	swait.ge [sflag:s23], $0x1  }
0xa3: {  	[sflag:s23] =	ssyncset.done $0x0  }
0xa4: {  	s25 =	simm.s32 $0x1B8E;
	s24 =	sld [smem:$0x3FFE];
	[sflag:s23] =	ssyncadd.s32 $0xFFFFFFFF  }
0xa5: {  	s26 =	simm.s32 $execute0_lowered;
	[smem:$0x3FD2] =	sst s25  }
0xa6: {  	s5 =	sshll.u32 s26, $0x1;
	_ =	strace $0x80000046;
	[dreg:$0x1] =	wrdreg $0xFFFFFFFF  }
0xa7: {  	s28 =	simm.s32 $_size_execute0_lowered;
	s3 =	sadd.s32 s3, s5;
	[dreg:$0x0] =	wrdreg $0x0  }
0xa8: {  	s5 =	sshll.u32 s28, $0x1;
	[dreg:$0x2] =	wrdreg s3  }
0xa9: {  	[dreg:$0x3] =	wrdreg s5  }
0xaa: {  	[dreg:$0x4] =	wrdreg $0xC0  }
0xab: {  	_ =	task [dreg:s7], $0x5FFFF  }
0xac: {  	[dreg:$0x1] =	wrdreg $0xFFFFFFFF  }
0xad: {  	[dreg:$0x0] =	wrdreg $0x60  }
0xae: {  	[dreg:$0x2] =	wrdreg s24  }
0xaf: {  	[dreg:$0x3] =	wrdreg s2  }
0xb0: {  	[dreg:$0x4] =	wrdreg $0x85000  }
0xb1: {  	[dreg:$0x5] =	wrdreg $0x9  }
0xb2: {  	_ =	task.clear_ibuf [dreg:s7], $0x6FFFF;
	_ =	strace $0x90000046  }
0xb3: {  	s29 =	simm.s32 $0x9;
	_ =	strace $0x80000048  }
0xb4: {  	_ =	swait.ge [sflag:s29], $0x1  }
0xb5: {  	[sflag:s29] =	ssyncadd.s32 $0xFFFFFFFF  }
0xb6: {  	_ =	strace $0x90000048  }
0xb7: {  	_ =	sfence  }
0xb8: {  	s30 =	sld [smem:$0x0];
	_ =	sdelay $0x2  }
0xb9: {  	s31 =	sshll.u32 s1, $0xD;
	s1 =	sshrl.u32 s1, $0x2  }
0xba: {  	s3 =	sand.u32 $0x4000, s31;
	s1 =	sadd.s32 s1, s30  }
0xbb: {  	s0 =	sor.u32 s3, s0;
	s1 =	sshll.u32 s1, $0x11  }
0xbc: {  	s0 =	sor.u32 s1, s0  }
0xbd: {  	s0 =	sadd.s32 $0x8F2B, s0  }
0xbe: {  	[sflag:s0] =	ssyncadd.remote.s32 $0x1  }
0xbf: {  	_ =	sfence.sel $0xFFFF  }
0xc0: {  	[dreg:$0x0] =	wrdreg $0xFFFFFFFF;
	(pc) =	sbr.abs _section_cstart, $3  }
0xc1: {  	[dreg:$0x1] =	wrdreg $0xFFFFFFFF  }
0xc2: {  	_ =	task.clear_ibuf [dreg:s7], $0x2FFFF;
	_ =	strace $0x9FFFFFFF  }
0xc3: {  	(tm) =	ssettm $0x7FFFFFFF  }
tec
execute0_lowered:
.L_overlay_start_1:
0x0: {  	(tag) =	ssettag $0x1  }
0x1: {  	s0 =	rddreg [dreg:$0x0]  }
0x2: {  	s2 =	rddreg [dreg:$0x1]  }
0x3: {  	s9 =	rddreg [dreg:$0x2];
	s1 =	simm.s32 $0x0  }
0x4: {  	s18 =	stileid.u32;
	s6 =	srdreg.scid;
	s28 =	simm.s32 $0x40  }
0x5: {  	s29 =	simm.s32 $0x80;
	s30 =	simm.s32 $0x100;
	s31 =	simm.s32 $0xC0  }
0x6: {  	[smem:$0x7FF] =	sst s1;
	s3 =	sadd.s32 $0x1DBE00, s0;
	s4 =	sadd.s32 $0x7200, s0  }
0x7: {  	s5 =	sadd.s32 $0xA3600, s0;
	s10 =	sshll.u32 s18, $0x4;
	s11 =	sand.u32 $0x1, s6  }
0x8: {  	s6 =	sadd.s32 $0x13FA00, s0;
	s13 =	smul.u32 $0x5A000, s18;
	s15 =	sshll.u32 s18, $0x1  }
0x9: {  	s16 =	smul.u32 $0x16800, s18;
	s23 =	sshll.u32 s18, $0x6;
	p0 =	seq.s32 s18, $0xF  }
0xa: {  	_ =	strace $0x80000047;
	s12 =	sadd.s32 s10, s0;
	s7 =	ssub.s32 $0x2, s11  }
0xb: {  	s0 =	sadd.s32 $0x278200, s0;
	s17 =	smul.u32 $0x57E400, s11;
	s8 =	sshrl.u32 s7, $0x1  }
0xc: {  	s2 =	sadd.s32 s10, s2;
	s13 =	sshrl.u32 s13, $0x2;
	s14 =	ssub.s32 s7, s8  }
0xd: {  	s7 =	sadd.s32 s16, s9;
	s13 =	sadd.s32 s13, s9;
	s9 =	sadd.s32 $0x151800, s9  }
0xe: {  	s21 =	sshll.u32 s11, $0x3;
	s19 =	sadd.s32 $0x4800, s13;
	[dreg:$0xa] =	wrdreg s9  }
0xf: {  	s16 =	sadd.s32 s16, s17;
	s24 =	sadd.s32 $0x9000, s13;
	[dreg:$0x4] =	wrdreg s19  }
0x10: {  	s17 =	sshrl.u32 s17, $0x3;
	s25 =	sadd.s32 $0xD800, s13;
	[dreg:$0x5] =	wrdreg s24  }
0x11: {  	s16 =	sshrl.u32 s16, $0x3;
	s13 =	sadd.s32 $0x12000, s13;
	[dreg:$0x6] =	wrdreg s25  }
0x12: {  	[dreg:$0x7] =	wrdreg s13;
	s26 =	sadd.s32 s0, s16;
	s0 =	sadd.s32 s0, s17  }
0x13: {  	s10 =	simm.s32 $0x2;
	s17 =	sadd.s32 $0x2A300, s0;
	[dreg:$0x8] =	wrdreg s26  }
0x14: {  	s8 =	sor.u32 $0x1C04, s23;
	s19 =	sadd.s32 $0x2BF20, s26;
	[dreg:$0x9] =	wrdreg s17  }
0x15: {  	s23 =	sadd.s32 s21, s12;
	s20 =	sadd.s32 $0x56220, s0;
	[dreg:$0xb] =	wrdreg s19  }
0x16: {  	s12 =	simm.s32 $0x0;
	s22 =	sadd.s32 $0x57E40, s26;
	[dreg:$0xc] =	wrdreg s20  }
0x17: {  	s9 =	simm.s32 $0x1;
	s24 =	sadd.s32 $0x82140, s0;
	[dreg:$0xd] =	wrdreg s22  }
.Ltmp0:
0x18: {  	s25 =	sadd.s32 $0x83D60, s26;
	[dreg:$0xe] =	wrdreg s24;
	(pc) =	sbr.rel .LBB2_1-.Ltmp0, $4  }
0x19: {  	s0 =	sadd.s32 $0xAE060, s0;
	s26 =	smax.u32 s14, $0x1;
	[dreg:$0xf] =	wrdreg s25  }
0x1a: {  	s19 =	sadd.s32 s21, s2;
	s24 =	sor.u32 s11, s15;
	[dreg:$0x10] =	wrdreg s0  }
0x1b: {  	[dreg:$0x11] =	wrdreg s26;
	s25 =	sadd.s32 $0x2200, s23;
	s26 =	simm.s32 $0x4  }
0x1c: {  	vm0 =	vmmov $0xff;
	s0 =	simm.s32 $0x2100;
	s2 =	simm.s32 $0x4100;
	s11 =	simm.s32 $0x3  }
.LBB2_17:
0x1d: {  	[bflag:$0x0] =	sbarrier.arrive $0xFFFF  }
0x1e: {  	s13 =	rddreg [dreg:$0x10]  }
0x1f: {  	[hbm:s13], [sflag:s8] =	dma.local @p0 [spmem:s14], $0x1C20  }
0x20: {  	s13 =	simm.s32 @p0 $0x4  }
0x21: {  	_ =	swait.ge @p0 [sflag:s13], $0x1C20  }
0x22: {  	[sflag:s13] =	ssyncset.done @p0 $0x0  }
0x23: {  	[sflag:s13] =	ssyncadd.s32 @p0 $0xFFFFE3E0;
	s13 =	rddreg [dreg:$0xf]  }
0x24: {  	[hbm:s13], [sflag:s8] =	dma.local @!p0 [spmem:s15], $0x2D00  }
0x25: {  	s13 =	simm.s32 @!p0 $0x4  }
0x26: {  	_ =	swait.ge @!p0 [sflag:s13], $0x2D00  }
0x27: {  	s12 =	sadd.s32 $0x1, s12;
	s23 =	rddreg [dreg:$0x11]  }
0x28: {  	p1 =	sne.s32 s12, s23  }
.Ltmp1:
0x29: {  	_ = 	snop;
	(pc) =	sbr.rel @!p1 .LBB2_18-.Ltmp1, $3  }
0x2a: {  	[sflag:s13] =	ssyncset.done @!p0 $0x0  }
0x2b: {  	[sflag:s13] =	ssyncadd.s32 @!p0 $0xFFFFD300  }
0x2c: {  	[bflag:$0x0] =	sbarrier.arrive $0xFFFF;
	_ =	sdelay $0x1  }
.LBB2_1:
0x2d: {  	s16 =	sshrl.u32 s7, $0x3  }
0x2e: {  	[spmem:s16], [sflag:s8] =	dma.local [hbm:s6], $0x900  }
0x2f: {  	_ =	swait.ge [sflag:s26], $0x900  }
0x30: {  	[sflag:s26] =	ssyncset.done $0x0;
	s13 =	rddreg [dreg:$0x4]  }
0x31: {  	[sflag:s26] =	ssyncadd.s32 $0xFFFFF700;
	s17 =	sshrl.u32 s13, $0x3  }
0x32: {  	[spmem:s17], [sflag:s8] =	dma.local [hbm:s6], $0x900  }
0x33: {  	_ =	swait.ge [sflag:s26], $0x900  }
0x34: {  	[sflag:s26] =	ssyncset.done $0x0;
	s21 =	rddreg [dreg:$0x5]  }
0x35: {  	[sflag:s26] =	ssyncadd.s32 $0xFFFFF700;
	s18 =	sshrl.u32 s21, $0x3  }
0x36: {  	[spmem:s18], [sflag:s8] =	dma.local [hbm:s6], $0x900  }
0x37: {  	_ =	swait.ge [sflag:s26], $0x900  }
0x38: {  	[sflag:s26] =	ssyncset.done $0x0;
	s22 =	rddreg [dreg:$0x6]  }
0x39: {  	[sflag:s26] =	ssyncadd.s32 $0xFFFFF700;
	s20 =	sshrl.u32 s22, $0x3  }
0x3a: {  	[spmem:s20], [sflag:s8] =	dma.local [hbm:s6], $0x900  }
0x3b: {  	_ =	swait.ge [sflag:s26], $0x900  }
0x3c: {  	[sflag:s26] =	ssyncset.done $0x0;
	s23 =	rddreg [dreg:$0x7]  }
0x3d: {  	[sflag:s26] =	ssyncadd.s32 $0xFFFFF700;
	s22 =	sshrl.u32 s23, $0x3  }
0x3e: {  	[spmem:s22], [sflag:s8] =	dma.local [hbm:s6], $0x900  }
.Ltmp2:
0x3f: {  	_ =	swait.ge [sflag:s26], $0x900;
	(pc) =	sbr.rel .LBB2_2-.Ltmp2, $4  }
0x40: {  	[sflag:s26] =	ssyncset.done $0x0  }
0x41: {  	[sflag:s26] =	ssyncadd.s32 $0xFFFFF700  }
0x42: {  	[bflag:$0x0] =	sbarrier.arrive $0xFFFF  }
0x43: {  	s14 =	smov.u32 s24;
	s15 =	simm.s32 $0x0  }
.LBB2_4:
0x44: {  	s15 =	sadd.s32 $0x100, s15  }
0x45: {  	p1 =	sne.s32 s15, $0x4F00  }
.Ltmp3:
0x46: {  	_ = 	snop;
	(pc) =	sbr.rel @!p1 .LBB2_5-.Ltmp3, $2  }
0x47: {  	_ =	sdelay $0x2  }
0x48: {  	s14 =	sadd.s32 $0x20, s14  }
.LBB2_2:
0x49: {  	p1 =	sgt.u32 s14, $0x9C3  }
.Ltmp4:
0x4a: {  	_ = 	snop;
	(pc) =	sbr.rel @p1 .LBB2_4-.Ltmp4, $1  }
0x4b: {  	_ =	sdelay $0x3  }
0x4c: {  	s21 =	sadd.s32 s15, s25  }
0x4d: {  	[tilespmem:s1], [sflag:$0x4] =	stream.linear.gather [hbm4b:s21+s1], $0x40, $0x38;
	[tilespmem:$0x1ED00] =	vst v63  }
0x4e: {  	_ =	swait.ge [sflag:s26], $0x40  }
0x4f: {  	[sflag:s26] =	ssyncset.done $0x0  }
0x50: {  	s23 =	sadd.s32 s15, s19;
	[sflag:s26] =	ssyncadd.s32 $0xFFFFFFC0  }
0x51: {  	[tilespmem:s28], [sflag:$0x4] =	stream.linear.gather [hbm4b:s23+s1], $0x40, $0x38;
	[tilespmem:$0x1ED00] =	vst v63  }
0x52: {  	_ =	swait.ge [sflag:s26], $0x40  }
0x53: {  	[sflag:s26] =	ssyncset.done $0x0  }
0x54: {  	[sflag:s26] =	ssyncadd.s32 $0xFFFFFFC0  }
0x55: {  	v0 =	vld [tilespmem:$0x40]  }
0x56: {  	v1 =	vld [tilespmem:$0x0]  }
0x57: {  	v2 =	vld [tilespmem:$0x50]  }
0x58: {  	v3 =	vld [tilespmem:$0x10]  }
0x59: {  	v4 =	vld [tilespmem:$0x60]  }
0x5a: {  	v5 =	vld [tilespmem:$0x20];
	v0 =	vshll.u32 v0, $0x2  }
0x5b: {  	v18 =	vld [tilespmem:$0x70];
	v17 =	vshll.u32 v1, $0x2;
	[tilespmem:$0x80] =	vst v0  }
0x5c: {  	v20 =	vld [tilespmem:$0x30];
	v19 =	vshll.u32 v2, $0x2;
	[tilespmem:$0xC0] =	vst v17  }
0x5d: {  	v21 =	vshll.u32 v3, $0x2;
	[tilespmem:$0x90] =	vst v19  }
0x5e: {  	v22 =	vshll.u32 v4, $0x2;
	[tilespmem:$0xD0] =	vst v21  }
0x5f: {  	v23 =	vshll.u32 v5, $0x2;
	[tilespmem:$0xA0] =	vst v22  }
0x60: {  	v24 =	vshll.u32 v18, $0x2;
	[tilespmem:$0xE0] =	vst v23  }
0x61: {  	v25 =	vshll.u32 v20, $0x2;
	[tilespmem:$0xB0] =	vst v24  }
0x62: {  	[tilespmem:$0xF0] =	vst v25  }
0x63: {  	[tilespmem:s30], [sflag:$0x1] =	stream.indirect.gather [hbm4b:s3+s28], $0x80, s29, s28, $0xb8;
	[tilespmem:$0x1ED00] =	vst v63  }
0x64: {  	_ = 	snop  }
0x65: {  	[tilespmem:s0], [sflag:$0x2] =	stream.indirect.gather [hbm4b:s4+s28], $0x80, s31, s28, $0xb8;
	[tilespmem:$0x1ED00] =	vst v63  }
0x66: {  	_ = 	snop  }
0x67: {  	[tilespmem:s2], [sflag:$0x3] =	stream.indirect.gather [hbm4b:s5+s28], $0x80, s31, s28, $0xb8;
	[tilespmem:$0x1ED00] =	vst v63  }
0x68: {  	_ =	swait.ge [sflag:s9], $0x2000  }
0x69: {  	[sflag:s9] =	ssyncset.done $0x0  }
0x6a: {  	[sflag:s9] =	ssyncadd.s32 $0xFFFFE000  }
0x6b: {  	_ =	swait.ge [sflag:s10], $0x2000  }
0x6c: {  	[sflag:s10] =	ssyncset.done $0x0  }
0x6d: {  	[sflag:s10] =	ssyncadd.s32 $0xFFFFE000  }
0x6e: {  	_ =	swait.ge [sflag:s11], $0x2000  }
0x6f: {  	[sflag:s11] =	ssyncset.done $0x0  }
0x70: {  	[sflag:s11] =	ssyncadd.s32 $0xFFFFE000  }
0x71: {  	v26 =	vld [tilespmem:$0x100]  }
0x72: {  	v27 =	vld [tilespmem:$0x2100]  }
0x73: {  	v28 =	vld [tilespmem:$0x110]  }
0x74: {  	v29 =	vld [tilespmem:$0x2110]  }
0x75: {  	v30 =	vld [tilespmem:$0x120]  }
0x76: {  	v31 =	vld [tilespmem:$0x2120]  }
0x77: {  	v6 =	vld [tilespmem:$0x130]  }
0x78: {  	v7 =	vld [tilespmem:$0x2130]  }
0x79: {  	v8 =	vld [tilespmem:$0x140]  }
0x7a: {  	v9 =	vld [tilespmem:$0x2140]  }
0x7b: {  	v10 =	vld [tilespmem:$0x150]  }
0x7c: {  	v11 =	vld [tilespmem:$0x2150]  }
0x7d: {  	v12 =	vld [tilespmem:$0x160]  }
0x7e: {  	v13 =	vld [tilespmem:$0x2160]  }
0x7f: {  	v14 =	vld [tilespmem:$0x170];
	v0 =	vmul.f32 v27, v26;
	v32 =	vmul.f32 v29, v28  }
0x80: {  	v33 =	vld [tilespmem:$0x2170];
	v34 =	vmul.f32 v31, v30;
	v35 =	vmul.f32 v7, v6;
	_ =	sdelay $0x1  }
0x81: {  	v0 =	vadd.f32 v32, v0;
	v36 =	vadd.f32 v35, v34;
	_ =	sdelay $0x1  }
0x82: {  	v37 =	vmul.f32 v9, v8;
	v38 =	vmul.f32 v11, v10;
	v0 =	vadd.f32 v36, v0  }
0x83: {  	v39 =	vmul.f32 v13, v12;
	v2 =	vmul.f32 v33, v14  }
0x84: {  	(xrf2) =	vadd.scan.msk.f32 $0xffff, v0  }
0x85: {  	v40 =	vadd.f32 v38, v37;
	v41 =	vadd.f32 v2, v39;
	_ =	sdelay $0x1  }
0x86: {  	v0 =	vadd.f32 v41, v40;
	_ =	sdelay $0x1  }
0x87: {  	(xrf2) =	vadd.scan.msk.f32 $0xffff, v0;
	_ =	sdelay $0x4  }
0x88: {  	v42, _, _ =	vpop (xrf2)  }
0x89: {  	(v2sf) =	vpush v42, $0xF;
	_ =	sdelay $0x3  }
0x8a: {  	v43, _, _ =	vpop (xrf2)  }
0x8b: {  	(v2sf) =	vpush v43, $0xF;
	_ =	sdelay $0x9  }
0x8c: {  	s13 =	spop (v2sf)  }
0x8d: {  	s21 =	smul.f32 $1.250000000e-01, s13;
	_ =	sdelay $0x1  }
0x8e: {  	v44 =	vmov s21  }
0x8f: {  	v0 =	vmul.f32 $1.442695020e+00, v44  }
0x90: {  	s23 =	spop (v2sf)  }
0x91: {  	s21 =	smul.f32 $1.250000000e-01, s23;
	v0 =	vbroadcast v0, $0x0;
	_ =	sdelay $0x1  }
0x92: {  	v45 =	vmov s21;
	(erf) = vpow2.f32 v0  }
0x93: {  	v46 =	vmul.f32 $1.442695020e+00, v45;
	_ =	sdelay $0x1  }
0x94: {  	v0 =	vbroadcast v46, $0x0;
	_ =	sdelay $0x1  }
0x95: {  	v47 =	vld [tilespmem:$0x4100];
	(erf) = vpow2.f32 v0  }
0x96: {  	v48 =	vld [tilespmem:$0x4110]  }
0x97: {  	v49 =	vld [tilespmem:$0x4120]  }
0x98: {  	v50 =	vld [tilespmem:$0x4130]  }
0x99: {  	v51 =	vpop (erf)  }
0x9a: {  	v52 =	vld [tilespmem:$0x4140];
	v0 =	vmul.f32 v51, v47  }
0x9b: {  	v53 =	vld [tilespmem:$0x4150];
	v1 =	vmul.f32 v51, v48  }
0x9c: {  	v54 =	vld [tilespmem:$0x4160];
	v55 =	vmul.f32 v49, v51;
	[tilespmem:$0x6100] =	vst v0  }
0x9d: {  	v56 =	vld [tilespmem:$0x4170];
	v58 =	vmul.f32 v50, v51;
	[tilespmem:$0x6110] =	vst v1  }
0x9e: {  	v57 =	vpop (erf);
	[tilespmem:$0x6120] =	vst v55  }
0x9f: {  	v59 =	vmul.f32 v57, v52;
	[tilespmem:$0x6130] =	vst v58;
	v63 =	vsel vm0, v51, v57  }
.Ltmp5:
0xa0: {  	v60 =	vmul.f32 v57, v53;
	[tilespmem:$0x6180] =	vst v63;
	(pc) =	sbr.rel .LBB2_4-.Ltmp5, $4  }
0xa1: {  	v61 =	vmul.f32 v54, v57;
	[tilespmem:$0x6140] =	vst v59  }
0xa2: {  	v62 =	vmul.f32 v56, v57;
	[tilespmem:$0x6150] =	vst v60  }
0xa3: {  	[tilespmem:$0x6160] =	vst v61  }
0xa4: {  	[tilespmem:$0x6170] =	vst v62  }
.LBB2_5:
0xa5: {  	[bflag:$0x0] =	sbarrier.arrive $0xFFFF  }
0xa6: {  	s13 =	rddreg [dreg:$0xa]  }
0xa7: {  	s15 =	simm.s32 @p0 $0x4;
	s14 =	sshrl.u32 @p0 s13, $0x3;
	s13 =	rddreg [dreg:$0x9]  }
0xa8: {  	[hbm:s13], [sflag:s8] =	dma.local @p0 [spmem:s14], $0x1C20  }
0xa9: {  	_ =	swait.ge @p0 [sflag:s15], $0x1C20  }
0xaa: {  	s21 =	simm.s32 @!p0 $0x4;
	[sflag:s15] =	ssyncset.done @p0 $0x0  }
0xab: {  	s13 =	rddreg [dreg:$0x8];
	[sflag:s15] =	ssyncadd.s32 @p0 $0xFFFFE3E0;
	s15 =	sshrl.u32 @!p0 s7, $0x3  }
0xac: {  	[hbm:s13], [sflag:s8] =	dma.local @!p0 [spmem:s15], $0x2D00  }
0xad: {  	_ =	swait.ge @!p0 [sflag:s21], $0x2D00  }
0xae: {  	[sflag:s21] =	ssyncset.done @!p0 $0x0  }
0xaf: {  	[sflag:s21] =	ssyncadd.s32 @!p0 $0xFFFFD300  }
0xb0: {  	[bflag:$0x0] =	sbarrier.arrive $0xFFFF  }
0xb1: {  	[spmem:s16], [sflag:s8] =	dma.local [hbm:s6], $0x900  }
0xb2: {  	_ =	swait.ge [sflag:s26], $0x900  }
0xb3: {  	[sflag:s26] =	ssyncset.done $0x0  }
0xb4: {  	[sflag:s26] =	ssyncadd.s32 $0xFFFFF700  }
0xb5: {  	[spmem:s17], [sflag:s8] =	dma.local [hbm:s6], $0x900  }
0xb6: {  	_ =	swait.ge [sflag:s26], $0x900  }
0xb7: {  	[sflag:s26] =	ssyncset.done $0x0  }
0xb8: {  	[sflag:s26] =	ssyncadd.s32 $0xFFFFF700  }
0xb9: {  	[spmem:s18], [sflag:s8] =	dma.local [hbm:s6], $0x900  }
0xba: {  	_ =	swait.ge [sflag:s26], $0x900  }
0xbb: {  	[sflag:s26] =	ssyncset.done $0x0  }
0xbc: {  	[sflag:s26] =	ssyncadd.s32 $0xFFFFF700  }
0xbd: {  	[spmem:s20], [sflag:s8] =	dma.local [hbm:s6], $0x900  }
0xbe: {  	_ =	swait.ge [sflag:s26], $0x900  }
0xbf: {  	[sflag:s26] =	ssyncset.done $0x0  }
0xc0: {  	[sflag:s26] =	ssyncadd.s32 $0xFFFFF700  }
0xc1: {  	[spmem:s22], [sflag:s8] =	dma.local [hbm:s6], $0x900  }
.Ltmp6:
0xc2: {  	_ =	swait.ge [sflag:s26], $0x900;
	(pc) =	sbr.rel .LBB2_6-.Ltmp6, $4  }
0xc3: {  	[sflag:s26] =	ssyncset.done $0x0  }
0xc4: {  	[sflag:s26] =	ssyncadd.s32 $0xFFFFF700  }
0xc5: {  	[bflag:$0x0] =	sbarrier.arrive $0xFFFF  }
0xc6: {  	s23 =	simm.s32 $0x0;
	s21 =	smov.u32 s24  }
.LBB2_8:
0xc7: {  	s23 =	sadd.s32 $0x100, s23  }
0xc8: {  	p1 =	sne.s32 s23, $0x4F00  }
.Ltmp7:
0xc9: {  	_ = 	snop;
	(pc) =	sbr.rel @!p1 .LBB2_9-.Ltmp7, $2  }
0xca: {  	_ =	sdelay $0x2  }
0xcb: {  	s21 =	sadd.s32 $0x20, s21  }
.LBB2_6:
0xcc: {  	p1 =	sgt.u32 s21, $0x9C3  }
.Ltmp8:
0xcd: {  	_ = 	snop;
	(pc) =	sbr.rel @p1 .LBB2_8-.Ltmp8, $1  }
0xce: {  	_ =	sdelay $0x3  }
0xcf: {  	s13 =	sadd.s32 s23, s25  }
0xd0: {  	[tilespmem:s1], [sflag:$0x4] =	stream.linear.gather [hbm4b:s13+s1], $0x40, $0x38;
	[tilespmem:$0x1ED00] =	vst v63  }
0xd1: {  	_ =	swait.ge [sflag:s26], $0x40  }
0xd2: {  	[sflag:s26] =	ssyncset.done $0x0  }
0xd3: {  	s13 =	sadd.s32 s23, s19;
	[sflag:s26] =	ssyncadd.s32 $0xFFFFFFC0  }
0xd4: {  	[tilespmem:s28], [sflag:$0x4] =	stream.linear.gather [hbm4b:s13+s1], $0x40, $0x38;
	[tilespmem:$0x1ED00] =	vst v63  }
0xd5: {  	_ =	swait.ge [sflag:s26], $0x40  }
0xd6: {  	[sflag:s26] =	ssyncset.done $0x0  }
0xd7: {  	[sflag:s26] =	ssyncadd.s32 $0xFFFFFFC0  }
0xd8: {  	v0 =	vld [tilespmem:$0x40]  }
0xd9: {  	v1 =	vld [tilespmem:$0x0]  }
0xda: {  	v2 =	vld [tilespmem:$0x50]  }
0xdb: {  	v3 =	vld [tilespmem:$0x10]  }
0xdc: {  	v4 =	vld [tilespmem:$0x60]  }
0xdd: {  	v5 =	vld [tilespmem:$0x20];
	v0 =	vshll.u32 v0, $0x2  }
0xde: {  	v6 =	vld [tilespmem:$0x70];
	v1 =	vshll.u32 v1, $0x2;
	v0 =	vor.u32 $0x1, v0  }
0xdf: {  	v13 =	vld [tilespmem:$0x30];
	v12 =	vshll.u32 v2, $0x2;
	v11 =	vor.u32 $0x1, v1;
	[tilespmem:$0x80] =	vst v0  }
0xe0: {  	v15 =	vshll.u32 v3, $0x2;
	v14 =	vor.u32 $0x1, v12;
	[tilespmem:$0xC0] =	vst v11  }
0xe1: {  	v17 =	vshll.u32 v4, $0x2;
	v16 =	vor.u32 $0x1, v15;
	[tilespmem:$0x90] =	vst v14  }
0xe2: {  	v19 =	vshll.u32 v5, $0x2;
	v18 =	vor.u32 $0x1, v17;
	[tilespmem:$0xD0] =	vst v16  }
0xe3: {  	v21 =	vshll.u32 v6, $0x2;
	v20 =	vor.u32 $0x1, v19;
	[tilespmem:$0xA0] =	vst v18  }
0xe4: {  	v23 =	vshll.u32 v13, $0x2;
	v22 =	vor.u32 $0x1, v21;
	[tilespmem:$0xE0] =	vst v20  }
0xe5: {  	v24 =	vor.u32 $0x1, v23;
	[tilespmem:$0xB0] =	vst v22  }
0xe6: {  	[tilespmem:$0xF0] =	vst v24  }
0xe7: {  	[tilespmem:s30], [sflag:$0x1] =	stream.indirect.gather [hbm4b:s3+s28], $0x80, s29, s28, $0xb8;
	[tilespmem:$0x1ED00] =	vst v63  }
0xe8: {  	_ = 	snop  }
0xe9: {  	[tilespmem:s0], [sflag:$0x2] =	stream.indirect.gather [hbm4b:s4+s28], $0x80, s31, s28, $0xb8;
	[tilespmem:$0x1ED00] =	vst v63  }
0xea: {  	_ = 	snop  }
0xeb: {  	[tilespmem:s2], [sflag:$0x3] =	stream.indirect.gather [hbm4b:s5+s28], $0x80, s31, s28, $0xb8;
	[tilespmem:$0x1ED00] =	vst v63  }
0xec: {  	_ =	swait.ge [sflag:s9], $0x2000  }
0xed: {  	[sflag:s9] =	ssyncset.done $0x0  }
0xee: {  	[sflag:s9] =	ssyncadd.s32 $0xFFFFE000  }
0xef: {  	_ =	swait.ge [sflag:s10], $0x2000  }
0xf0: {  	[sflag:s10] =	ssyncset.done $0x0  }
0xf1: {  	[sflag:s10] =	ssyncadd.s32 $0xFFFFE000  }
0xf2: {  	_ =	swait.ge [sflag:s11], $0x2000  }
0xf3: {  	[sflag:s11] =	ssyncset.done $0x0  }
0xf4: {  	[sflag:s11] =	ssyncadd.s32 $0xFFFFE000  }
0xf5: {  	v25 =	vld [tilespmem:$0x100]  }
0xf6: {  	v26 =	vld [tilespmem:$0x2100]  }
0xf7: {  	v27 =	vld [tilespmem:$0x110]  }
0xf8: {  	v28 =	vld [tilespmem:$0x2110]  }
0xf9: {  	v29 =	vld [tilespmem:$0x120]  }
0xfa: {  	v30 =	vld [tilespmem:$0x2120]  }
0xfb: {  	v31 =	vld [tilespmem:$0x130]  }
0xfc: {  	v7 =	vld [tilespmem:$0x2130]  }
0xfd: {  	v8 =	vld [tilespmem:$0x140]  }
0xfe: {  	v9 =	vld [tilespmem:$0x2140]  }
0xff: {  	v10 =	vld [tilespmem:$0x150]  }
0x100: {  	v11 =	vld [tilespmem:$0x2150]  }
0x101: {  	v12 =	vld [tilespmem:$0x160]  }
0x102: {  	v13 =	vld [tilespmem:$0x2160]  }
0x103: {  	v14 =	vld [tilespmem:$0x170];
	v0 =	vmul.f32 v26, v25;
	v32 =	vmul.f32 v28, v27  }
0x104: {  	v33 =	vld [tilespmem:$0x2170];
	v34 =	vmul.f32 v30, v29;
	v35 =	vmul.f32 v7, v31;
	_ =	sdelay $0x1  }
0x105: {  	v0 =	vadd.f32 v32, v0;
	v36 =	vadd.f32 v35, v34;
	_ =	sdelay $0x1  }
0x106: {  	v37 =	vmul.f32 v9, v8;
	v38 =	vmul.f32 v11, v10;
	v0 =	vadd.f32 v36, v0  }
0x107: {  	v39 =	vmul.f32 v13, v12;
	v2 =	vmul.f32 v33, v14  }
0x108: {  	(xrf2) =	vadd.scan.msk.f32 $0xffff, v0  }
0x109: {  	v40 =	vadd.f32 v38, v37;
	v41 =	vadd.f32 v2, v39;
	_ =	sdelay $0x1  }
0x10a: {  	v0 =	vadd.f32 v41, v40;
	_ =	sdelay $0x1  }
0x10b: {  	(xrf2) =	vadd.scan.msk.f32 $0xffff, v0;
	_ =	sdelay $0x4  }
0x10c: {  	v42, _, _ =	vpop (xrf2)  }
0x10d: {  	(v2sf) =	vpush v42, $0xF;
	_ =	sdelay $0x3  }
0x10e: {  	v43, _, _ =	vpop (xrf2)  }
0x10f: {  	(v2sf) =	vpush v43, $0xF;
	_ =	sdelay $0x9  }
0x110: {  	s13 =	spop (v2sf)  }
0x111: {  	s13 =	smul.f32 $1.250000000e-01, s13;
	_ =	sdelay $0x1  }
0x112: {  	v44 =	vmov s13  }
0x113: {  	v0 =	vmul.f32 $1.442695020e+00, v44  }
0x114: {  	s13 =	spop (v2sf)  }
0x115: {  	s13 =	smul.f32 $1.250000000e-01, s13;
	v0 =	vbroadcast v0, $0x0;
	_ =	sdelay $0x1  }
0x116: {  	v45 =	vmov s13;
	(erf) = vpow2.f32 v0  }
0x117: {  	v46 =	vmul.f32 $1.442695020e+00, v45;
	_ =	sdelay $0x1  }
0x118: {  	v0 =	vbroadcast v46, $0x0;
	_ =	sdelay $0x1  }
0x119: {  	v47 =	vld [tilespmem:$0x4100];
	(erf) = vpow2.f32 v0  }
0x11a: {  	v48 =	vld [tilespmem:$0x4110]  }
0x11b: {  	v49 =	vld [tilespmem:$0x4120]  }
0x11c: {  	v50 =	vld [tilespmem:$0x4130]  }
0x11d: {  	v51 =	vpop (erf)  }
0x11e: {  	v52 =	vld [tilespmem:$0x4140];
	v0 =	vmul.f32 v51, v47  }
0x11f: {  	v53 =	vld [tilespmem:$0x4150];
	v1 =	vmul.f32 v51, v48  }
0x120: {  	v54 =	vld [tilespmem:$0x4160];
	v55 =	vmul.f32 v49, v51;
	[tilespmem:$0x6100] =	vst v0  }
0x121: {  	v56 =	vld [tilespmem:$0x4170];
	v58 =	vmul.f32 v50, v51;
	[tilespmem:$0x6110] =	vst v1  }
0x122: {  	v57 =	vpop (erf);
	[tilespmem:$0x6120] =	vst v55  }
0x123: {  	[tilespmem:$0x6130] =	vst v58;
	v59 =	vmul.f32 v57, v52;
	v63 =	vsel vm0, v51, v57  }
.Ltmp9:
0x124: {  	v60 =	vmul.f32 v57, v53;
	[tilespmem:$0x6180] =	vst v63;
	(pc) =	sbr.rel .LBB2_8-.Ltmp9, $4  }
0x125: {  	v61 =	vmul.f32 v54, v57;
	[tilespmem:$0x6140] =	vst v59  }
0x126: {  	v62 =	vmul.f32 v56, v57;
	[tilespmem:$0x6150] =	vst v60  }
0x127: {  	[tilespmem:$0x6160] =	vst v61  }
0x128: {  	[tilespmem:$0x6170] =	vst v62  }
.LBB2_9:
0x129: {  	[bflag:$0x0] =	sbarrier.arrive $0xFFFF  }
0x12a: {  	s13 =	rddreg [dreg:$0xc]  }
0x12b: {  	[hbm:s13], [sflag:s8] =	dma.local @p0 [spmem:s14], $0x1C20  }
0x12c: {  	s13 =	simm.s32 @p0 $0x4  }
0x12d: {  	_ =	swait.ge @p0 [sflag:s13], $0x1C20  }
0x12e: {  	[sflag:s13] =	ssyncset.done @p0 $0x0  }
0x12f: {  	[sflag:s13] =	ssyncadd.s32 @p0 $0xFFFFE3E0;
	s13 =	rddreg [dreg:$0xb]  }
0x130: {  	[hbm:s13], [sflag:s8] =	dma.local @!p0 [spmem:s15], $0x2D00  }
0x131: {  	s13 =	simm.s32 @!p0 $0x4  }
0x132: {  	_ =	swait.ge @!p0 [sflag:s13], $0x2D00  }
0x133: {  	[sflag:s13] =	ssyncset.done @!p0 $0x0  }
0x134: {  	[sflag:s13] =	ssyncadd.s32 @!p0 $0xFFFFD300  }
0x135: {  	[bflag:$0x0] =	sbarrier.arrive $0xFFFF  }
0x136: {  	[spmem:s16], [sflag:s8] =	dma.local [hbm:s6], $0x900  }
0x137: {  	_ =	swait.ge [sflag:s26], $0x900  }
0x138: {  	[sflag:s26] =	ssyncset.done $0x0  }
0x139: {  	[sflag:s26] =	ssyncadd.s32 $0xFFFFF700  }
0x13a: {  	[spmem:s17], [sflag:s8] =	dma.local [hbm:s6], $0x900  }
0x13b: {  	_ =	swait.ge [sflag:s26], $0x900  }
0x13c: {  	[sflag:s26] =	ssyncset.done $0x0  }
0x13d: {  	[sflag:s26] =	ssyncadd.s32 $0xFFFFF700  }
0x13e: {  	[spmem:s18], [sflag:s8] =	dma.local [hbm:s6], $0x900  }
0x13f: {  	_ =	swait.ge [sflag:s26], $0x900  }
0x140: {  	[sflag:s26] =	ssyncset.done $0x0  }
0x141: {  	[sflag:s26] =	ssyncadd.s32 $0xFFFFF700  }
0x142: {  	[spmem:s20], [sflag:s8] =	dma.local [hbm:s6], $0x900  }
0x143: {  	_ =	swait.ge [sflag:s26], $0x900  }
0x144: {  	[sflag:s26] =	ssyncset.done $0x0  }
0x145: {  	[sflag:s26] =	ssyncadd.s32 $0xFFFFF700  }
0x146: {  	[spmem:s22], [sflag:s8] =	dma.local [hbm:s6], $0x900  }
.Ltmp10:
0x147: {  	_ =	swait.ge [sflag:s26], $0x900;
	(pc) =	sbr.rel .LBB2_10-.Ltmp10, $4  }
0x148: {  	[sflag:s26] =	ssyncset.done $0x0  }
0x149: {  	[sflag:s26] =	ssyncadd.s32 $0xFFFFF700  }
0x14a: {  	[bflag:$0x0] =	sbarrier.arrive $0xFFFF  }
0x14b: {  	s23 =	simm.s32 $0x0;
	s21 =	smov.u32 s24  }
.LBB2_12:
0x14c: {  	s23 =	sadd.s32 $0x100, s23  }
0x14d: {  	p1 =	sne.s32 s23, $0x4F00  }
.Ltmp11:
0x14e: {  	_ = 	snop;
	(pc) =	sbr.rel @!p1 .LBB2_13-.Ltmp11, $2  }
0x14f: {  	_ =	sdelay $0x2  }
0x150: {  	s21 =	sadd.s32 $0x20, s21  }
.LBB2_10:
0x151: {  	p1 =	sgt.u32 s21, $0x9C3  }
.Ltmp12:
0x152: {  	_ = 	snop;
	(pc) =	sbr.rel @p1 .LBB2_12-.Ltmp12, $1  }
0x153: {  	_ =	sdelay $0x3  }
0x154: {  	s13 =	sadd.s32 s23, s25  }
0x155: {  	[tilespmem:s1], [sflag:$0x4] =	stream.linear.gather [hbm4b:s13+s1], $0x40, $0x38;
	[tilespmem:$0x1ED00] =	vst v63  }
0x156: {  	_ =	swait.ge [sflag:s26], $0x40  }
0x157: {  	[sflag:s26] =	ssyncset.done $0x0  }
0x158: {  	s13 =	sadd.s32 s23, s19;
	[sflag:s26] =	ssyncadd.s32 $0xFFFFFFC0  }
0x159: {  	[tilespmem:s28], [sflag:$0x4] =	stream.linear.gather [hbm4b:s13+s1], $0x40, $0x38;
	[tilespmem:$0x1ED00] =	vst v63  }
0x15a: {  	_ =	swait.ge [sflag:s26], $0x40  }
0x15b: {  	[sflag:s26] =	ssyncset.done $0x0  }
0x15c: {  	[sflag:s26] =	ssyncadd.s32 $0xFFFFFFC0  }
0x15d: {  	v0 =	vld [tilespmem:$0x40]  }
0x15e: {  	v1 =	vld [tilespmem:$0x0]  }
0x15f: {  	v2 =	vld [tilespmem:$0x50]  }
0x160: {  	v3 =	vld [tilespmem:$0x10]  }
0x161: {  	v4 =	vld [tilespmem:$0x60]  }
0x162: {  	v5 =	vld [tilespmem:$0x20];
	v0 =	vshll.u32 v0, $0x2  }
0x163: {  	v6 =	vld [tilespmem:$0x70];
	v1 =	vshll.u32 v1, $0x2;
	v0 =	vor.u32 $0x2, v0  }
0x164: {  	v13 =	vld [tilespmem:$0x30];
	v12 =	vshll.u32 v2, $0x2;
	v11 =	vor.u32 $0x2, v1;
	[tilespmem:$0x80] =	vst v0  }
0x165: {  	v15 =	vshll.u32 v3, $0x2;
	v14 =	vor.u32 $0x2, v12;
	[tilespmem:$0xC0] =	vst v11  }
0x166: {  	v17 =	vshll.u32 v4, $0x2;
	v16 =	vor.u32 $0x2, v15;
	[tilespmem:$0x90] =	vst v14  }
0x167: {  	v19 =	vshll.u32 v5, $0x2;
	v18 =	vor.u32 $0x2, v17;
	[tilespmem:$0xD0] =	vst v16  }
0x168: {  	v21 =	vshll.u32 v6, $0x2;
	v20 =	vor.u32 $0x2, v19;
	[tilespmem:$0xA0] =	vst v18  }
0x169: {  	v23 =	vshll.u32 v13, $0x2;
	v22 =	vor.u32 $0x2, v21;
	[tilespmem:$0xE0] =	vst v20  }
0x16a: {  	v24 =	vor.u32 $0x2, v23;
	[tilespmem:$0xB0] =	vst v22  }
0x16b: {  	[tilespmem:$0xF0] =	vst v24  }
0x16c: {  	[tilespmem:s30], [sflag:$0x1] =	stream.indirect.gather [hbm4b:s3+s28], $0x80, s29, s28, $0xb8;
	[tilespmem:$0x1ED00] =	vst v63  }
0x16d: {  	_ = 	snop  }
0x16e: {  	[tilespmem:s0], [sflag:$0x2] =	stream.indirect.gather [hbm4b:s4+s28], $0x80, s31, s28, $0xb8;
	[tilespmem:$0x1ED00] =	vst v63  }
0x16f: {  	_ = 	snop  }
0x170: {  	[tilespmem:s2], [sflag:$0x3] =	stream.indirect.gather [hbm4b:s5+s28], $0x80, s31, s28, $0xb8;
	[tilespmem:$0x1ED00] =	vst v63  }
0x171: {  	_ =	swait.ge [sflag:s9], $0x2000  }
0x172: {  	[sflag:s9] =	ssyncset.done $0x0  }
0x173: {  	[sflag:s9] =	ssyncadd.s32 $0xFFFFE000  }
0x174: {  	_ =	swait.ge [sflag:s10], $0x2000  }
0x175: {  	[sflag:s10] =	ssyncset.done $0x0  }
0x176: {  	[sflag:s10] =	ssyncadd.s32 $0xFFFFE000  }
0x177: {  	_ =	swait.ge [sflag:s11], $0x2000  }
0x178: {  	[sflag:s11] =	ssyncset.done $0x0  }
0x179: {  	[sflag:s11] =	ssyncadd.s32 $0xFFFFE000  }
0x17a: {  	v25 =	vld [tilespmem:$0x100]  }
0x17b: {  	v26 =	vld [tilespmem:$0x2100]  }
0x17c: {  	v27 =	vld [tilespmem:$0x110]  }
0x17d: {  	v28 =	vld [tilespmem:$0x2110]  }
0x17e: {  	v29 =	vld [tilespmem:$0x120]  }
0x17f: {  	v30 =	vld [tilespmem:$0x2120]  }
0x180: {  	v31 =	vld [tilespmem:$0x130]  }
0x181: {  	v7 =	vld [tilespmem:$0x2130]  }
0x182: {  	v8 =	vld [tilespmem:$0x140]  }
0x183: {  	v9 =	vld [tilespmem:$0x2140]  }
0x184: {  	v10 =	vld [tilespmem:$0x150]  }
0x185: {  	v11 =	vld [tilespmem:$0x2150]  }
0x186: {  	v12 =	vld [tilespmem:$0x160]  }
0x187: {  	v13 =	vld [tilespmem:$0x2160]  }
0x188: {  	v14 =	vld [tilespmem:$0x170];
	v0 =	vmul.f32 v26, v25;
	v32 =	vmul.f32 v28, v27  }
0x189: {  	v33 =	vld [tilespmem:$0x2170];
	v34 =	vmul.f32 v30, v29;
	v35 =	vmul.f32 v7, v31;
	_ =	sdelay $0x1  }
0x18a: {  	v0 =	vadd.f32 v32, v0;
	v36 =	vadd.f32 v35, v34;
	_ =	sdelay $0x1  }
0x18b: {  	v37 =	vmul.f32 v9, v8;
	v38 =	vmul.f32 v11, v10;
	v0 =	vadd.f32 v36, v0  }
0x18c: {  	v39 =	vmul.f32 v13, v12;
	v2 =	vmul.f32 v33, v14  }
0x18d: {  	(xrf2) =	vadd.scan.msk.f32 $0xffff, v0  }
0x18e: {  	v40 =	vadd.f32 v38, v37;
	v41 =	vadd.f32 v2, v39;
	_ =	sdelay $0x1  }
0x18f: {  	v0 =	vadd.f32 v41, v40;
	_ =	sdelay $0x1  }
0x190: {  	(xrf2) =	vadd.scan.msk.f32 $0xffff, v0;
	_ =	sdelay $0x4  }
0x191: {  	v42, _, _ =	vpop (xrf2)  }
0x192: {  	(v2sf) =	vpush v42, $0xF;
	_ =	sdelay $0x3  }
0x193: {  	v43, _, _ =	vpop (xrf2)  }
0x194: {  	(v2sf) =	vpush v43, $0xF;
	_ =	sdelay $0x9  }
0x195: {  	s13 =	spop (v2sf)  }
0x196: {  	s13 =	smul.f32 $1.250000000e-01, s13;
	_ =	sdelay $0x1  }
0x197: {  	v44 =	vmov s13  }
0x198: {  	v0 =	vmul.f32 $1.442695020e+00, v44  }
0x199: {  	s13 =	spop (v2sf)  }
0x19a: {  	s13 =	smul.f32 $1.250000000e-01, s13;
	v0 =	vbroadcast v0, $0x0;
	_ =	sdelay $0x1  }
0x19b: {  	v45 =	vmov s13;
	(erf) = vpow2.f32 v0  }
0x19c: {  	v46 =	vmul.f32 $1.442695020e+00, v45;
	_ =	sdelay $0x1  }
0x19d: {  	v0 =	vbroadcast v46, $0x0;
	_ =	sdelay $0x1  }
0x19e: {  	v47 =	vld [tilespmem:$0x4100];
	(erf) = vpow2.f32 v0  }
0x19f: {  	v48 =	vld [tilespmem:$0x4110]  }
0x1a0: {  	v49 =	vld [tilespmem:$0x4120]  }
0x1a1: {  	v50 =	vld [tilespmem:$0x4130]  }
0x1a2: {  	v51 =	vpop (erf)  }
0x1a3: {  	v52 =	vld [tilespmem:$0x4140];
	v0 =	vmul.f32 v51, v47  }
0x1a4: {  	v53 =	vld [tilespmem:$0x4150];
	v1 =	vmul.f32 v51, v48  }
0x1a5: {  	v54 =	vld [tilespmem:$0x4160];
	v55 =	vmul.f32 v49, v51;
	[tilespmem:$0x6100] =	vst v0  }
0x1a6: {  	v56 =	vld [tilespmem:$0x4170];
	v58 =	vmul.f32 v50, v51;
	[tilespmem:$0x6110] =	vst v1  }
0x1a7: {  	v57 =	vpop (erf);
	[tilespmem:$0x6120] =	vst v55  }
0x1a8: {  	[tilespmem:$0x6130] =	vst v58;
	v59 =	vmul.f32 v57, v52;
	v63 =	vsel vm0, v51, v57  }
.Ltmp13:
0x1a9: {  	v60 =	vmul.f32 v57, v53;
	[tilespmem:$0x6180] =	vst v63;
	(pc) =	sbr.rel .LBB2_12-.Ltmp13, $4  }
0x1aa: {  	v61 =	vmul.f32 v54, v57;
	[tilespmem:$0x6140] =	vst v59  }
0x1ab: {  	v62 =	vmul.f32 v56, v57;
	[tilespmem:$0x6150] =	vst v60  }
0x1ac: {  	[tilespmem:$0x6160] =	vst v61  }
0x1ad: {  	[tilespmem:$0x6170] =	vst v62  }
.LBB2_13:
0x1ae: {  	[bflag:$0x0] =	sbarrier.arrive $0xFFFF  }
0x1af: {  	s13 =	rddreg [dreg:$0xe]  }
0x1b0: {  	[hbm:s13], [sflag:s8] =	dma.local @p0 [spmem:s14], $0x1C20  }
0x1b1: {  	s13 =	simm.s32 @p0 $0x4  }
0x1b2: {  	_ =	swait.ge @p0 [sflag:s13], $0x1C20  }
0x1b3: {  	[sflag:s13] =	ssyncset.done @p0 $0x0  }
0x1b4: {  	[sflag:s13] =	ssyncadd.s32 @p0 $0xFFFFE3E0;
	s13 =	rddreg [dreg:$0xd]  }
0x1b5: {  	[hbm:s13], [sflag:s8] =	dma.local @!p0 [spmem:s15], $0x2D00  }
0x1b6: {  	s13 =	simm.s32 @!p0 $0x4  }
0x1b7: {  	_ =	swait.ge @!p0 [sflag:s13], $0x2D00  }
0x1b8: {  	[sflag:s13] =	ssyncset.done @!p0 $0x0  }
0x1b9: {  	[sflag:s13] =	ssyncadd.s32 @!p0 $0xFFFFD300  }
0x1ba: {  	[bflag:$0x0] =	sbarrier.arrive $0xFFFF  }
0x1bb: {  	[spmem:s16], [sflag:s8] =	dma.local [hbm:s6], $0x900  }
0x1bc: {  	_ =	swait.ge [sflag:s26], $0x900  }
0x1bd: {  	[sflag:s26] =	ssyncset.done $0x0  }
0x1be: {  	[sflag:s26] =	ssyncadd.s32 $0xFFFFF700  }
0x1bf: {  	[spmem:s17], [sflag:s8] =	dma.local [hbm:s6], $0x900  }
0x1c0: {  	_ =	swait.ge [sflag:s26], $0x900  }
0x1c1: {  	[sflag:s26] =	ssyncset.done $0x0  }
0x1c2: {  	[sflag:s26] =	ssyncadd.s32 $0xFFFFF700  }
0x1c3: {  	[spmem:s18], [sflag:s8] =	dma.local [hbm:s6], $0x900  }
0x1c4: {  	_ =	swait.ge [sflag:s26], $0x900  }
0x1c5: {  	[sflag:s26] =	ssyncset.done $0x0  }
0x1c6: {  	[sflag:s26] =	ssyncadd.s32 $0xFFFFF700  }
0x1c7: {  	[spmem:s20], [sflag:s8] =	dma.local [hbm:s6], $0x900  }
0x1c8: {  	_ =	swait.ge [sflag:s26], $0x900  }
0x1c9: {  	[sflag:s26] =	ssyncset.done $0x0  }
0x1ca: {  	[sflag:s26] =	ssyncadd.s32 $0xFFFFF700  }
0x1cb: {  	[spmem:s22], [sflag:s8] =	dma.local [hbm:s6], $0x900  }
.Ltmp14:
0x1cc: {  	_ =	swait.ge [sflag:s26], $0x900;
	(pc) =	sbr.rel .LBB2_14-.Ltmp14, $4  }
0x1cd: {  	[sflag:s26] =	ssyncset.done $0x0  }
0x1ce: {  	[sflag:s26] =	ssyncadd.s32 $0xFFFFF700  }
0x1cf: {  	[bflag:$0x0] =	sbarrier.arrive $0xFFFF  }
0x1d0: {  	s16 =	simm.s32 $0x0;
	s17 =	smov.u32 s24  }
.LBB2_16:
0x1d1: {  	s16 =	sadd.s32 $0x100, s16  }
0x1d2: {  	p1 =	sne.s32 s16, $0x4F00  }
.Ltmp15:
0x1d3: {  	_ = 	snop;
	(pc) =	sbr.rel @!p1 .LBB2_17-.Ltmp15, $2  }
0x1d4: {  	_ =	sdelay $0x2  }
0x1d5: {  	s17 =	sadd.s32 $0x20, s17  }
.LBB2_14:
0x1d6: {  	p1 =	sgt.u32 s17, $0x9C3  }
.Ltmp16:
0x1d7: {  	_ = 	snop;
	(pc) =	sbr.rel @p1 .LBB2_16-.Ltmp16, $1  }
0x1d8: {  	_ =	sdelay $0x3  }
0x1d9: {  	s13 =	sadd.s32 s16, s25  }
0x1da: {  	[tilespmem:s1], [sflag:$0x4] =	stream.linear.gather [hbm4b:s13+s1], $0x40, $0x38;
	[tilespmem:$0x1ED00] =	vst v63  }
0x1db: {  	_ =	swait.ge [sflag:s26], $0x40  }
0x1dc: {  	[sflag:s26] =	ssyncset.done $0x0  }
0x1dd: {  	s21 =	sadd.s32 s16, s19;
	[sflag:s26] =	ssyncadd.s32 $0xFFFFFFC0  }
0x1de: {  	[tilespmem:s28], [sflag:$0x4] =	stream.linear.gather [hbm4b:s21+s1], $0x40, $0x38;
	[tilespmem:$0x1ED00] =	vst v63  }
0x1df: {  	_ =	swait.ge [sflag:s26], $0x40  }
0x1e0: {  	[sflag:s26] =	ssyncset.done $0x0  }
0x1e1: {  	[sflag:s26] =	ssyncadd.s32 $0xFFFFFFC0  }
0x1e2: {  	v0 =	vld [tilespmem:$0x40]  }
0x1e3: {  	v1 =	vld [tilespmem:$0x0]  }
0x1e4: {  	v2 =	vld [tilespmem:$0x50]  }
0x1e5: {  	v3 =	vld [tilespmem:$0x10]  }
0x1e6: {  	v4 =	vld [tilespmem:$0x60]  }
0x1e7: {  	v5 =	vld [tilespmem:$0x20];
	v0 =	vshll.u32 v0, $0x2  }
0x1e8: {  	v6 =	vld [tilespmem:$0x70];
	v1 =	vshll.u32 v1, $0x2;
	v0 =	vor.u32 $0x3, v0  }
0x1e9: {  	v13 =	vld [tilespmem:$0x30];
	v12 =	vshll.u32 v2, $0x2;
	v11 =	vor.u32 $0x3, v1;
	[tilespmem:$0x80] =	vst v0  }
0x1ea: {  	v15 =	vshll.u32 v3, $0x2;
	v14 =	vor.u32 $0x3, v12;
	[tilespmem:$0xC0] =	vst v11  }
0x1eb: {  	v17 =	vshll.u32 v4, $0x2;
	v16 =	vor.u32 $0x3, v15;
	[tilespmem:$0x90] =	vst v14  }
0x1ec: {  	v19 =	vshll.u32 v5, $0x2;
	v18 =	vor.u32 $0x3, v17;
	[tilespmem:$0xD0] =	vst v16  }
0x1ed: {  	v21 =	vshll.u32 v6, $0x2;
	v20 =	vor.u32 $0x3, v19;
	[tilespmem:$0xA0] =	vst v18  }
0x1ee: {  	v23 =	vshll.u32 v13, $0x2;
	v22 =	vor.u32 $0x3, v21;
	[tilespmem:$0xE0] =	vst v20  }
0x1ef: {  	v24 =	vor.u32 $0x3, v23;
	[tilespmem:$0xB0] =	vst v22  }
0x1f0: {  	[tilespmem:$0xF0] =	vst v24  }
0x1f1: {  	[tilespmem:s30], [sflag:$0x1] =	stream.indirect.gather [hbm4b:s3+s28], $0x80, s29, s28, $0xb8;
	[tilespmem:$0x1ED00] =	vst v63  }
0x1f2: {  	_ = 	snop  }
0x1f3: {  	[tilespmem:s0], [sflag:$0x2] =	stream.indirect.gather [hbm4b:s4+s28], $0x80, s31, s28, $0xb8;
	[tilespmem:$0x1ED00] =	vst v63  }
0x1f4: {  	_ = 	snop  }
0x1f5: {  	[tilespmem:s2], [sflag:$0x3] =	stream.indirect.gather [hbm4b:s5+s28], $0x80, s31, s28, $0xb8;
	[tilespmem:$0x1ED00] =	vst v63  }
0x1f6: {  	_ =	swait.ge [sflag:s9], $0x2000  }
0x1f7: {  	[sflag:s9] =	ssyncset.done $0x0  }
0x1f8: {  	[sflag:s9] =	ssyncadd.s32 $0xFFFFE000  }
0x1f9: {  	_ =	swait.ge [sflag:s10], $0x2000  }
0x1fa: {  	[sflag:s10] =	ssyncset.done $0x0  }
0x1fb: {  	[sflag:s10] =	ssyncadd.s32 $0xFFFFE000  }
0x1fc: {  	_ =	swait.ge [sflag:s11], $0x2000  }
0x1fd: {  	[sflag:s11] =	ssyncset.done $0x0  }
0x1fe: {  	[sflag:s11] =	ssyncadd.s32 $0xFFFFE000  }
0x1ff: {  	v25 =	vld [tilespmem:$0x100]  }
0x200: {  	v26 =	vld [tilespmem:$0x2100]  }
0x201: {  	v27 =	vld [tilespmem:$0x110]  }
0x202: {  	v28 =	vld [tilespmem:$0x2110]  }
0x203: {  	v29 =	vld [tilespmem:$0x120]  }
0x204: {  	v30 =	vld [tilespmem:$0x2120]  }
0x205: {  	v31 =	vld [tilespmem:$0x130]  }
0x206: {  	v7 =	vld [tilespmem:$0x2130]  }
0x207: {  	v8 =	vld [tilespmem:$0x140]  }
0x208: {  	v9 =	vld [tilespmem:$0x2140]  }
0x209: {  	v10 =	vld [tilespmem:$0x150]  }
0x20a: {  	v11 =	vld [tilespmem:$0x2150]  }
0x20b: {  	v12 =	vld [tilespmem:$0x160]  }
0x20c: {  	v13 =	vld [tilespmem:$0x2160]  }
0x20d: {  	v14 =	vld [tilespmem:$0x170];
	v0 =	vmul.f32 v26, v25;
	v32 =	vmul.f32 v28, v27  }
0x20e: {  	v33 =	vld [tilespmem:$0x2170];
	v34 =	vmul.f32 v30, v29;
	v35 =	vmul.f32 v7, v31;
	_ =	sdelay $0x1  }
0x20f: {  	v0 =	vadd.f32 v32, v0;
	v36 =	vadd.f32 v35, v34;
	_ =	sdelay $0x1  }
0x210: {  	v37 =	vmul.f32 v9, v8;
	v38 =	vmul.f32 v11, v10;
	v0 =	vadd.f32 v36, v0  }
0x211: {  	v39 =	vmul.f32 v13, v12;
	v2 =	vmul.f32 v33, v14  }
0x212: {  	(xrf2) =	vadd.scan.msk.f32 $0xffff, v0  }
0x213: {  	v40 =	vadd.f32 v38, v37;
	v41 =	vadd.f32 v2, v39;
	_ =	sdelay $0x1  }
0x214: {  	v0 =	vadd.f32 v41, v40;
	_ =	sdelay $0x1  }
0x215: {  	(xrf2) =	vadd.scan.msk.f32 $0xffff, v0;
	_ =	sdelay $0x4  }
0x216: {  	v42, _, _ =	vpop (xrf2)  }
0x217: {  	(v2sf) =	vpush v42, $0xF;
	_ =	sdelay $0x3  }
0x218: {  	v43, _, _ =	vpop (xrf2)  }
0x219: {  	(v2sf) =	vpush v43, $0xF;
	_ =	sdelay $0x9  }
0x21a: {  	s22 =	spop (v2sf)  }
0x21b: {  	s13 =	smul.f32 $1.250000000e-01, s22;
	_ =	sdelay $0x1  }
0x21c: {  	v44 =	vmov s13  }
0x21d: {  	v0 =	vmul.f32 $1.442695020e+00, v44  }
0x21e: {  	s23 =	spop (v2sf)  }
0x21f: {  	s13 =	smul.f32 $1.250000000e-01, s23;
	v0 =	vbroadcast v0, $0x0;
	_ =	sdelay $0x1  }
0x220: {  	v45 =	vmov s13;
	(erf) = vpow2.f32 v0  }
0x221: {  	v46 =	vmul.f32 $1.442695020e+00, v45;
	_ =	sdelay $0x1  }
0x222: {  	v0 =	vbroadcast v46, $0x0;
	_ =	sdelay $0x1  }
0x223: {  	v47 =	vld [tilespmem:$0x4100];
	(erf) = vpow2.f32 v0  }
0x224: {  	v48 =	vld [tilespmem:$0x4110]  }
0x225: {  	v49 =	vld [tilespmem:$0x4120]  }
0x226: {  	v50 =	vld [tilespmem:$0x4130]  }
0x227: {  	v51 =	vpop (erf)  }
0x228: {  	v52 =	vld [tilespmem:$0x4140];
	v0 =	vmul.f32 v51, v47  }
0x229: {  	v53 =	vld [tilespmem:$0x4150];
	v1 =	vmul.f32 v51, v48  }
0x22a: {  	v54 =	vld [tilespmem:$0x4160];
	v55 =	vmul.f32 v49, v51;
	[tilespmem:$0x6100] =	vst v0  }
0x22b: {  	v56 =	vld [tilespmem:$0x4170];
	v58 =	vmul.f32 v50, v51;
	[tilespmem:$0x6110] =	vst v1  }
0x22c: {  	v57 =	vpop (erf);
	[tilespmem:$0x6120] =	vst v55  }
0x22d: {  	v59 =	vmul.f32 v57, v52;
	[tilespmem:$0x6130] =	vst v58;
	v63 =	vsel vm0, v51, v57  }
.Ltmp17:
0x22e: {  	v60 =	vmul.f32 v57, v53;
	[tilespmem:$0x6180] =	vst v63;
	(pc) =	sbr.rel .LBB2_16-.Ltmp17, $4  }
0x22f: {  	v61 =	vmul.f32 v54, v57;
	[tilespmem:$0x6140] =	vst v59  }
0x230: {  	v62 =	vmul.f32 v56, v57;
	[tilespmem:$0x6150] =	vst v60  }
0x231: {  	[tilespmem:$0x6160] =	vst v61  }
0x232: {  	[tilespmem:$0x6170] =	vst v62  }
.LBB2_18:
0x233: {  	_ =	sfence.sel $0x180000  }
0x234: {  	[bflag:$0x0] =	sbarrier.arrive $0xFFFF  }
0x235: {  	_ =	strace $0x90000047  }
0x236: {  	s0 =	stileid.u32;
	[bflag:$0x2] =	sbarrier.arrive $0xFFFF  }
0x237: {  	p0 =	sne.s32 s0, $0x0;
	s0 =	rddreg [dreg:$0x3]  }
0x238: {  	s0 =	sadd.s32 @!p0 $0x100000, s0  }
0x239: {  	[sflag:s0] =	ssyncadd.tile.s32 @!p0 $0x1;
	_ =	shalt  }
.Lfunc_end2:
_tile_overlayer_lowered:
.L_overlay_start_2:
0x23a: {  	(tag) =	ssettag $0x2  }
0x23b: {  	s0 =	rddreg [dreg:$0x0];
	s2 =	stileid.u32  }
0x23c: {  	s1 =	rddreg [dreg:$0x1];
	p0 =	sne.s32 s2, $0x0  }
0x23d: {  	s3 =	rddreg [dreg:$0x2];
	[bflag:$0x3] =	sbarrier.arrive $0xFFFF;
	s2 =	simm.s32 @!p0 $0x1C04  }
0x23e: {  	[timem:s3], [sflag:s2] =	dma.local @!p0 [hbm:s0], s1  }
0x23f: {  	s0 =	simm.s32 @!p0 $0x4  }
0x240: {  	_ =	swait.ge @!p0 [sflag:s0], s1  }
0x241: {  	s1 =	ssub.s32 @!p0 $0x0, s1;
	[sflag:s0] =	ssyncset.done @!p0 $0x0  }
0x242: {  	[sflag:s0] =	ssyncadd.s32 @!p0 s1  }
0x243: {  	[bflag:$0x3] =	sbarrier.arrive $0xFFFF  }
0x244: {  	_ =	shalt  }

</sc_bundles>
